<compile_context>
chip_gen: v7x
topology: tpu7x:2x2x1
jax: 0.10.2.dev20260603
libtpu: 0.0.44.dev20260713+nightly
codegen_flags: <defaults>
</compile_context>

<pallas_src>
import functools

import jax
import jax.numpy as jnp
from jax import lax
from jax.experimental import pallas as pl
from jax.experimental.pallas import tpu as pltpu
from jax.experimental.pallas import tpu_sc as plsc

N = 10000
E = 320000
R = 34
D = 128
G = 64

NC = 2
NS = 16
NW = NC * NS

CH = 128
NCHUNK = 80
EP = NW * NCHUNK * CH
N8 = 10240
ROWS_PER_TILE = N8 // NS

BN = 400
NB = N // BN



def _relmm_body(h_ref, w_ref, out_ref):
    h = h_ref[...]
    for r in range(R):
        out_ref[r] = jnp.dot(h, w_ref[r], preferred_element_type=jnp.float32,
                             precision=lax.Precision.HIGHEST)


def _rel_matmul(h, W_rel):
    out = pl.pallas_call(
        _relmm_body,
        grid=(NB,),
        in_specs=[
            pl.BlockSpec((BN, D), lambda i: (i, 0)),
            pl.BlockSpec((R, D, D), lambda i: (0, 0, 0)),
        ],
        out_specs=pl.BlockSpec((R, BN, D), lambda i: (0, i, 0)),
        out_shape=jax.ShapeDtypeStruct((R, N, D), jnp.float32),
    )(h, W_rel)
    return out.reshape(R * N, D)



def _gidx_body(src_ref, ety_ref, out_ref):
    out_ref[...] = ety_ref[...] * N + src_ref[...]


def _gidx_compute(srcF, etyF):
    return pl.pallas_call(
        _gidx_body,
        grid=(EP // 8192,),
        in_specs=[
            pl.BlockSpec((8, 1024), lambda i: (i, 0)),
            pl.BlockSpec((8, 1024), lambda i: (i, 0)),
        ],
        out_specs=pl.BlockSpec((8, 1024), lambda i: (i, 0)),
        out_shape=jax.ShapeDtypeStruct((EP // 1024, 1024), jnp.int32),
    )(srcF.reshape(EP // 1024, 1024), etyF.reshape(EP // 1024, 1024))



GRP = 16


def _sc_deg_body(dst_hbm, deg_hbm, dv, zbd, ones, degS):
    cid = lax.axis_index("c")
    sid = lax.axis_index("s")
    wid = sid * NC + cid
    base = sid * ROWS_PER_TILE

    zero16 = jnp.zeros((16,), jnp.float32)

    def _zbd(i, _):
        zbd[i // 8, pl.ds((i % 8) * 16, 16)] = zero16
        return 0
    lax.fori_loop(0, 128, _zbd, 0)

    def _ones(i, _):
        ones[i // 8, pl.ds((i % 8) * 16, 16)] = jnp.ones((16,), jnp.float32)
        return 0
    lax.fori_loop(0, CH * 8, _ones, 0)

    def _zd(k, _):
        pltpu.sync_copy(zbd, degS.at[pl.ds(base + k * 16, 16)])
        return 0
    lax.fori_loop(0, ROWS_PER_TILE // 16, _zd, 0)

    plsc.subcore_barrier()

    def _group(g, _):
        pltpu.sync_copy(dst_hbm.at[wid, pl.ds(g * GRP, GRP)], dv)

        def _edge(j, _):
            pltpu.sync_copy(ones, degS.at[dv.at[j]], add=True)
            return 0
        lax.fori_loop(0, GRP, _edge, 0)
        return 0
    lax.fori_loop(0, NCHUNK // GRP, _group, 0)

    plsc.subcore_barrier()

    pltpu.sync_copy(degS.at[pl.ds(base, ROWS_PER_TILE)],
                    deg_hbm.at[cid, pl.ds(base, ROWS_PER_TILE)])


def _sc_deg_pass(dstR):
    mesh = plsc.VectorSubcoreMesh(core_axis_name="c", subcore_axis_name="s")
    k = pl.kernel(
        _sc_deg_body,
        out_type=jax.ShapeDtypeStruct((NC, N8, D), jnp.float32),
        mesh=mesh,
        scratch_types=[
            pltpu.VMEM((GRP, CH), jnp.int32),
            pltpu.VMEM((16, D), jnp.float32),
            pltpu.VMEM((CH, D), jnp.float32),
            pltpu.VMEM_SHARED((N8, D), jnp.float32),
        ],
    )
    return k(dstR)


def _sc_edge_body(*refs):
    (hw_hbm, gix_hbm, dst_hbm, agg_hbm,
     gv, dv, rowsA, rowsB, zb, aggS, semA, semB) = refs

    cid = lax.axis_index("c")
    sid = lax.axis_index("s")
    wid = sid * NC + cid
    base = sid * ROWS_PER_TILE

    zero16 = jnp.zeros((16,), jnp.float32)

    def _zb(i, _):
        zb[i // 8, pl.ds((i % 8) * 16, 16)] = zero16
        return 0
    lax.fori_loop(0, 128, _zb, 0)

    def _za(k, _):
        pltpu.sync_copy(zb, aggS.at[pl.ds(base + k * 16, 16)])
        return 0
    lax.fori_loop(0, ROWS_PER_TILE // 16, _za, 0)

    plsc.subcore_barrier()

    def _group(g, _):
        pltpu.sync_copy(gix_hbm.at[wid, pl.ds(g * GRP, GRP)], gv)
        pltpu.sync_copy(dst_hbm.at[wid, pl.ds(g * GRP, GRP)], dv)
        pltpu.async_copy(hw_hbm.at[gv.at[0]], rowsA, semA)

        def _pair(p, _):
            j0 = 2 * p
            j1 = 2 * p + 1
            pltpu.make_async_copy(hw_hbm.at[gv.at[j0]], rowsA, semA).wait()
            pltpu.async_copy(hw_hbm.at[gv.at[j1]], rowsB, semB)
            pltpu.sync_copy(rowsA, aggS.at[dv.at[j0]], add=True)
            pltpu.make_async_copy(hw_hbm.at[gv.at[j1]], rowsB, semB).wait()

            @pl.when(p < GRP // 2 - 1)
            def _prefetch():
                pltpu.async_copy(hw_hbm.at[gv.at[j1 + 1]], rowsA, semA)

            pltpu.sync_copy(rowsB, aggS.at[dv.at[j1]], add=True)
            return 0
        lax.fori_loop(0, GRP // 2, _pair, 0)
        return 0
    lax.fori_loop(0, NCHUNK // GRP, _group, 0)

    plsc.subcore_barrier()

    pltpu.sync_copy(aggS.at[pl.ds(base, ROWS_PER_TILE)],
                    agg_hbm.at[cid, pl.ds(base, ROWS_PER_TILE)])


def _sc_edge_pass(hW, gixR, dstR):
    mesh = plsc.VectorSubcoreMesh(core_axis_name="c", subcore_axis_name="s")
    k = pl.kernel(
        _sc_edge_body,
        out_type=jax.ShapeDtypeStruct((NC, N8, D), jnp.float32),
        mesh=mesh,
        scratch_types=[
            pltpu.VMEM((GRP, CH), jnp.int32),
            pltpu.VMEM((GRP, CH), jnp.int32),
            pltpu.VMEM((CH, D), jnp.float32),
            pltpu.VMEM((CH, D), jnp.float32),
            pltpu.VMEM((16, D), jnp.float32),
            pltpu.VMEM_SHARED((N8, D), jnp.float32),
            pltpu.SemaphoreType.DMA,
            pltpu.SemaphoreType.DMA,
        ],
    )
    return k(hW, gixR, dstR)



def _combine_body(agg_ref, deg_ref, h_ref, w_ref, b_ref, out_ref):
    a = agg_ref[0] + agg_ref[1]
    d = deg_ref[0, :, 0] + deg_ref[1, :, 0]
    inv = 1.0 / jnp.maximum(d, 1.0)
    m = a * inv[:, None]
    s = jnp.dot(h_ref[...], w_ref[...], preferred_element_type=jnp.float32,
                precision=lax.Precision.HIGHEST)
    out_ref[...] = jnp.maximum(m + s + b_ref[...], 0.0)


def _combine(agg, deg, h, W_self, b):
    return pl.pallas_call(
        _combine_body,
        grid=(NB,),
        in_specs=[
            pl.BlockSpec((NC, BN, D), lambda i: (0, i, 0)),
            pl.BlockSpec((NC, BN, D), lambda i: (0, i, 0)),
            pl.BlockSpec((BN, D), lambda i: (i, 0)),
            pl.BlockSpec((D, D), lambda i: (0, 0)),
            pl.BlockSpec((1, D), lambda i: (0, 0)),
        ],
        out_specs=pl.BlockSpec((BN, D), lambda i: (i, 0)),
        out_shape=jax.ShapeDtypeStruct((N, D), jnp.float32),
    )(agg, deg, h, W_self, b)



def _readout_body(agg_ref, deg_ref, h_ref, w_ref, b_ref, ids_ref,
                  wc1_ref, bc1_ref, wc2_ref, bc2_ref, out_ref,
                  pooled_s, cnt_s):
    i = pl.program_id(0)

    @pl.when(i == 0)
    def _init():
        pooled_s[...] = jnp.zeros((G, D), jnp.float32)
        cnt_s[...] = jnp.zeros((G, 128), jnp.float32)

    a = agg_ref[0] + agg_ref[1]
    d = deg_ref[0, :, 0] + deg_ref[1, :, 0]
    inv = 1.0 / jnp.maximum(d, 1.0)
    m = a * inv[:, None]
    s = jnp.dot(h_ref[...], w_ref[...], preferred_element_type=jnp.float32,
                precision=lax.Precision.HIGHEST)
    h2 = jnp.maximum(m + s + b_ref[...], 0.0)

    ids = ids_ref[0, 0, :]
    gi = lax.broadcasted_iota(jnp.int32, (G, BN), 0)
    mask = (ids[None, :] == gi).astype(jnp.float32)
    pooled_s[...] += jnp.dot(mask, h2, preferred_element_type=jnp.float32,
                             precision=lax.Precision.HIGHEST)
    cnt_s[:, 0:1] += jnp.sum(mask, axis=1, keepdims=True)

    @pl.when(i == NB - 1)
    def _final():
        cnt = jnp.maximum(cnt_s[:, 0:1], 1.0)
        pooled = pooled_s[...] / cnt
        hid = jnp.maximum(
            jnp.dot(pooled, wc1_ref[...], preferred_element_type=jnp.float32,
                    precision=lax.Precision.HIGHEST)
            + bc1_ref[...], 0.0)
        logits = jnp.sum(hid * wc2_ref[...], axis=1, keepdims=True) + bc2_ref[...]
        out_ref[...] = logits


def _readout(agg, deg, h, W_self, b, ids3, Wc1, bc1, wc2row, bc2):
    return pl.pallas_call(
        _readout_body,
        grid=(NB,),
        in_specs=[
            pl.BlockSpec((NC, BN, D), lambda i: (0, i, 0)),
            pl.BlockSpec((NC, BN, D), lambda i: (0, i, 0)),
            pl.BlockSpec((BN, D), lambda i: (i, 0)),
            pl.BlockSpec((D, D), lambda i: (0, 0)),
            pl.BlockSpec((1, D), lambda i: (0, 0)),
            pl.BlockSpec((1, 1, BN), lambda i: (i, 0, 0)),
            pl.BlockSpec((D, D), lambda i: (0, 0)),
            pl.BlockSpec((1, D), lambda i: (0, 0)),
            pl.BlockSpec((1, D), lambda i: (0, 0)),
            pl.BlockSpec((1, 1), lambda i: (0, 0)),
        ],
        out_specs=pl.BlockSpec((G, 1), lambda i: (0, 0)),
        out_shape=jax.ShapeDtypeStruct((G, 1), jnp.float32),
        scratch_shapes=[
            pltpu.VMEM((G, D), jnp.float32),
            pltpu.VMEM((G, 128), jnp.float32),
        ],
    )(agg, deg, h, W_self, b, ids3, Wc1, bc1, wc2row, bc2)



def kernel(feat, edge_index, edge_type, node_graph_ids,
           W_rel1, W_self1, b1, W_rel2, W_self2, b2,
           Wc1, bc1, Wc2, bc2):
    src = edge_index[0].astype(jnp.int32)
    dst = edge_index[1].astype(jnp.int32)
    ety = edge_type.astype(jnp.int32)

    pad = EP - E
    srcF = jnp.concatenate([src, jnp.zeros((pad,), jnp.int32)])
    etyF = jnp.concatenate([ety, jnp.zeros((pad,), jnp.int32)])
    dstR = jnp.concatenate([dst, jnp.full((pad,), N, jnp.int32)]
                           ).reshape(NW, NCHUNK, CH)
    gixR = _gidx_compute(srcF, etyF).reshape(NW, NCHUNK, CH)
    ids3 = node_graph_ids.astype(jnp.int32).reshape(NB, 1, BN)

    b1r = b1.reshape(1, D)
    b2r = b2.reshape(1, D)
    bc1r = bc1.reshape(1, D)
    wc2row = Wc2.reshape(1, D)
    bc2r = bc2.reshape(1, 1)

    deg = _sc_deg_pass(dstR)
    hW1 = _rel_matmul(feat, W_rel1)
    agg1 = _sc_edge_pass(hW1, gixR, dstR)
    h1 = _combine(agg1, deg, feat, W_self1, b1r)

    hW2 = _rel_matmul(h1, W_rel2)
    agg2 = _sc_edge_pass(hW2, gixR, dstR)
    logits = _readout(agg2, deg, h1, W_self2, b2r, ids3, Wc1, bc1r,
                      wc2row, bc2r)
    return logits

# --- scband reference (transcript-rebuilt; emitter-appended) ---
"""Pipeline reference for scband-prov-graph-classifier-79714593014420 (READ-ONLY COPY).

The authoritative reference and input builder live on the scoring server;
editing this copy changes nothing except your own understanding.
"""

import jax, jax.numpy as jnp
import numpy as np

N = 10000   # nodes
E = 320000  # edges
R = 34      # relations (len(PROVGRAPH_RELATIONS))
D = 128     # feat_dim == embed_dim
G = 64      # number of graphs in the batch (readout segments)
C = 1       # num_classes


def setup_inputs(seed: int = 0) -> dict:
    key = jax.random.key(seed)
    ks = jax.random.split(key, 16)
    feat = jax.random.normal(ks[0], (N, D), dtype=jnp.float32)
    edge_index = jax.random.randint(ks[1], (2, E), 0, N, dtype=jnp.int64)
    edge_type = jax.random.randint(ks[2], (E,), 0, R, dtype=jnp.int64)
    node_graph_ids = jnp.sort(jax.random.randint(ks[3], (N,), 0, G, dtype=jnp.int64))
    s = 1.0 / np.sqrt(D)
    # RGCN layer 1 params
    W_rel1 = jax.random.normal(ks[4], (R, D, D), dtype=jnp.float32) * s
    W_self1 = jax.random.normal(ks[5], (D, D), dtype=jnp.float32) * s
    b1 = jnp.zeros((D,), dtype=jnp.float32)
    # RGCN layer 2 params
    W_rel2 = jax.random.normal(ks[6], (R, D, D), dtype=jnp.float32) * s
    W_self2 = jax.random.normal(ks[7], (D, D), dtype=jnp.float32) * s
    b2 = jnp.zeros((D,), dtype=jnp.float32)
    # MLPClassifier params: Linear(D,D) -> ReLU -> Linear(D,1)
    Wc1 = jax.random.normal(ks[8], (D, D), dtype=jnp.float32) * s
    bc1 = jnp.zeros((D,), dtype=jnp.float32)
    Wc2 = jax.random.normal(ks[9], (D, C), dtype=jnp.float32) * s
    bc2 = jnp.zeros((C,), dtype=jnp.float32)
    return {
        "feat": feat, "edge_index": edge_index, "edge_type": edge_type,
        "node_graph_ids": node_graph_ids,
        "W_rel1": W_rel1, "W_self1": W_self1, "b1": b1,
        "W_rel2": W_rel2, "W_self2": W_self2, "b2": b2,
        "Wc1": Wc1, "bc1": bc1, "Wc2": Wc2, "bc2": bc2,
    }


def _rgcn_layer(h, src, dst, etype, W_rel, W_self, b):
    # per-relation linear transform of all node feats: [R, N, D]
    hW = jnp.einsum('nd,rde->rne', h, W_rel)
    # per-edge message: gather transformed source feature for the edge's relation
    msgs = hW[etype, src]  # [E, D]
    # mean aggregation over incoming edges per destination node
    agg = jax.ops.segment_sum(msgs, dst, num_segments=h.shape[0])
    deg = jax.ops.segment_sum(jnp.ones((src.shape[0],), h.dtype), dst,
                              num_segments=h.shape[0])
    mean = agg / jnp.clip(deg, 1.0, None)[:, None]
    # self-loop + bias + activation
    return jax.nn.relu(mean + h @ W_self + b)


def reference(feat, edge_index, edge_type, node_graph_ids,
              W_rel1, W_self1, b1, W_rel2, W_self2, b2,
              Wc1, bc1, Wc2, bc2):
    src = edge_index[0]
    dst = edge_index[1]
    h = _rgcn_layer(feat, src, dst, edge_type, W_rel1, W_self1, b1)
    h = _rgcn_layer(h, src, dst, edge_type, W_rel2, W_self2, b2)
    # AvgPooling readout over each graph in the batched graph
    pooled = jax.ops.segment_sum(h, node_graph_ids, num_segments=G)
    counts = jax.ops.segment_sum(jnp.ones((h.shape[0],), h.dtype),
                                 node_graph_ids, num_segments=G)
    pooled = pooled / jnp.clip(counts, 1.0, None)[:, None]
    # MLPClassifier
    hidden = jax.nn.relu(pooled @ Wc1 + bc1)
    logits = hidden @ Wc2 + bc2
    return logits  # [G, 1]

if __name__ == "__main__":
    import jax
    _d = setup_inputs()
    print(jax.jit(kernel)(*tuple(_d.values())))

</pallas_src>

<mosaic_0001>
#map = affine_map<(d0, d1) -> (0, 0)>
#map1 = affine_map<(d0, d1) -> (0, 0, 0)>
module attributes {stable_mosaic.version = 14 : i64} {
  func.func @_sc_edge_body(%arg0: i32, %arg1: i32, %arg2: memref<340000x128xf32, #tpu.memory_space<hbm>>, %arg3: memref<32x80x128xi32, #tpu.memory_space<hbm>>, %arg4: memref<32x80x128xi32, #tpu.memory_space<hbm>>, %arg5: memref<2x10240x128xf32, #tpu.memory_space<hbm>>, %arg6: memref<16x128xi32, #tpu.memory_space<vmem>>, %arg7: memref<16x128xi32, #tpu.memory_space<vmem>>, %arg8: memref<128x128xf32, #tpu.memory_space<vmem>>, %arg9: memref<128x128xf32, #tpu.memory_space<vmem>>, %arg10: memref<16x128xf32, #tpu.memory_space<vmem>>, %arg11: memref<10240x128xf32, #tpu.memory_space<vmem_shared>>, %arg12: memref<!tpu.dma_semaphore, #tpu.memory_space<semaphore_mem>>, %arg13: memref<!tpu.dma_semaphore, #tpu.memory_space<semaphore_mem>>) attributes {dimension_semantics = [#tpu.dimension_semantics<core_parallel>, #tpu.dimension_semantics<subcore_parallel>], iteration_bounds = array<i64: 2, 16>, scalar_prefetch = 0 : i64, scratch_operands = 8 : i64, tpu.core_type = #tpu.core_type<sc_vector_subcore>, window_params = [{transform_indices = #map}, {transform_indices = #map1}, {transform_indices = #map1}, {transform_indices = #map1}]} {
    %mul3A = arith.constant 2 : i32
    %mul3A_0 = arith.muli %arg1, %mul3A : i32
    %add3A = arith.addi %mul3A_0, %arg0 : i32
    %mul3A_1 = arith.constant 640 : i32
    %mul3A_2 = arith.muli %arg1, %mul3A_1 : i32
    %broadcast_in_dim3A = arith.constant 0.000000e+00 : f32
    %broadcast_in_dim3A_3 = vector.broadcast %broadcast_in_dim3A : f32 to vector<16xf32>
    %scan3A = arith.constant 0 : i32
    %scan3A_4 = arith.constant 0 : i32
    %scan3A_5 = arith.constant 128 : i32
    %scan3A_6 = arith.addi %scan3A_4, %scan3A_5 : i32
    %scan3A_7 = arith.constant 1 : i32
    %scan3A_8 = scf.for %scan3A_25 = %scan3A_4 to %scan3A_6 step %scan3A_7 iter_args(%scan3A_26 = %scan3A) -> (i32)  : i32 {
      %jit3A = arith.constant 8 : i32
      %div3A = arith.divsi %scan3A_25, %jit3A : i32
      %sign3A = arith.constant 0 : i32
      %sign3A_27 = arith.cmpi sgt, %scan3A_25, %sign3A : i32
      %sign3A_28 = arith.extui %sign3A_27 : i1 to i32
      %sign3A_29 = arith.constant 0 : i32
      %sign3A_30 = arith.cmpi slt, %scan3A_25, %sign3A_29 : i32
      %sign3A_31 = arith.extui %sign3A_30 : i1 to i32
      %sign3A_32 = arith.subi %sign3A_28, %sign3A_31 : i32
      %sign3A_33 = arith.constant 0 : i32
      %sign3A_34 = arith.cmpi sgt, %jit3A, %sign3A_33 : i32
      %sign3A_35 = arith.extui %sign3A_34 : i1 to i32
      %sign3A_36 = arith.constant 0 : i32
      %sign3A_37 = arith.cmpi slt, %jit3A, %sign3A_36 : i32
      %sign3A_38 = arith.extui %sign3A_37 : i1 to i32
      %sign3A_39 = arith.subi %sign3A_35, %sign3A_38 : i32
      %ne3A = arith.cmpi ne, %sign3A_32, %sign3A_39 : i32
      %rem3A = arith.remsi %scan3A_25, %jit3A : i32
      %ne3A_40 = arith.constant 0 : i32
      %ne3A_41 = arith.cmpi ne, %rem3A, %ne3A_40 : i32
      %and3A = arith.andi %ne3A, %ne3A_41 : i1
      %sub3A = arith.constant 1 : i32
      %sub3A_42 = arith.subi %div3A, %sub3A : i32
      %select_n3A = arith.select %and3A, %sub3A_42, %div3A : i32
      %jit3A_43 = arith.constant 8 : i32
      %eq3A = arith.constant 0 : i32
      %eq3A_44 = arith.cmpi eq, %jit3A_43, %eq3A : i32
      %jit3A_45 = arith.constant 1 : i32
      %select_n3A_46 = arith.select %eq3A_44, %jit3A_45, %jit3A_43 : i32
      %rem3A_47 = arith.remsi %scan3A_25, %select_n3A_46 : i32
      %ne3A_48 = arith.constant 0 : i32
      %ne3A_49 = arith.cmpi ne, %rem3A_47, %ne3A_48 : i32
      %lt3A = arith.constant 0 : i32
      %lt3A_50 = arith.cmpi slt, %rem3A_47, %lt3A : i32
      %lt3A_51 = arith.constant 0 : i32
      %lt3A_52 = arith.cmpi slt, %select_n3A_46, %lt3A_51 : i32
      %ne3A_53 = arith.xori %lt3A_50, %lt3A_52 : i1
      %and3A_54 = arith.andi %ne3A_53, %ne3A_49 : i1
      %add3A_55 = arith.addi %rem3A_47, %select_n3A_46 : i32
      %select_n3A_56 = arith.select %and3A_54, %add3A_55, %rem3A_47 : i32
      %mul3A_57 = arith.constant 16 : i32
      %mul3A_58 = arith.muli %select_n3A_56, %mul3A_57 : i32
      %swap3A = arith.index_cast %select_n3A : i32 to index
      %swap3A_59 = arith.index_cast %mul3A_58 : i32 to index
      %swap3A_60 = tpu.vector_load %arg10[%swap3A, %swap3A_59] {strides = array<i32>} : memref<16x128xf32, #tpu.memory_space<vmem>>, vector<1x16xf32>,
      %swap3A_61 = vector.shape_cast %swap3A_60 : vector<1x16xf32> to vector<16xf32>
      %swap3A_62 = vector.shape_cast %broadcast_in_dim3A_3 : vector<16xf32> to vector<1x16xf32>
      tpu.vector_store %arg10[%swap3A, %swap3A_59], %swap3A_62 {strides = array<i32>} : memref<16x128xf32, #tpu.memory_space<vmem>>, vector<1x16xf32>,
      %scan3A_63 = arith.constant 0 : i32
      scf.yield %scan3A_63 : i32
    }
    %scan3A_9 = arith.constant 128 : i32
    %scan3A_10 = arith.constant 0 : i32
    %scan3A_11 = arith.constant 0 : i32
    %scan3A_12 = arith.constant 40 : i32
    %scan3A_13 = arith.addi %scan3A_11, %scan3A_12 : i32
    %scan3A_14 = arith.constant 1 : i32
    %scan3A_15 = scf.for %scan3A_25 = %scan3A_11 to %scan3A_13 step %scan3A_14 iter_args(%scan3A_26 = %scan3A_10) -> (i32)  : i32 {
      %mul3A_27 = arith.constant 16 : i32
      %mul3A_28 = arith.muli %scan3A_25, %mul3A_27 : i32
      %add3A_29 = arith.addi %mul3A_2, %mul3A_28 : i32
      "tpu.region"() ({
        %run_scoped3A = tpu.sem_alloc : memref<!tpu.dma_semaphore, #tpu.memory_space<semaphore_mem>>
        %dma_start3A = arith.constant 0 : i32
        %dma_start3A_31 = tpu.memref_slice %arg11[%add3A_29, %dma_start3A] : memref<10240x128xf32, #tpu.memory_space<vmem_shared>> -> memref<16x128xf32, #tpu.memory_space<vmem_shared>>
        %dma_start3A_32 = arith.constant 0 : i32
        %dma_start3A_33 = tpu.memref_slice %arg11[%add3A_29, %dma_start3A_32] : memref<10240x128xf32, #tpu.memory_space<vmem_shared>> -> memref<16x128xf32, #tpu.memory_space<vmem_shared>>
        tpu.enqueue_dma source(%arg10 : memref<16x128xf32, #tpu.memory_space<vmem>>) target(%dma_start3A_33 : memref<16x128xf32, #tpu.memory_space<vmem_shared>>) target_semaphore(%run_scoped3A : memref<!tpu.dma_semaphore, #tpu.memory_space<semaphore_mem>>)
        %dma_wait3A = arith.constant 0 : i32
        %dma_wait3A_34 = tpu.memref_slice %arg11[%add3A_29, %dma_wait3A] : memref<10240x128xf32, #tpu.memory_space<vmem_shared>> -> memref<16x128xf32, #tpu.memory_space<vmem_shared>>
        %dma_wait3A_35 = arith.constant 0 : i32
        %dma_wait3A_36 = tpu.memref_slice %arg11[%add3A_29, %dma_wait3A_35] : memref<10240x128xf32, #tpu.memory_space<vmem_shared>> -> memref<16x128xf32, #tpu.memory_space<vmem_shared>>
        tpu.wait_dma2 semaphore(%run_scoped3A : memref<!tpu.dma_semaphore, #tpu.memory_space<semaphore_mem>>) src(%arg10 : memref<16x128xf32, #tpu.memory_space<vmem>>) dst(%dma_wait3A_36 : memref<16x128xf32, #tpu.memory_space<vmem_shared>>)
        tpu.yield
      }) : () -> ()
      %scan3A_30 = arith.constant 0 : i32
      scf.yield %scan3A_30 : i32
    }
    %scan3A_16 = arith.constant 40 : i32
    %barrier3A = arith.constant 0 : index
    tpu.barrier barrier_id(%barrier3A)
    %scan3A_17 = arith.constant 0 : i32
    %scan3A_18 = arith.constant 0 : i32
    %scan3A_19 = arith.constant 5 : i32
    %scan3A_20 = arith.addi %scan3A_18, %scan3A_19 : i32
    %scan3A_21 = arith.constant 1 : i32
    %scan3A_22 = scf.for %scan3A_25 = %scan3A_18 to %scan3A_20 step %scan3A_21 iter_args(%scan3A_26 = %scan3A_17) -> (i32)  : i32 {
      %mul3A_27 = arith.constant 16 : i32
      %mul3A_28 = arith.muli %scan3A_25, %mul3A_27 : i32
      "tpu.region"() ({
        %run_scoped3A = tpu.sem_alloc : memref<!tpu.dma_semaphore, #tpu.memory_space<semaphore_mem>>
        %dma_start3A_45 = arith.constant 0 : i32
        %dma_start3A_46 = tpu.memref_slice %arg3[%add3A, %mul3A_28, %dma_start3A_45] : memref<32x80x128xi32, #tpu.memory_space<hbm>> -> memref<1x16x128xi32, #tpu.memory_space<hbm>>
        %dma_start3A_47 = tpu.memref_squeeze %dma_start3A_46 : memref<1x16x128xi32, #tpu.memory_space<hbm>> -> memref<16x128xi32, #tpu.memory_space<hbm>>
        %dma_start3A_48 = arith.constant 0 : i32
        %dma_start3A_49 = tpu.memref_slice %arg3[%add3A, %mul3A_28, %dma_start3A_48] : memref<32x80x128xi32, #tpu.memory_space<hbm>> -> memref<1x16x128xi32, #tpu.memory_space<hbm>>
        %dma_start3A_50 = tpu.memref_squeeze %dma_start3A_49 : memref<1x16x128xi32, #tpu.memory_space<hbm>> -> memref<16x128xi32, #tpu.memory_space<hbm>>
        tpu.enqueue_dma source(%dma_start3A_50 : memref<16x128xi32, #tpu.memory_space<hbm>>) target(%arg6 : memref<16x128xi32, #tpu.memory_space<vmem>>) target_semaphore(%run_scoped3A : memref<!tpu.dma_semaphore, #tpu.memory_space<semaphore_mem>>)
        %dma_wait3A = arith.constant 0 : i32
        %dma_wait3A_51 = tpu.memref_slice %arg3[%add3A, %mul3A_28, %dma_wait3A] : memref<32x80x128xi32, #tpu.memory_space<hbm>> -> memref<1x16x128xi32, #tpu.memory_space<hbm>>
        %dma_wait3A_52 = tpu.memref_squeeze %dma_wait3A_51 : memref<1x16x128xi32, #tpu.memory_space<hbm>> -> memref<16x128xi32, #tpu.memory_space<hbm>>
        %dma_wait3A_53 = arith.constant 0 : i32
        %dma_wait3A_54 = tpu.memref_slice %arg3[%add3A, %mul3A_28, %dma_wait3A_53] : memref<32x80x128xi32, #tpu.memory_space<hbm>> -> memref<1x16x128xi32, #tpu.memory_space<hbm>>
        %dma_wait3A_55 = tpu.memref_squeeze %dma_wait3A_54 : memref<1x16x128xi32, #tpu.memory_space<hbm>> -> memref<16x128xi32, #tpu.memory_space<hbm>>
        tpu.wait_dma2 semaphore(%run_scoped3A : memref<!tpu.dma_semaphore, #tpu.memory_space<semaphore_mem>>) src(%dma_wait3A_55 : memref<16x128xi32, #tpu.memory_space<hbm>>) dst(%arg6 : memref<16x128xi32, #tpu.memory_space<vmem>>)
        tpu.yield
      }) : () -> ()
      %mul3A_29 = arith.constant 16 : i32
      %mul3A_30 = arith.muli %scan3A_25, %mul3A_29 : i32
      "tpu.region"() ({
        %run_scoped3A = tpu.sem_alloc : memref<!tpu.dma_semaphore, #tpu.memory_space<semaphore_mem>>
        %dma_start3A_45 = arith.constant 0 : i32
        %dma_start3A_46 = tpu.memref_slice %arg4[%add3A, %mul3A_30, %dma_start3A_45] : memref<32x80x128xi32, #tpu.memory_space<hbm>> -> memref<1x16x128xi32, #tpu.memory_space<hbm>>
        %dma_start3A_47 = tpu.memref_squeeze %dma_start3A_46 : memref<1x16x128xi32, #tpu.memory_space<hbm>> -> memref<16x128xi32, #tpu.memory_space<hbm>>
        %dma_start3A_48 = arith.constant 0 : i32
        %dma_start3A_49 = tpu.memref_slice %arg4[%add3A, %mul3A_30, %dma_start3A_48] : memref<32x80x128xi32, #tpu.memory_space<hbm>> -> memref<1x16x128xi32, #tpu.memory_space<hbm>>
        %dma_start3A_50 = tpu.memref_squeeze %dma_start3A_49 : memref<1x16x128xi32, #tpu.memory_space<hbm>> -> memref<16x128xi32, #tpu.memory_space<hbm>>
        tpu.enqueue_dma source(%dma_start3A_50 : memref<16x128xi32, #tpu.memory_space<hbm>>) target(%arg7 : memref<16x128xi32, #tpu.memory_space<vmem>>) target_semaphore(%run_scoped3A : memref<!tpu.dma_semaphore, #tpu.memory_space<semaphore_mem>>)
        %dma_wait3A = arith.constant 0 : i32
        %dma_wait3A_51 = tpu.memref_slice %arg4[%add3A, %mul3A_30, %dma_wait3A] : memref<32x80x128xi32, #tpu.memory_space<hbm>> -> memref<1x16x128xi32, #tpu.memory_space<hbm>>
        %dma_wait3A_52 = tpu.memref_squeeze %dma_wait3A_51 : memref<1x16x128xi32, #tpu.memory_space<hbm>> -> memref<16x128xi32, #tpu.memory_space<hbm>>
        %dma_wait3A_53 = arith.constant 0 : i32
        %dma_wait3A_54 = tpu.memref_slice %arg4[%add3A, %mul3A_30, %dma_wait3A_53] : memref<32x80x128xi32, #tpu.memory_space<hbm>> -> memref<1x16x128xi32, #tpu.memory_space<hbm>>
        %dma_wait3A_55 = tpu.memref_squeeze %dma_wait3A_54 : memref<1x16x128xi32, #tpu.memory_space<hbm>> -> memref<16x128xi32, #tpu.memory_space<hbm>>
        tpu.wait_dma2 semaphore(%run_scoped3A : memref<!tpu.dma_semaphore, #tpu.memory_space<semaphore_mem>>) src(%dma_wait3A_55 : memref<16x128xi32, #tpu.memory_space<hbm>>) dst(%arg7 : memref<16x128xi32, #tpu.memory_space<vmem>>)
        tpu.yield
      }) : () -> ()
      %dma_start3A = arith.constant 0 : i32
      %dma_start3A_31 = arith.constant 0 : i32
      %dma_start3A_32 = tpu.memref_slice %arg6[%dma_start3A, %dma_start3A_31] : memref<16x128xi32, #tpu.memory_space<vmem>> -> memref<1x128xi32, #tpu.memory_space<vmem>>
      %dma_start3A_33 = tpu.memref_squeeze %dma_start3A_32 : memref<1x128xi32, #tpu.memory_space<vmem>> -> memref<128xi32, #tpu.memory_space<vmem>>
      %dma_start3A_34 = arith.constant 0 : i32
      %dma_start3A_35 = arith.constant 0 : i32
      %dma_start3A_36 = tpu.memref_slice %arg2[%dma_start3A_34, %dma_start3A_35] : memref<340000x128xf32, #tpu.memory_space<hbm>> -> memref<340000x128xf32, #tpu.memory_space<hbm>>
      tpu.enqueue_indirect_dma source(%dma_start3A_36 : memref<340000x128xf32, #tpu.memory_space<hbm>>) target(%arg8 : memref<128x128xf32, #tpu.memory_space<vmem>>) offsets(%dma_start3A_33 : memref<128xi32, #tpu.memory_space<vmem>>) semaphore(%arg12 : memref<!tpu.dma_semaphore, #tpu.memory_space<semaphore_mem>>)
      %scan3A_37 = arith.constant 0 : i32
      %scan3A_38 = arith.constant 0 : i32
      %scan3A_39 = arith.constant 8 : i32
      %scan3A_40 = arith.addi %scan3A_38, %scan3A_39 : i32
      %scan3A_41 = arith.constant 1 : i32
      %scan3A_42 = scf.for %scan3A_45 = %scan3A_38 to %scan3A_40 step %scan3A_41 iter_args(%scan3A_46 = %scan3A_37) -> (i32)  : i32 {
        %mul3A_47 = arith.constant 2 : i32
        %mul3A_48 = arith.muli %mul3A_47, %scan3A_45 : i32
        %mul3A_49 = arith.constant 2 : i32
        %mul3A_50 = arith.muli %mul3A_49, %scan3A_45 : i32
        %add3A_51 = arith.constant 1 : i32
        %add3A_52 = arith.addi %mul3A_50, %add3A_51 : i32
        %dma_wait3A = arith.constant 0 : i32
        %dma_wait3A_53 = tpu.memref_slice %arg6[%mul3A_48, %dma_wait3A] : memref<16x128xi32, #tpu.memory_space<vmem>> -> memref<1x128xi32, #tpu.memory_space<vmem>>
        %dma_wait3A_54 = tpu.memref_squeeze %dma_wait3A_53 : memref<1x128xi32, #tpu.memory_space<vmem>> -> memref<128xi32, #tpu.memory_space<vmem>>
        %dma_wait3A_55 = arith.constant 0 : i32
        %dma_wait3A_56 = arith.constant 0 : i32
        %dma_wait3A_57 = tpu.memref_slice %arg2[%dma_wait3A_55, %dma_wait3A_56] : memref<340000x128xf32, #tpu.memory_space<hbm>> -> memref<340000x128xf32, #tpu.memory_space<hbm>>
        tpu.wait_indirect_dma semaphore(%arg12 : memref<!tpu.dma_semaphore, #tpu.memory_space<semaphore_mem>>) src(%dma_wait3A_57 : memref<340000x128xf32, #tpu.memory_space<hbm>>) dst(%arg8 : memref<128x128xf32, #tpu.memory_space<vmem>>)
        %dma_start3A_58 = arith.constant 0 : i32
        %dma_start3A_59 = tpu.memref_slice %arg6[%add3A_52, %dma_start3A_58] : memref<16x128xi32, #tpu.memory_space<vmem>> -> memref<1x128xi32, #tpu.memory_space<vmem>>
        %dma_start3A_60 = tpu.memref_squeeze %dma_start3A_59 : memref<1x128xi32, #tpu.memory_space<vmem>> -> memref<128xi32, #tpu.memory_space<vmem>>
        %dma_start3A_61 = arith.constant 0 : i32
        %dma_start3A_62 = arith.constant 0 : i32
        %dma_start3A_63 = tpu.memref_slice %arg2[%dma_start3A_61, %dma_start3A_62] : memref<340000x128xf32, #tpu.memory_space<hbm>> -> memref<340000x128xf32, #tpu.memory_space<hbm>>
        tpu.enqueue_indirect_dma source(%dma_start3A_63 : memref<340000x128xf32, #tpu.memory_space<hbm>>) target(%arg9 : memref<128x128xf32, #tpu.memory_space<vmem>>) offsets(%dma_start3A_60 : memref<128xi32, #tpu.memory_space<vmem>>) semaphore(%arg13 : memref<!tpu.dma_semaphore, #tpu.memory_space<semaphore_mem>>)
        "tpu.region"() ({
          %run_scoped3A = tpu.sem_alloc : memref<!tpu.dma_semaphore, #tpu.memory_space<semaphore_mem>>
          %dma_start3A_73 = arith.constant 0 : i32
          %dma_start3A_74 = tpu.memref_slice %arg7[%mul3A_48, %dma_start3A_73] : memref<16x128xi32, #tpu.memory_space<vmem>> -> memref<1x128xi32, #tpu.memory_space<vmem>>
          %dma_start3A_75 = tpu.memref_squeeze %dma_start3A_74 : memref<1x128xi32, #tpu.memory_space<vmem>> -> memref<128xi32, #tpu.memory_space<vmem>>
          %dma_start3A_76 = arith.constant 0 : i32
          %dma_start3A_77 = arith.constant 0 : i32
          %dma_start3A_78 = tpu.memref_slice %arg11[%dma_start3A_76, %dma_start3A_77] : memref<10240x128xf32, #tpu.memory_space<vmem_shared>> -> memref<10240x128xf32, #tpu.memory_space<vmem_shared>>
          tpu.enqueue_indirect_dma source(%arg8 : memref<128x128xf32, #tpu.memory_space<vmem>>) target(%dma_start3A_78 : memref<10240x128xf32, #tpu.memory_space<vmem_shared>>) offsets(%dma_start3A_75 : memref<128xi32, #tpu.memory_space<vmem>>) semaphore(%run_scoped3A : memref<!tpu.dma_semaphore, #tpu.memory_space<semaphore_mem>>) {add = true}
          %dma_wait3A_79 = arith.constant 0 : i32
          %dma_wait3A_80 = tpu.memref_slice %arg7[%mul3A_48, %dma_wait3A_79] : memref<16x128xi32, #tpu.memory_space<vmem>> -> memref<1x128xi32, #tpu.memory_space<vmem>>
          %dma_wait3A_81 = tpu.memref_squeeze %dma_wait3A_80 : memref<1x128xi32, #tpu.memory_space<vmem>> -> memref<128xi32, #tpu.memory_space<vmem>>
          %dma_wait3A_82 = arith.constant 0 : i32
          %dma_wait3A_83 = arith.constant 0 : i32
          %dma_wait3A_84 = tpu.memref_slice %arg11[%dma_wait3A_82, %dma_wait3A_83] : memref<10240x128xf32, #tpu.memory_space<vmem_shared>> -> memref<10240x128xf32, #tpu.memory_space<vmem_shared>>
          tpu.wait_indirect_dma semaphore(%run_scoped3A : memref<!tpu.dma_semaphore, #tpu.memory_space<semaphore_mem>>) src(%arg8 : memref<128x128xf32, #tpu.memory_space<vmem>>) dst(%dma_wait3A_84 : memref<10240x128xf32, #tpu.memory_space<vmem_shared>>)
          tpu.yield
        }) : () -> ()
        %dma_wait3A_64 = arith.constant 0 : i32
        %dma_wait3A_65 = tpu.memref_slice %arg6[%add3A_52, %dma_wait3A_64] : memref<16x128xi32, #tpu.memory_space<vmem>> -> memref<1x128xi32, #tpu.memory_space<vmem>>
        %dma_wait3A_66 = tpu.memref_squeeze %dma_wait3A_65 : memref<1x128xi32, #tpu.memory_space<vmem>> -> memref<128xi32, #tpu.memory_space<vmem>>
        %dma_wait3A_67 = arith.constant 0 : i32
        %dma_wait3A_68 = arith.constant 0 : i32
        %dma_wait3A_69 = tpu.memref_slice %arg2[%dma_wait3A_67, %dma_wait3A_68] : memref<340000x128xf32, #tpu.memory_space<hbm>> -> memref<340000x128xf32, #tpu.memory_space<hbm>>
        tpu.wait_indirect_dma semaphore(%arg13 : memref<!tpu.dma_semaphore, #tpu.memory_space<semaphore_mem>>) src(%dma_wait3A_69 : memref<340000x128xf32, #tpu.memory_space<hbm>>) dst(%arg9 : memref<128x128xf32, #tpu.memory_space<vmem>>)
        %lt3A = arith.constant 7 : i32
        %lt3A_70 = arith.cmpi slt, %scan3A_45, %lt3A : i32
        %convert_element_type3A = arith.extui %lt3A_70 : i1 to i32
        %cond3A = arith.constant 0 : i32
        %cond3A_71 = arith.cmpi ne, %convert_element_type3A, %cond3A : i32
        scf.if %cond3A_71 {
          %add3A_73 = arith.constant 1 : i32
          %add3A_74 = arith.addi %add3A_52, %add3A_73 : i32
          %dma_start3A_75 = arith.constant 0 : i32
          %dma_start3A_76 = tpu.memref_slice %arg6[%add3A_74, %dma_start3A_75] : memref<16x128xi32, #tpu.memory_space<vmem>> -> memref<1x128xi32, #tpu.memory_space<vmem>>
          %dma_start3A_77 = tpu.memref_squeeze %dma_start3A_76 : memref<1x128xi32, #tpu.memory_space<vmem>> -> memref<128xi32, #tpu.memory_space<vmem>>
          %dma_start3A_78 = arith.constant 0 : i32
          %dma_start3A_79 = arith.constant 0 : i32
          %dma_start3A_80 = tpu.memref_slice %arg2[%dma_start3A_78, %dma_start3A_79] : memref<340000x128xf32, #tpu.memory_space<hbm>> -> memref<340000x128xf32, #tpu.memory_space<hbm>>
          tpu.enqueue_indirect_dma source(%dma_start3A_80 : memref<340000x128xf32, #tpu.memory_space<hbm>>) target(%arg8 : memref<128x128xf32, #tpu.memory_space<vmem>>) offsets(%dma_start3A_77 : memref<128xi32, #tpu.memory_space<vmem>>) semaphore(%arg12 : memref<!tpu.dma_semaphore, #tpu.memory_space<semaphore_mem>>)
        } else {
        }
        "tpu.region"() ({
          %run_scoped3A = tpu.sem_alloc : memref<!tpu.dma_semaphore, #tpu.memory_space<semaphore_mem>>
          %dma_start3A_73 = arith.constant 0 : i32
          %dma_start3A_74 = tpu.memref_slice %arg7[%add3A_52, %dma_start3A_73] : memref<16x128xi32, #tpu.memory_space<vmem>> -> memref<1x128xi32, #tpu.memory_space<vmem>>
          %dma_start3A_75 = tpu.memref_squeeze %dma_start3A_74 : memref<1x128xi32, #tpu.memory_space<vmem>> -> memref<128xi32, #tpu.memory_space<vmem>>
          %dma_start3A_76 = arith.constant 0 : i32
          %dma_start3A_77 = arith.constant 0 : i32
          %dma_start3A_78 = tpu.memref_slice %arg11[%dma_start3A_76, %dma_start3A_77] : memref<10240x128xf32, #tpu.memory_space<vmem_shared>> -> memref<10240x128xf32, #tpu.memory_space<vmem_shared>>
          tpu.enqueue_indirect_dma source(%arg9 : memref<128x128xf32, #tpu.memory_space<vmem>>) target(%dma_start3A_78 : memref<10240x128xf32, #tpu.memory_space<vmem_shared>>) offsets(%dma_start3A_75 : memref<128xi32, #tpu.memory_space<vmem>>) semaphore(%run_scoped3A : memref<!tpu.dma_semaphore, #tpu.memory_space<semaphore_mem>>) {add = true}
          %dma_wait3A_79 = arith.constant 0 : i32
          %dma_wait3A_80 = tpu.memref_slice %arg7[%add3A_52, %dma_wait3A_79] : memref<16x128xi32, #tpu.memory_space<vmem>> -> memref<1x128xi32, #tpu.memory_space<vmem>>
          %dma_wait3A_81 = tpu.memref_squeeze %dma_wait3A_80 : memref<1x128xi32, #tpu.memory_space<vmem>> -> memref<128xi32, #tpu.memory_space<vmem>>
          %dma_wait3A_82 = arith.constant 0 : i32
          %dma_wait3A_83 = arith.constant 0 : i32
          %dma_wait3A_84 = tpu.memref_slice %arg11[%dma_wait3A_82, %dma_wait3A_83] : memref<10240x128xf32, #tpu.memory_space<vmem_shared>> -> memref<10240x128xf32, #tpu.memory_space<vmem_shared>>
          tpu.wait_indirect_dma semaphore(%run_scoped3A : memref<!tpu.dma_semaphore, #tpu.memory_space<semaphore_mem>>) src(%arg9 : memref<128x128xf32, #tpu.memory_space<vmem>>) dst(%dma_wait3A_84 : memref<10240x128xf32, #tpu.memory_space<vmem_shared>>)
          tpu.yield
        }) : () -> ()
        %scan3A_72 = arith.constant 0 : i32
        scf.yield %scan3A_72 : i32
      }
      %scan3A_43 = arith.constant 8 : i32
      %scan3A_44 = arith.constant 0 : i32
      scf.yield %scan3A_44 : i32
    }
    %scan3A_23 = arith.constant 5 : i32
    %barrier3A_24 = arith.constant 0 : index
    tpu.barrier barrier_id(%barrier3A_24)
    "tpu.region"() ({
      %run_scoped3A = tpu.sem_alloc : memref<!tpu.dma_semaphore, #tpu.memory_space<semaphore_mem>>
      %dma_start3A = arith.constant 0 : i32
      %dma_start3A_25 = tpu.memref_slice %arg5[%arg0, %mul3A_2, %dma_start3A] : memref<2x10240x128xf32, #tpu.memory_space<hbm>> -> memref<1x640x128xf32, #tpu.memory_space<hbm>>
      %dma_start3A_26 = tpu.memref_squeeze %dma_start3A_25 : memref<1x640x128xf32, #tpu.memory_space<hbm>> -> memref<640x128xf32, #tpu.memory_space<hbm>>
      %dma_start3A_27 = arith.constant 0 : i32
      %dma_start3A_28 = tpu.memref_slice %arg11[%mul3A_2, %dma_start3A_27] : memref<10240x128xf32, #tpu.memory_space<vmem_shared>> -> memref<640x128xf32, #tpu.memory_space<vmem_shared>>
      tpu.enqueue_dma source(%dma_start3A_28 : memref<640x128xf32, #tpu.memory_space<vmem_shared>>) target(%dma_start3A_26 : memref<640x128xf32, #tpu.memory_space<hbm>>) target_semaphore(%run_scoped3A : memref<!tpu.dma_semaphore, #tpu.memory_space<semaphore_mem>>)
      %dma_wait3A = arith.constant 0 : i32
      %dma_wait3A_29 = tpu.memref_slice %arg5[%arg0, %mul3A_2, %dma_wait3A] : memref<2x10240x128xf32, #tpu.memory_space<hbm>> -> memref<1x640x128xf32, #tpu.memory_space<hbm>>
      %dma_wait3A_30 = tpu.memref_squeeze %dma_wait3A_29 : memref<1x640x128xf32, #tpu.memory_space<hbm>> -> memref<640x128xf32, #tpu.memory_space<hbm>>
      %dma_wait3A_31 = arith.constant 0 : i32
      %dma_wait3A_32 = tpu.memref_slice %arg11[%mul3A_2, %dma_wait3A_31] : memref<10240x128xf32, #tpu.memory_space<vmem_shared>> -> memref<640x128xf32, #tpu.memory_space<vmem_shared>>
      tpu.wait_dma2 semaphore(%run_scoped3A : memref<!tpu.dma_semaphore, #tpu.memory_space<semaphore_mem>>) src(%dma_wait3A_32 : memref<640x128xf32, #tpu.memory_space<vmem_shared>>) dst(%dma_wait3A_30 : memref<640x128xf32, #tpu.memory_space<hbm>>)
      tpu.yield
    }) : () -> ()
    return
  }
}

#map = affine_map<(d0, d1) -> (0, 0, 0)>
module attributes {stable_mosaic.version = 14 : i64} {
  func.func @_sc_deg_body(%arg0: i32, %arg1: i32, %arg2: memref<32x80x128xi32, #tpu.memory_space<hbm>>, %arg3: memref<2x10240x128xf32, #tpu.memory_space<hbm>>, %arg4: memref<16x128xi32, #tpu.memory_space<vmem>>, %arg5: memref<16x128xf32, #tpu.memory_space<vmem>>, %arg6: memref<128x128xf32, #tpu.memory_space<vmem>>, %arg7: memref<10240x128xf32, #tpu.memory_space<vmem_shared>>) attributes {dimension_semantics = [#tpu.dimension_semantics<core_parallel>, #tpu.dimension_semantics<subcore_parallel>], iteration_bounds = array<i64: 2, 16>, scalar_prefetch = 0 : i64, scratch_operands = 4 : i64, tpu.core_type = #tpu.core_type<sc_vector_subcore>, window_params = [{transform_indices = #map}, {transform_indices = #map}]} {
    %mul3A = arith.constant 2 : i32
    %mul3A_0 = arith.muli %arg1, %mul3A : i32
    %add3A = arith.addi %mul3A_0, %arg0 : i32
    %mul3A_1 = arith.constant 640 : i32
    %mul3A_2 = arith.muli %arg1, %mul3A_1 : i32
    %broadcast_in_dim3A = arith.constant 0.000000e+00 : f32
    %broadcast_in_dim3A_3 = vector.broadcast %broadcast_in_dim3A : f32 to vector<16xf32>
    %scan3A = arith.constant 0 : i32
    %scan3A_4 = arith.constant 0 : i32
    %scan3A_5 = arith.constant 128 : i32
    %scan3A_6 = arith.addi %scan3A_4, %scan3A_5 : i32
    %scan3A_7 = arith.constant 1 : i32
    %scan3A_8 = scf.for %scan3A_32 = %scan3A_4 to %scan3A_6 step %scan3A_7 iter_args(%scan3A_33 = %scan3A) -> (i32)  : i32 {
      %jit3A = arith.constant 8 : i32
      %div3A = arith.divsi %scan3A_32, %jit3A : i32
      %sign3A = arith.constant 0 : i32
      %sign3A_34 = arith.cmpi sgt, %scan3A_32, %sign3A : i32
      %sign3A_35 = arith.extui %sign3A_34 : i1 to i32
      %sign3A_36 = arith.constant 0 : i32
      %sign3A_37 = arith.cmpi slt, %scan3A_32, %sign3A_36 : i32
      %sign3A_38 = arith.extui %sign3A_37 : i1 to i32
      %sign3A_39 = arith.subi %sign3A_35, %sign3A_38 : i32
      %sign3A_40 = arith.constant 0 : i32
      %sign3A_41 = arith.cmpi sgt, %jit3A, %sign3A_40 : i32
      %sign3A_42 = arith.extui %sign3A_41 : i1 to i32
      %sign3A_43 = arith.constant 0 : i32
      %sign3A_44 = arith.cmpi slt, %jit3A, %sign3A_43 : i32
      %sign3A_45 = arith.extui %sign3A_44 : i1 to i32
      %sign3A_46 = arith.subi %sign3A_42, %sign3A_45 : i32
      %ne3A = arith.cmpi ne, %sign3A_39, %sign3A_46 : i32
      %rem3A = arith.remsi %scan3A_32, %jit3A : i32
      %ne3A_47 = arith.constant 0 : i32
      %ne3A_48 = arith.cmpi ne, %rem3A, %ne3A_47 : i32
      %and3A = arith.andi %ne3A, %ne3A_48 : i1
      %sub3A = arith.constant 1 : i32
      %sub3A_49 = arith.subi %div3A, %sub3A : i32
      %select_n3A = arith.select %and3A, %sub3A_49, %div3A : i32
      %jit3A_50 = arith.constant 8 : i32
      %eq3A = arith.constant 0 : i32
      %eq3A_51 = arith.cmpi eq, %jit3A_50, %eq3A : i32
      %jit3A_52 = arith.constant 1 : i32
      %select_n3A_53 = arith.select %eq3A_51, %jit3A_52, %jit3A_50 : i32
      %rem3A_54 = arith.remsi %scan3A_32, %select_n3A_53 : i32
      %ne3A_55 = arith.constant 0 : i32
      %ne3A_56 = arith.cmpi ne, %rem3A_54, %ne3A_55 : i32
      %lt3A = arith.constant 0 : i32
      %lt3A_57 = arith.cmpi slt, %rem3A_54, %lt3A : i32
      %lt3A_58 = arith.constant 0 : i32
      %lt3A_59 = arith.cmpi slt, %select_n3A_53, %lt3A_58 : i32
      %ne3A_60 = arith.xori %lt3A_57, %lt3A_59 : i1
      %and3A_61 = arith.andi %ne3A_60, %ne3A_56 : i1
      %add3A_62 = arith.addi %rem3A_54, %select_n3A_53 : i32
      %select_n3A_63 = arith.select %and3A_61, %add3A_62, %rem3A_54 : i32
      %mul3A_64 = arith.constant 16 : i32
      %mul3A_65 = arith.muli %select_n3A_63, %mul3A_64 : i32
      %swap3A = arith.index_cast %select_n3A : i32 to index
      %swap3A_66 = arith.index_cast %mul3A_65 : i32 to index
      %swap3A_67 = tpu.vector_load %arg5[%swap3A, %swap3A_66] {strides = array<i32>} : memref<16x128xf32, #tpu.memory_space<vmem>>, vector<1x16xf32>,
      %swap3A_68 = vector.shape_cast %swap3A_67 : vector<1x16xf32> to vector<16xf32>
      %swap3A_69 = vector.shape_cast %broadcast_in_dim3A_3 : vector<16xf32> to vector<1x16xf32>
      tpu.vector_store %arg5[%swap3A, %swap3A_66], %swap3A_69 {strides = array<i32>} : memref<16x128xf32, #tpu.memory_space<vmem>>, vector<1x16xf32>,
      %scan3A_70 = arith.constant 0 : i32
      scf.yield %scan3A_70 : i32
    }
    %scan3A_9 = arith.constant 128 : i32
    %scan3A_10 = arith.constant 0 : i32
    %scan3A_11 = arith.constant 0 : i32
    %scan3A_12 = arith.constant 1024 : i32
    %scan3A_13 = arith.addi %scan3A_11, %scan3A_12 : i32
    %scan3A_14 = arith.constant 1 : i32
    %scan3A_15 = scf.for %scan3A_32 = %scan3A_11 to %scan3A_13 step %scan3A_14 iter_args(%scan3A_33 = %scan3A_10) -> (i32)  : i32 {
      %broadcast_in_dim3A_34 = arith.constant 1.000000e+00 : f32
      %broadcast_in_dim3A_35 = vector.broadcast %broadcast_in_dim3A_34 : f32 to vector<16xf32>
      %jit3A = arith.constant 8 : i32
      %div3A = arith.divsi %scan3A_32, %jit3A : i32
      %sign3A = arith.constant 0 : i32
      %sign3A_36 = arith.cmpi sgt, %scan3A_32, %sign3A : i32
      %sign3A_37 = arith.extui %sign3A_36 : i1 to i32
      %sign3A_38 = arith.constant 0 : i32
      %sign3A_39 = arith.cmpi slt, %scan3A_32, %sign3A_38 : i32
      %sign3A_40 = arith.extui %sign3A_39 : i1 to i32
      %sign3A_41 = arith.subi %sign3A_37, %sign3A_40 : i32
      %sign3A_42 = arith.constant 0 : i32
      %sign3A_43 = arith.cmpi sgt, %jit3A, %sign3A_42 : i32
      %sign3A_44 = arith.extui %sign3A_43 : i1 to i32
      %sign3A_45 = arith.constant 0 : i32
      %sign3A_46 = arith.cmpi slt, %jit3A, %sign3A_45 : i32
      %sign3A_47 = arith.extui %sign3A_46 : i1 to i32
      %sign3A_48 = arith.subi %sign3A_44, %sign3A_47 : i32
      %ne3A = arith.cmpi ne, %sign3A_41, %sign3A_48 : i32
      %rem3A = arith.remsi %scan3A_32, %jit3A : i32
      %ne3A_49 = arith.constant 0 : i32
      %ne3A_50 = arith.cmpi ne, %rem3A, %ne3A_49 : i32
      %and3A = arith.andi %ne3A, %ne3A_50 : i1
      %sub3A = arith.constant 1 : i32
      %sub3A_51 = arith.subi %div3A, %sub3A : i32
      %select_n3A = arith.select %and3A, %sub3A_51, %div3A : i32
      %jit3A_52 = arith.constant 8 : i32
      %eq3A = arith.constant 0 : i32
      %eq3A_53 = arith.cmpi eq, %jit3A_52, %eq3A : i32
      %jit3A_54 = arith.constant 1 : i32
      %select_n3A_55 = arith.select %eq3A_53, %jit3A_54, %jit3A_52 : i32
      %rem3A_56 = arith.remsi %scan3A_32, %select_n3A_55 : i32
      %ne3A_57 = arith.constant 0 : i32
      %ne3A_58 = arith.cmpi ne, %rem3A_56, %ne3A_57 : i32
      %lt3A = arith.constant 0 : i32
      %lt3A_59 = arith.cmpi slt, %rem3A_56, %lt3A : i32
      %lt3A_60 = arith.constant 0 : i32
      %lt3A_61 = arith.cmpi slt, %select_n3A_55, %lt3A_60 : i32
      %ne3A_62 = arith.xori %lt3A_59, %lt3A_61 : i1
      %and3A_63 = arith.andi %ne3A_62, %ne3A_58 : i1
      %add3A_64 = arith.addi %rem3A_56, %select_n3A_55 : i32
      %select_n3A_65 = arith.select %and3A_63, %add3A_64, %rem3A_56 : i32
      %mul3A_66 = arith.constant 16 : i32
      %mul3A_67 = arith.muli %select_n3A_65, %mul3A_66 : i32
      %swap3A = arith.index_cast %select_n3A : i32 to index
      %swap3A_68 = arith.index_cast %mul3A_67 : i32 to index
      %swap3A_69 = tpu.vector_load %arg6[%swap3A, %swap3A_68] {strides = array<i32>} : memref<128x128xf32, #tpu.memory_space<vmem>>, vector<1x16xf32>,
      %swap3A_70 = vector.shape_cast %swap3A_69 : vector<1x16xf32> to vector<16xf32>
      %swap3A_71 = vector.shape_cast %broadcast_in_dim3A_35 : vector<16xf32> to vector<1x16xf32>
      tpu.vector_store %arg6[%swap3A, %swap3A_68], %swap3A_71 {strides = array<i32>} : memref<128x128xf32, #tpu.memory_space<vmem>>, vector<1x16xf32>,
      %scan3A_72 = arith.constant 0 : i32
      scf.yield %scan3A_72 : i32
    }
    %scan3A_16 = arith.constant 1024 : i32
    %scan3A_17 = arith.constant 0 : i32
    %scan3A_18 = arith.constant 0 : i32
    %scan3A_19 = arith.constant 40 : i32
    %scan3A_20 = arith.addi %scan3A_18, %scan3A_19 : i32
    %scan3A_21 = arith.constant 1 : i32
    %scan3A_22 = scf.for %scan3A_32 = %scan3A_18 to %scan3A_20 step %scan3A_21 iter_args(%scan3A_33 = %scan3A_17) -> (i32)  : i32 {
      %mul3A_34 = arith.constant 16 : i32
      %mul3A_35 = arith.muli %scan3A_32, %mul3A_34 : i32
      %add3A_36 = arith.addi %mul3A_2, %mul3A_35 : i32
      "tpu.region"() ({
        %run_scoped3A = tpu.sem_alloc : memref<!tpu.dma_semaphore, #tpu.memory_space<semaphore_mem>>
        %dma_start3A = arith.constant 0 : i32
        %dma_start3A_38 = tpu.memref_slice %arg7[%add3A_36, %dma_start3A] : memref<10240x128xf32, #tpu.memory_space<vmem_shared>> -> memref<16x128xf32, #tpu.memory_space<vmem_shared>>
        %dma_start3A_39 = arith.constant 0 : i32
        %dma_start3A_40 = tpu.memref_slice %arg7[%add3A_36, %dma_start3A_39] : memref<10240x128xf32, #tpu.memory_space<vmem_shared>> -> memref<16x128xf32, #tpu.memory_space<vmem_shared>>
        tpu.enqueue_dma source(%arg5 : memref<16x128xf32, #tpu.memory_space<vmem>>) target(%dma_start3A_40 : memref<16x128xf32, #tpu.memory_space<vmem_shared>>) target_semaphore(%run_scoped3A : memref<!tpu.dma_semaphore, #tpu.memory_space<semaphore_mem>>)
        %dma_wait3A = arith.constant 0 : i32
        %dma_wait3A_41 = tpu.memref_slice %arg7[%add3A_36, %dma_wait3A] : memref<10240x128xf32, #tpu.memory_space<vmem_shared>> -> memref<16x128xf32, #tpu.memory_space<vmem_shared>>
        %dma_wait3A_42 = arith.constant 0 : i32
        %dma_wait3A_43 = tpu.memref_slice %arg7[%add3A_36, %dma_wait3A_42] : memref<10240x128xf32, #tpu.memory_space<vmem_shared>> -> memref<16x128xf32, #tpu.memory_space<vmem_shared>>
        tpu.wait_dma2 semaphore(%run_scoped3A : memref<!tpu.dma_semaphore, #tpu.memory_space<semaphore_mem>>) src(%arg5 : memref<16x128xf32, #tpu.memory_space<vmem>>) dst(%dma_wait3A_43 : memref<16x128xf32, #tpu.memory_space<vmem_shared>>)
        tpu.yield
      }) : () -> ()
      %scan3A_37 = arith.constant 0 : i32
      scf.yield %scan3A_37 : i32
    }
    %scan3A_23 = arith.constant 40 : i32
    %barrier3A = arith.constant 0 : index
    tpu.barrier barrier_id(%barrier3A)
    %scan3A_24 = arith.constant 0 : i32
    %scan3A_25 = arith.constant 0 : i32
    %scan3A_26 = arith.constant 5 : i32
    %scan3A_27 = arith.addi %scan3A_25, %scan3A_26 : i32
    %scan3A_28 = arith.constant 1 : i32
    %scan3A_29 = scf.for %scan3A_32 = %scan3A_25 to %scan3A_27 step %scan3A_28 iter_args(%scan3A_33 = %scan3A_24) -> (i32)  : i32 {
      %mul3A_34 = arith.constant 16 : i32
      %mul3A_35 = arith.muli %scan3A_32, %mul3A_34 : i32
      "tpu.region"() ({
        %run_scoped3A = tpu.sem_alloc : memref<!tpu.dma_semaphore, #tpu.memory_space<semaphore_mem>>
        %dma_start3A = arith.constant 0 : i32
        %dma_start3A_44 = tpu.memref_slice %arg2[%add3A, %mul3A_35, %dma_start3A] : memref<32x80x128xi32, #tpu.memory_space<hbm>> -> memref<1x16x128xi32, #tpu.memory_space<hbm>>
        %dma_start3A_45 = tpu.memref_squeeze %dma_start3A_44 : memref<1x16x128xi32, #tpu.memory_space<hbm>> -> memref<16x128xi32, #tpu.memory_space<hbm>>
        %dma_start3A_46 = arith.constant 0 : i32
        %dma_start3A_47 = tpu.memref_slice %arg2[%add3A, %mul3A_35, %dma_start3A_46] : memref<32x80x128xi32, #tpu.memory_space<hbm>> -> memref<1x16x128xi32, #tpu.memory_space<hbm>>
        %dma_start3A_48 = tpu.memref_squeeze %dma_start3A_47 : memref<1x16x128xi32, #tpu.memory_space<hbm>> -> memref<16x128xi32, #tpu.memory_space<hbm>>
        tpu.enqueue_dma source(%dma_start3A_48 : memref<16x128xi32, #tpu.memory_space<hbm>>) target(%arg4 : memref<16x128xi32, #tpu.memory_space<vmem>>) target_semaphore(%run_scoped3A : memref<!tpu.dma_semaphore, #tpu.memory_space<semaphore_mem>>)
        %dma_wait3A = arith.constant 0 : i32
        %dma_wait3A_49 = tpu.memref_slice %arg2[%add3A, %mul3A_35, %dma_wait3A] : memref<32x80x128xi32, #tpu.memory_space<hbm>> -> memref<1x16x128xi32, #tpu.memory_space<hbm>>
        %dma_wait3A_50 = tpu.memref_squeeze %dma_wait3A_49 : memref<1x16x128xi32, #tpu.memory_space<hbm>> -> memref<16x128xi32, #tpu.memory_space<hbm>>
        %dma_wait3A_51 = arith.constant 0 : i32
        %dma_wait3A_52 = tpu.memref_slice %arg2[%add3A, %mul3A_35, %dma_wait3A_51] : memref<32x80x128xi32, #tpu.memory_space<hbm>> -> memref<1x16x128xi32, #tpu.memory_space<hbm>>
        %dma_wait3A_53 = tpu.memref_squeeze %dma_wait3A_52 : memref<1x16x128xi32, #tpu.memory_space<hbm>> -> memref<16x128xi32, #tpu.memory_space<hbm>>
        tpu.wait_dma2 semaphore(%run_scoped3A : memref<!tpu.dma_semaphore, #tpu.memory_space<semaphore_mem>>) src(%dma_wait3A_53 : memref<16x128xi32, #tpu.memory_space<hbm>>) dst(%arg4 : memref<16x128xi32, #tpu.memory_space<vmem>>)
        tpu.yield
      }) : () -> ()
      %scan3A_36 = arith.constant 0 : i32
      %scan3A_37 = arith.constant 0 : i32
      %scan3A_38 = arith.constant 16 : i32
      %scan3A_39 = arith.addi %scan3A_37, %scan3A_38 : i32
      %scan3A_40 = arith.constant 1 : i32
      %scan3A_41 = scf.for %scan3A_44 = %scan3A_37 to %scan3A_39 step %scan3A_40 iter_args(%scan3A_45 = %scan3A_36) -> (i32)  : i32 {
        "tpu.region"() ({
          %run_scoped3A = tpu.sem_alloc : memref<!tpu.dma_semaphore, #tpu.memory_space<semaphore_mem>>
          %dma_start3A = arith.constant 0 : i32
          %dma_start3A_47 = tpu.memref_slice %arg4[%scan3A_44, %dma_start3A] : memref<16x128xi32, #tpu.memory_space<vmem>> -> memref<1x128xi32, #tpu.memory_space<vmem>>
          %dma_start3A_48 = tpu.memref_squeeze %dma_start3A_47 : memref<1x128xi32, #tpu.memory_space<vmem>> -> memref<128xi32, #tpu.memory_space<vmem>>
          %dma_start3A_49 = arith.constant 0 : i32
          %dma_start3A_50 = arith.constant 0 : i32
          %dma_start3A_51 = tpu.memref_slice %arg7[%dma_start3A_49, %dma_start3A_50] : memref<10240x128xf32, #tpu.memory_space<vmem_shared>> -> memref<10240x128xf32, #tpu.memory_space<vmem_shared>>
          tpu.enqueue_indirect_dma source(%arg6 : memref<128x128xf32, #tpu.memory_space<vmem>>) target(%dma_start3A_51 : memref<10240x128xf32, #tpu.memory_space<vmem_shared>>) offsets(%dma_start3A_48 : memref<128xi32, #tpu.memory_space<vmem>>) semaphore(%run_scoped3A : memref<!tpu.dma_semaphore, #tpu.memory_space<semaphore_mem>>) {add = true}
          %dma_wait3A = arith.constant 0 : i32
          %dma_wait3A_52 = tpu.memref_slice %arg4[%scan3A_44, %dma_wait3A] : memref<16x128xi32, #tpu.memory_space<vmem>> -> memref<1x128xi32, #tpu.memory_space<vmem>>
          %dma_wait3A_53 = tpu.memref_squeeze %dma_wait3A_52 : memref<1x128xi32, #tpu.memory_space<vmem>> -> memref<128xi32, #tpu.memory_space<vmem>>
          %dma_wait3A_54 = arith.constant 0 : i32
          %dma_wait3A_55 = arith.constant 0 : i32
          %dma_wait3A_56 = tpu.memref_slice %arg7[%dma_wait3A_54, %dma_wait3A_55] : memref<10240x128xf32, #tpu.memory_space<vmem_shared>> -> memref<10240x128xf32, #tpu.memory_space<vmem_shared>>
          tpu.wait_indirect_dma semaphore(%run_scoped3A : memref<!tpu.dma_semaphore, #tpu.memory_space<semaphore_mem>>) src(%arg6 : memref<128x128xf32, #tpu.memory_space<vmem>>) dst(%dma_wait3A_56 : memref<10240x128xf32, #tpu.memory_space<vmem_shared>>)
          tpu.yield
        }) : () -> ()
        %scan3A_46 = arith.constant 0 : i32
        scf.yield %scan3A_46 : i32
      }
      %scan3A_42 = arith.constant 16 : i32
      %scan3A_43 = arith.constant 0 : i32
      scf.yield %scan3A_43 : i32
    }
    %scan3A_30 = arith.constant 5 : i32
    %barrier3A_31 = arith.constant 0 : index
    tpu.barrier barrier_id(%barrier3A_31)
    "tpu.region"() ({
      %run_scoped3A = tpu.sem_alloc : memref<!tpu.dma_semaphore, #tpu.memory_space<semaphore_mem>>
      %dma_start3A = arith.constant 0 : i32
      %dma_start3A_32 = tpu.memref_slice %arg3[%arg0, %mul3A_2, %dma_start3A] : memref<2x10240x128xf32, #tpu.memory_space<hbm>> -> memref<1x640x128xf32, #tpu.memory_space<hbm>>
      %dma_start3A_33 = tpu.memref_squeeze %dma_start3A_32 : memref<1x640x128xf32, #tpu.memory_space<hbm>> -> memref<640x128xf32, #tpu.memory_space<hbm>>
      %dma_start3A_34 = arith.constant 0 : i32
      %dma_start3A_35 = tpu.memref_slice %arg7[%mul3A_2, %dma_start3A_34] : memref<10240x128xf32, #tpu.memory_space<vmem_shared>> -> memref<640x128xf32, #tpu.memory_space<vmem_shared>>
      tpu.enqueue_dma source(%dma_start3A_35 : memref<640x128xf32, #tpu.memory_space<vmem_shared>>) target(%dma_start3A_33 : memref<640x128xf32, #tpu.memory_space<hbm>>) target_semaphore(%run_scoped3A : memref<!tpu.dma_semaphore, #tpu.memory_space<semaphore_mem>>)
      %dma_wait3A = arith.constant 0 : i32
      %dma_wait3A_36 = tpu.memref_slice %arg3[%arg0, %mul3A_2, %dma_wait3A] : memref<2x10240x128xf32, #tpu.memory_space<hbm>> -> memref<1x640x128xf32, #tpu.memory_space<hbm>>
      %dma_wait3A_37 = tpu.memref_squeeze %dma_wait3A_36 : memref<1x640x128xf32, #tpu.memory_space<hbm>> -> memref<640x128xf32, #tpu.memory_space<hbm>>
      %dma_wait3A_38 = arith.constant 0 : i32
      %dma_wait3A_39 = tpu.memref_slice %arg7[%mul3A_2, %dma_wait3A_38] : memref<10240x128xf32, #tpu.memory_space<vmem_shared>> -> memref<640x128xf32, #tpu.memory_space<vmem_shared>>
      tpu.wait_dma2 semaphore(%run_scoped3A : memref<!tpu.dma_semaphore, #tpu.memory_space<semaphore_mem>>) src(%dma_wait3A_39 : memref<640x128xf32, #tpu.memory_space<vmem_shared>>) dst(%dma_wait3A_37 : memref<640x128xf32, #tpu.memory_space<hbm>>)
      tpu.yield
    }) : () -> ()
    return
  }
}

#map = affine_map<(d0, d1) -> (0, 0)>
#map1 = affine_map<(d0, d1) -> (0, 0, 0)>
module attributes {stable_mosaic.version = 14 : i64} {
  func.func @_sc_edge_body(%arg0: i32, %arg1: i32, %arg2: memref<340000x128xf32, #tpu.memory_space<hbm>>, %arg3: memref<32x80x128xi32, #tpu.memory_space<hbm>>, %arg4: memref<32x80x128xi32, #tpu.memory_space<hbm>>, %arg5: memref<2x10240x128xf32, #tpu.memory_space<hbm>>, %arg6: memref<16x128xi32, #tpu.memory_space<vmem>>, %arg7: memref<16x128xi32, #tpu.memory_space<vmem>>, %arg8: memref<128x128xf32, #tpu.memory_space<vmem>>, %arg9: memref<128x128xf32, #tpu.memory_space<vmem>>, %arg10: memref<16x128xf32, #tpu.memory_space<vmem>>, %arg11: memref<10240x128xf32, #tpu.memory_space<vmem_shared>>, %arg12: memref<!tpu.dma_semaphore, #tpu.memory_space<semaphore_mem>>, %arg13: memref<!tpu.dma_semaphore, #tpu.memory_space<semaphore_mem>>) attributes {dimension_semantics = [#tpu.dimension_semantics<core_parallel>, #tpu.dimension_semantics<subcore_parallel>], iteration_bounds = array<i64: 2, 16>, scalar_prefetch = 0 : i64, scratch_operands = 8 : i64, tpu.core_type = #tpu.core_type<sc_vector_subcore>, window_params = [{transform_indices = #map}, {transform_indices = #map1}, {transform_indices = #map1}, {transform_indices = #map1}]} {
    %mul3A = arith.constant 2 : i32
    %mul3A_0 = arith.muli %arg1, %mul3A : i32
    %add3A = arith.addi %mul3A_0, %arg0 : i32
    %mul3A_1 = arith.constant 640 : i32
    %mul3A_2 = arith.muli %arg1, %mul3A_1 : i32
    %broadcast_in_dim3A = arith.constant 0.000000e+00 : f32
    %broadcast_in_dim3A_3 = vector.broadcast %broadcast_in_dim3A : f32 to vector<16xf32>
    %scan3A = arith.constant 0 : i32
    %scan3A_4 = arith.constant 0 : i32
    %scan3A_5 = arith.constant 128 : i32
    %scan3A_6 = arith.addi %scan3A_4, %scan3A_5 : i32
    %scan3A_7 = arith.constant 1 : i32
    %scan3A_8 = scf.for %scan3A_25 = %scan3A_4 to %scan3A_6 step %scan3A_7 iter_args(%scan3A_26 = %scan3A) -> (i32)  : i32 {
      %jit3A = arith.constant 8 : i32
      %div3A = arith.divsi %scan3A_25, %jit3A : i32
      %sign3A = arith.constant 0 : i32
      %sign3A_27 = arith.cmpi sgt, %scan3A_25, %sign3A : i32
      %sign3A_28 = arith.extui %sign3A_27 : i1 to i32
      %sign3A_29 = arith.constant 0 : i32
      %sign3A_30 = arith.cmpi slt, %scan3A_25, %sign3A_29 : i32
      %sign3A_31 = arith.extui %sign3A_30 : i1 to i32
      %sign3A_32 = arith.subi %sign3A_28, %sign3A_31 : i32
      %sign3A_33 = arith.constant 0 : i32
      %sign3A_34 = arith.cmpi sgt, %jit3A, %sign3A_33 : i32
      %sign3A_35 = arith.extui %sign3A_34 : i1 to i32
      %sign3A_36 = arith.constant 0 : i32
      %sign3A_37 = arith.cmpi slt, %jit3A, %sign3A_36 : i32
      %sign3A_38 = arith.extui %sign3A_37 : i1 to i32
      %sign3A_39 = arith.subi %sign3A_35, %sign3A_38 : i32
      %ne3A = arith.cmpi ne, %sign3A_32, %sign3A_39 : i32
      %rem3A = arith.remsi %scan3A_25, %jit3A : i32
      %ne3A_40 = arith.constant 0 : i32
      %ne3A_41 = arith.cmpi ne, %rem3A, %ne3A_40 : i32
      %and3A = arith.andi %ne3A, %ne3A_41 : i1
      %sub3A = arith.constant 1 : i32
      %sub3A_42 = arith.subi %div3A, %sub3A : i32
      %select_n3A = arith.select %and3A, %sub3A_42, %div3A : i32
      %jit3A_43 = arith.constant 8 : i32
      %eq3A = arith.constant 0 : i32
      %eq3A_44 = arith.cmpi eq, %jit3A_43, %eq3A : i32
      %jit3A_45 = arith.constant 1 : i32
      %select_n3A_46 = arith.select %eq3A_44, %jit3A_45, %jit3A_43 : i32
      %rem3A_47 = arith.remsi %scan3A_25, %select_n3A_46 : i32
      %ne3A_48 = arith.constant 0 : i32
      %ne3A_49 = arith.cmpi ne, %rem3A_47, %ne3A_48 : i32
      %lt3A = arith.constant 0 : i32
      %lt3A_50 = arith.cmpi slt, %rem3A_47, %lt3A : i32
      %lt3A_51 = arith.constant 0 : i32
      %lt3A_52 = arith.cmpi slt, %select_n3A_46, %lt3A_51 : i32
      %ne3A_53 = arith.xori %lt3A_50, %lt3A_52 : i1
      %and3A_54 = arith.andi %ne3A_53, %ne3A_49 : i1
      %add3A_55 = arith.addi %rem3A_47, %select_n3A_46 : i32
      %select_n3A_56 = arith.select %and3A_54, %add3A_55, %rem3A_47 : i32
      %mul3A_57 = arith.constant 16 : i32
      %mul3A_58 = arith.muli %select_n3A_56, %mul3A_57 : i32
      %swap3A = arith.index_cast %select_n3A : i32 to index
      %swap3A_59 = arith.index_cast %mul3A_58 : i32 to index
      %swap3A_60 = tpu.vector_load %arg10[%swap3A, %swap3A_59] {strides = array<i32>} : memref<16x128xf32, #tpu.memory_space<vmem>>, vector<1x16xf32>,
      %swap3A_61 = vector.shape_cast %swap3A_60 : vector<1x16xf32> to vector<16xf32>
      %swap3A_62 = vector.shape_cast %broadcast_in_dim3A_3 : vector<16xf32> to vector<1x16xf32>
      tpu.vector_store %arg10[%swap3A, %swap3A_59], %swap3A_62 {strides = array<i32>} : memref<16x128xf32, #tpu.memory_space<vmem>>, vector<1x16xf32>,
      %scan3A_63 = arith.constant 0 : i32
      scf.yield %scan3A_63 : i32
    }
    %scan3A_9 = arith.constant 128 : i32
    %scan3A_10 = arith.constant 0 : i32
    %scan3A_11 = arith.constant 0 : i32
    %scan3A_12 = arith.constant 40 : i32
    %scan3A_13 = arith.addi %scan3A_11, %scan3A_12 : i32
    %scan3A_14 = arith.constant 1 : i32
    %scan3A_15 = scf.for %scan3A_25 = %scan3A_11 to %scan3A_13 step %scan3A_14 iter_args(%scan3A_26 = %scan3A_10) -> (i32)  : i32 {
      %mul3A_27 = arith.constant 16 : i32
      %mul3A_28 = arith.muli %scan3A_25, %mul3A_27 : i32
      %add3A_29 = arith.addi %mul3A_2, %mul3A_28 : i32
      "tpu.region"() ({
        %run_scoped3A = tpu.sem_alloc : memref<!tpu.dma_semaphore, #tpu.memory_space<semaphore_mem>>
        %dma_start3A = arith.constant 0 : i32
        %dma_start3A_31 = tpu.memref_slice %arg11[%add3A_29, %dma_start3A] : memref<10240x128xf32, #tpu.memory_space<vmem_shared>> -> memref<16x128xf32, #tpu.memory_space<vmem_shared>>
        %dma_start3A_32 = arith.constant 0 : i32
        %dma_start3A_33 = tpu.memref_slice %arg11[%add3A_29, %dma_start3A_32] : memref<10240x128xf32, #tpu.memory_space<vmem_shared>> -> memref<16x128xf32, #tpu.memory_space<vmem_shared>>
        tpu.enqueue_dma source(%arg10 : memref<16x128xf32, #tpu.memory_space<vmem>>) target(%dma_start3A_33 : memref<16x128xf32, #tpu.memory_space<vmem_shared>>) target_semaphore(%run_scoped3A : memref<!tpu.dma_semaphore, #tpu.memory_space<semaphore_mem>>)
        %dma_wait3A = arith.constant 0 : i32
        %dma_wait3A_34 = tpu.memref_slice %arg11[%add3A_29, %dma_wait3A] : memref<10240x128xf32, #tpu.memory_space<vmem_shared>> -> memref<16x128xf32, #tpu.memory_space<vmem_shared>>
        %dma_wait3A_35 = arith.constant 0 : i32
        %dma_wait3A_36 = tpu.memref_slice %arg11[%add3A_29, %dma_wait3A_35] : memref<10240x128xf32, #tpu.memory_space<vmem_shared>> -> memref<16x128xf32, #tpu.memory_space<vmem_shared>>
        tpu.wait_dma2 semaphore(%run_scoped3A : memref<!tpu.dma_semaphore, #tpu.memory_space<semaphore_mem>>) src(%arg10 : memref<16x128xf32, #tpu.memory_space<vmem>>) dst(%dma_wait3A_36 : memref<16x128xf32, #tpu.memory_space<vmem_shared>>)
        tpu.yield
      }) : () -> ()
      %scan3A_30 = arith.constant 0 : i32
      scf.yield %scan3A_30 : i32
    }
    %scan3A_16 = arith.constant 40 : i32
    %barrier3A = arith.constant 0 : index
    tpu.barrier barrier_id(%barrier3A)
    %scan3A_17 = arith.constant 0 : i32
    %scan3A_18 = arith.constant 0 : i32
    %scan3A_19 = arith.constant 5 : i32
    %scan3A_20 = arith.addi %scan3A_18, %scan3A_19 : i32
    %scan3A_21 = arith.constant 1 : i32
    %scan3A_22 = scf.for %scan3A_25 = %scan3A_18 to %scan3A_20 step %scan3A_21 iter_args(%scan3A_26 = %scan3A_17) -> (i32)  : i32 {
      %mul3A_27 = arith.constant 16 : i32
      %mul3A_28 = arith.muli %scan3A_25, %mul3A_27 : i32
      "tpu.region"() ({
        %run_scoped3A = tpu.sem_alloc : memref<!tpu.dma_semaphore, #tpu.memory_space<semaphore_mem>>
        %dma_start3A_45 = arith.constant 0 : i32
        %dma_start3A_46 = tpu.memref_slice %arg3[%add3A, %mul3A_28, %dma_start3A_45] : memref<32x80x128xi32, #tpu.memory_space<hbm>> -> memref<1x16x128xi32, #tpu.memory_space<hbm>>
        %dma_start3A_47 = tpu.memref_squeeze %dma_start3A_46 : memref<1x16x128xi32, #tpu.memory_space<hbm>> -> memref<16x128xi32, #tpu.memory_space<hbm>>
        %dma_start3A_48 = arith.constant 0 : i32
        %dma_start3A_49 = tpu.memref_slice %arg3[%add3A, %mul3A_28, %dma_start3A_48] : memref<32x80x128xi32, #tpu.memory_space<hbm>> -> memref<1x16x128xi32, #tpu.memory_space<hbm>>
        %dma_start3A_50 = tpu.memref_squeeze %dma_start3A_49 : memref<1x16x128xi32, #tpu.memory_space<hbm>> -> memref<16x128xi32, #tpu.memory_space<hbm>>
        tpu.enqueue_dma source(%dma_start3A_50 : memref<16x128xi32, #tpu.memory_space<hbm>>) target(%arg6 : memref<16x128xi32, #tpu.memory_space<vmem>>) target_semaphore(%run_scoped3A : memref<!tpu.dma_semaphore, #tpu.memory_space<semaphore_mem>>)
        %dma_wait3A = arith.constant 0 : i32
        %dma_wait3A_51 = tpu.memref_slice %arg3[%add3A, %mul3A_28, %dma_wait3A] : memref<32x80x128xi32, #tpu.memory_space<hbm>> -> memref<1x16x128xi32, #tpu.memory_space<hbm>>
        %dma_wait3A_52 = tpu.memref_squeeze %dma_wait3A_51 : memref<1x16x128xi32, #tpu.memory_space<hbm>> -> memref<16x128xi32, #tpu.memory_space<hbm>>
        %dma_wait3A_53 = arith.constant 0 : i32
        %dma_wait3A_54 = tpu.memref_slice %arg3[%add3A, %mul3A_28, %dma_wait3A_53] : memref<32x80x128xi32, #tpu.memory_space<hbm>> -> memref<1x16x128xi32, #tpu.memory_space<hbm>>
        %dma_wait3A_55 = tpu.memref_squeeze %dma_wait3A_54 : memref<1x16x128xi32, #tpu.memory_space<hbm>> -> memref<16x128xi32, #tpu.memory_space<hbm>>
        tpu.wait_dma2 semaphore(%run_scoped3A : memref<!tpu.dma_semaphore, #tpu.memory_space<semaphore_mem>>) src(%dma_wait3A_55 : memref<16x128xi32, #tpu.memory_space<hbm>>) dst(%arg6 : memref<16x128xi32, #tpu.memory_space<vmem>>)
        tpu.yield
      }) : () -> ()
      %mul3A_29 = arith.constant 16 : i32
      %mul3A_30 = arith.muli %scan3A_25, %mul3A_29 : i32
      "tpu.region"() ({
        %run_scoped3A = tpu.sem_alloc : memref<!tpu.dma_semaphore, #tpu.memory_space<semaphore_mem>>
        %dma_start3A_45 = arith.constant 0 : i32
        %dma_start3A_46 = tpu.memref_slice %arg4[%add3A, %mul3A_30, %dma_start3A_45] : memref<32x80x128xi32, #tpu.memory_space<hbm>> -> memref<1x16x128xi32, #tpu.memory_space<hbm>>
        %dma_start3A_47 = tpu.memref_squeeze %dma_start3A_46 : memref<1x16x128xi32, #tpu.memory_space<hbm>> -> memref<16x128xi32, #tpu.memory_space<hbm>>
        %dma_start3A_48 = arith.constant 0 : i32
        %dma_start3A_49 = tpu.memref_slice %arg4[%add3A, %mul3A_30, %dma_start3A_48] : memref<32x80x128xi32, #tpu.memory_space<hbm>> -> memref<1x16x128xi32, #tpu.memory_space<hbm>>
        %dma_start3A_50 = tpu.memref_squeeze %dma_start3A_49 : memref<1x16x128xi32, #tpu.memory_space<hbm>> -> memref<16x128xi32, #tpu.memory_space<hbm>>
        tpu.enqueue_dma source(%dma_start3A_50 : memref<16x128xi32, #tpu.memory_space<hbm>>) target(%arg7 : memref<16x128xi32, #tpu.memory_space<vmem>>) target_semaphore(%run_scoped3A : memref<!tpu.dma_semaphore, #tpu.memory_space<semaphore_mem>>)
        %dma_wait3A = arith.constant 0 : i32
        %dma_wait3A_51 = tpu.memref_slice %arg4[%add3A, %mul3A_30, %dma_wait3A] : memref<32x80x128xi32, #tpu.memory_space<hbm>> -> memref<1x16x128xi32, #tpu.memory_space<hbm>>
        %dma_wait3A_52 = tpu.memref_squeeze %dma_wait3A_51 : memref<1x16x128xi32, #tpu.memory_space<hbm>> -> memref<16x128xi32, #tpu.memory_space<hbm>>
        %dma_wait3A_53 = arith.constant 0 : i32
        %dma_wait3A_54 = tpu.memref_slice %arg4[%add3A, %mul3A_30, %dma_wait3A_53] : memref<32x80x128xi32, #tpu.memory_space<hbm>> -> memref<1x16x128xi32, #tpu.memory_space<hbm>>
        %dma_wait3A_55 = tpu.memref_squeeze %dma_wait3A_54 : memref<1x16x128xi32, #tpu.memory_space<hbm>> -> memref<16x128xi32, #tpu.memory_space<hbm>>
        tpu.wait_dma2 semaphore(%run_scoped3A : memref<!tpu.dma_semaphore, #tpu.memory_space<semaphore_mem>>) src(%dma_wait3A_55 : memref<16x128xi32, #tpu.memory_space<hbm>>) dst(%arg7 : memref<16x128xi32, #tpu.memory_space<vmem>>)
        tpu.yield
      }) : () -> ()
      %dma_start3A = arith.constant 0 : i32
      %dma_start3A_31 = arith.constant 0 : i32
      %dma_start3A_32 = tpu.memref_slice %arg6[%dma_start3A, %dma_start3A_31] : memref<16x128xi32, #tpu.memory_space<vmem>> -> memref<1x128xi32, #tpu.memory_space<vmem>>
      %dma_start3A_33 = tpu.memref_squeeze %dma_start3A_32 : memref<1x128xi32, #tpu.memory_space<vmem>> -> memref<128xi32, #tpu.memory_space<vmem>>
      %dma_start3A_34 = arith.constant 0 : i32
      %dma_start3A_35 = arith.constant 0 : i32
      %dma_start3A_36 = tpu.memref_slice %arg2[%dma_start3A_34, %dma_start3A_35] : memref<340000x128xf32, #tpu.memory_space<hbm>> -> memref<340000x128xf32, #tpu.memory_space<hbm>>
      tpu.enqueue_indirect_dma source(%dma_start3A_36 : memref<340000x128xf32, #tpu.memory_space<hbm>>) target(%arg8 : memref<128x128xf32, #tpu.memory_space<vmem>>) offsets(%dma_start3A_33 : memref<128xi32, #tpu.memory_space<vmem>>) semaphore(%arg12 : memref<!tpu.dma_semaphore, #tpu.memory_space<semaphore_mem>>)
      %scan3A_37 = arith.constant 0 : i32
      %scan3A_38 = arith.constant 0 : i32
      %scan3A_39 = arith.constant 8 : i32
      %scan3A_40 = arith.addi %scan3A_38, %scan3A_39 : i32
      %scan3A_41 = arith.constant 1 : i32
      %scan3A_42 = scf.for %scan3A_45 = %scan3A_38 to %scan3A_40 step %scan3A_41 iter_args(%scan3A_46 = %scan3A_37) -> (i32)  : i32 {
        %mul3A_47 = arith.constant 2 : i32
        %mul3A_48 = arith.muli %mul3A_47, %scan3A_45 : i32
        %mul3A_49 = arith.constant 2 : i32
        %mul3A_50 = arith.muli %mul3A_49, %scan3A_45 : i32
        %add3A_51 = arith.constant 1 : i32
        %add3A_52 = arith.addi %mul3A_50, %add3A_51 : i32
        %dma_wait3A = arith.constant 0 : i32
        %dma_wait3A_53 = tpu.memref_slice %arg6[%mul3A_48, %dma_wait3A] : memref<16x128xi32, #tpu.memory_space<vmem>> -> memref<1x128xi32, #tpu.memory_space<vmem>>
        %dma_wait3A_54 = tpu.memref_squeeze %dma_wait3A_53 : memref<1x128xi32, #tpu.memory_space<vmem>> -> memref<128xi32, #tpu.memory_space<vmem>>
        %dma_wait3A_55 = arith.constant 0 : i32
        %dma_wait3A_56 = arith.constant 0 : i32
        %dma_wait3A_57 = tpu.memref_slice %arg2[%dma_wait3A_55, %dma_wait3A_56] : memref<340000x128xf32, #tpu.memory_space<hbm>> -> memref<340000x128xf32, #tpu.memory_space<hbm>>
        tpu.wait_indirect_dma semaphore(%arg12 : memref<!tpu.dma_semaphore, #tpu.memory_space<semaphore_mem>>) src(%dma_wait3A_57 : memref<340000x128xf32, #tpu.memory_space<hbm>>) dst(%arg8 : memref<128x128xf32, #tpu.memory_space<vmem>>)
        %dma_start3A_58 = arith.constant 0 : i32
        %dma_start3A_59 = tpu.memref_slice %arg6[%add3A_52, %dma_start3A_58] : memref<16x128xi32, #tpu.memory_space<vmem>> -> memref<1x128xi32, #tpu.memory_space<vmem>>
        %dma_start3A_60 = tpu.memref_squeeze %dma_start3A_59 : memref<1x128xi32, #tpu.memory_space<vmem>> -> memref<128xi32, #tpu.memory_space<vmem>>
        %dma_start3A_61 = arith.constant 0 : i32
        %dma_start3A_62 = arith.constant 0 : i32
        %dma_start3A_63 = tpu.memref_slice %arg2[%dma_start3A_61, %dma_start3A_62] : memref<340000x128xf32, #tpu.memory_space<hbm>> -> memref<340000x128xf32, #tpu.memory_space<hbm>>
        tpu.enqueue_indirect_dma source(%dma_start3A_63 : memref<340000x128xf32, #tpu.memory_space<hbm>>) target(%arg9 : memref<128x128xf32, #tpu.memory_space<vmem>>) offsets(%dma_start3A_60 : memref<128xi32, #tpu.memory_space<vmem>>) semaphore(%arg13 : memref<!tpu.dma_semaphore, #tpu.memory_space<semaphore_mem>>)
        "tpu.region"() ({
          %run_scoped3A = tpu.sem_alloc : memref<!tpu.dma_semaphore, #tpu.memory_space<semaphore_mem>>
          %dma_start3A_73 = arith.constant 0 : i32
          %dma_start3A_74 = tpu.memref_slice %arg7[%mul3A_48, %dma_start3A_73] : memref<16x128xi32, #tpu.memory_space<vmem>> -> memref<1x128xi32, #tpu.memory_space<vmem>>
          %dma_start3A_75 = tpu.memref_squeeze %dma_start3A_74 : memref<1x128xi32, #tpu.memory_space<vmem>> -> memref<128xi32, #tpu.memory_space<vmem>>
          %dma_start3A_76 = arith.constant 0 : i32
          %dma_start3A_77 = arith.constant 0 : i32
          %dma_start3A_78 = tpu.memref_slice %arg11[%dma_start3A_76, %dma_start3A_77] : memref<10240x128xf32, #tpu.memory_space<vmem_shared>> -> memref<10240x128xf32, #tpu.memory_space<vmem_shared>>
          tpu.enqueue_indirect_dma source(%arg8 : memref<128x128xf32, #tpu.memory_space<vmem>>) target(%dma_start3A_78 : memref<10240x128xf32, #tpu.memory_space<vmem_shared>>) offsets(%dma_start3A_75 : memref<128xi32, #tpu.memory_space<vmem>>) semaphore(%run_scoped3A : memref<!tpu.dma_semaphore, #tpu.memory_space<semaphore_mem>>) {add = true}
          %dma_wait3A_79 = arith.constant 0 : i32
          %dma_wait3A_80 = tpu.memref_slice %arg7[%mul3A_48, %dma_wait3A_79] : memref<16x128xi32, #tpu.memory_space<vmem>> -> memref<1x128xi32, #tpu.memory_space<vmem>>
          %dma_wait3A_81 = tpu.memref_squeeze %dma_wait3A_80 : memref<1x128xi32, #tpu.memory_space<vmem>> -> memref<128xi32, #tpu.memory_space<vmem>>
          %dma_wait3A_82 = arith.constant 0 : i32
          %dma_wait3A_83 = arith.constant 0 : i32
          %dma_wait3A_84 = tpu.memref_slice %arg11[%dma_wait3A_82, %dma_wait3A_83] : memref<10240x128xf32, #tpu.memory_space<vmem_shared>> -> memref<10240x128xf32, #tpu.memory_space<vmem_shared>>
          tpu.wait_indirect_dma semaphore(%run_scoped3A : memref<!tpu.dma_semaphore, #tpu.memory_space<semaphore_mem>>) src(%arg8 : memref<128x128xf32, #tpu.memory_space<vmem>>) dst(%dma_wait3A_84 : memref<10240x128xf32, #tpu.memory_space<vmem_shared>>)
          tpu.yield
        }) : () -> ()
        %dma_wait3A_64 = arith.constant 0 : i32
        %dma_wait3A_65 = tpu.memref_slice %arg6[%add3A_52, %dma_wait3A_64] : memref<16x128xi32, #tpu.memory_space<vmem>> -> memref<1x128xi32, #tpu.memory_space<vmem>>
        %dma_wait3A_66 = tpu.memref_squeeze %dma_wait3A_65 : memref<1x128xi32, #tpu.memory_space<vmem>> -> memref<128xi32, #tpu.memory_space<vmem>>
        %dma_wait3A_67 = arith.constant 0 : i32
        %dma_wait3A_68 = arith.constant 0 : i32
        %dma_wait3A_69 = tpu.memref_slice %arg2[%dma_wait3A_67, %dma_wait3A_68] : memref<340000x128xf32, #tpu.memory_space<hbm>> -> memref<340000x128xf32, #tpu.memory_space<hbm>>
        tpu.wait_indirect_dma semaphore(%arg13 : memref<!tpu.dma_semaphore, #tpu.memory_space<semaphore_mem>>) src(%dma_wait3A_69 : memref<340000x128xf32, #tpu.memory_space<hbm>>) dst(%arg9 : memref<128x128xf32, #tpu.memory_space<vmem>>)
        %lt3A = arith.constant 7 : i32
        %lt3A_70 = arith.cmpi slt, %scan3A_45, %lt3A : i32
        %convert_element_type3A = arith.extui %lt3A_70 : i1 to i32
        %cond3A = arith.constant 0 : i32
        %cond3A_71 = arith.cmpi ne, %convert_element_type3A, %cond3A : i32
        scf.if %cond3A_71 {
          %add3A_73 = arith.constant 1 : i32
          %add3A_74 = arith.addi %add3A_52, %add3A_73 : i32
          %dma_start3A_75 = arith.constant 0 : i32
          %dma_start3A_76 = tpu.memref_slice %arg6[%add3A_74, %dma_start3A_75] : memref<16x128xi32, #tpu.memory_space<vmem>> -> memref<1x128xi32, #tpu.memory_space<vmem>>
          %dma_start3A_77 = tpu.memref_squeeze %dma_start3A_76 : memref<1x128xi32, #tpu.memory_space<vmem>> -> memref<128xi32, #tpu.memory_space<vmem>>
          %dma_start3A_78 = arith.constant 0 : i32
          %dma_start3A_79 = arith.constant 0 : i32
          %dma_start3A_80 = tpu.memref_slice %arg2[%dma_start3A_78, %dma_start3A_79] : memref<340000x128xf32, #tpu.memory_space<hbm>> -> memref<340000x128xf32, #tpu.memory_space<hbm>>
          tpu.enqueue_indirect_dma source(%dma_start3A_80 : memref<340000x128xf32, #tpu.memory_space<hbm>>) target(%arg8 : memref<128x128xf32, #tpu.memory_space<vmem>>) offsets(%dma_start3A_77 : memref<128xi32, #tpu.memory_space<vmem>>) semaphore(%arg12 : memref<!tpu.dma_semaphore, #tpu.memory_space<semaphore_mem>>)
        } else {
        }
        "tpu.region"() ({
          %run_scoped3A = tpu.sem_alloc : memref<!tpu.dma_semaphore, #tpu.memory_space<semaphore_mem>>
          %dma_start3A_73 = arith.constant 0 : i32
          %dma_start3A_74 = tpu.memref_slice %arg7[%add3A_52, %dma_start3A_73] : memref<16x128xi32, #tpu.memory_space<vmem>> -> memref<1x128xi32, #tpu.memory_space<vmem>>
          %dma_start3A_75 = tpu.memref_squeeze %dma_start3A_74 : memref<1x128xi32, #tpu.memory_space<vmem>> -> memref<128xi32, #tpu.memory_space<vmem>>
          %dma_start3A_76 = arith.constant 0 : i32
          %dma_start3A_77 = arith.constant 0 : i32
          %dma_start3A_78 = tpu.memref_slice %arg11[%dma_start3A_76, %dma_start3A_77] : memref<10240x128xf32, #tpu.memory_space<vmem_shared>> -> memref<10240x128xf32, #tpu.memory_space<vmem_shared>>
          tpu.enqueue_indirect_dma source(%arg9 : memref<128x128xf32, #tpu.memory_space<vmem>>) target(%dma_start3A_78 : memref<10240x128xf32, #tpu.memory_space<vmem_shared>>) offsets(%dma_start3A_75 : memref<128xi32, #tpu.memory_space<vmem>>) semaphore(%run_scoped3A : memref<!tpu.dma_semaphore, #tpu.memory_space<semaphore_mem>>) {add = true}
          %dma_wait3A_79 = arith.constant 0 : i32
          %dma_wait3A_80 = tpu.memref_slice %arg7[%add3A_52, %dma_wait3A_79] : memref<16x128xi32, #tpu.memory_space<vmem>> -> memref<1x128xi32, #tpu.memory_space<vmem>>
          %dma_wait3A_81 = tpu.memref_squeeze %dma_wait3A_80 : memref<1x128xi32, #tpu.memory_space<vmem>> -> memref<128xi32, #tpu.memory_space<vmem>>
          %dma_wait3A_82 = arith.constant 0 : i32
          %dma_wait3A_83 = arith.constant 0 : i32
          %dma_wait3A_84 = tpu.memref_slice %arg11[%dma_wait3A_82, %dma_wait3A_83] : memref<10240x128xf32, #tpu.memory_space<vmem_shared>> -> memref<10240x128xf32, #tpu.memory_space<vmem_shared>>
          tpu.wait_indirect_dma semaphore(%run_scoped3A : memref<!tpu.dma_semaphore, #tpu.memory_space<semaphore_mem>>) src(%arg9 : memref<128x128xf32, #tpu.memory_space<vmem>>) dst(%dma_wait3A_84 : memref<10240x128xf32, #tpu.memory_space<vmem_shared>>)
          tpu.yield
        }) : () -> ()
        %scan3A_72 = arith.constant 0 : i32
        scf.yield %scan3A_72 : i32
      }
      %scan3A_43 = arith.constant 8 : i32
      %scan3A_44 = arith.constant 0 : i32
      scf.yield %scan3A_44 : i32
    }
    %scan3A_23 = arith.constant 5 : i32
    %barrier3A_24 = arith.constant 0 : index
    tpu.barrier barrier_id(%barrier3A_24)
    "tpu.region"() ({
      %run_scoped3A = tpu.sem_alloc : memref<!tpu.dma_semaphore, #tpu.memory_space<semaphore_mem>>
      %dma_start3A = arith.constant 0 : i32
      %dma_start3A_25 = tpu.memref_slice %arg5[%arg0, %mul3A_2, %dma_start3A] : memref<2x10240x128xf32, #tpu.memory_space<hbm>> -> memref<1x640x128xf32, #tpu.memory_space<hbm>>
      %dma_start3A_26 = tpu.memref_squeeze %dma_start3A_25 : memref<1x640x128xf32, #tpu.memory_space<hbm>> -> memref<640x128xf32, #tpu.memory_space<hbm>>
      %dma_start3A_27 = arith.constant 0 : i32
      %dma_start3A_28 = tpu.memref_slice %arg11[%mul3A_2, %dma_start3A_27] : memref<10240x128xf32, #tpu.memory_space<vmem_shared>> -> memref<640x128xf32, #tpu.memory_space<vmem_shared>>
      tpu.enqueue_dma source(%dma_start3A_28 : memref<640x128xf32, #tpu.memory_space<vmem_shared>>) target(%dma_start3A_26 : memref<640x128xf32, #tpu.memory_space<hbm>>) target_semaphore(%run_scoped3A : memref<!tpu.dma_semaphore, #tpu.memory_space<semaphore_mem>>)
      %dma_wait3A = arith.constant 0 : i32
      %dma_wait3A_29 = tpu.memref_slice %arg5[%arg0, %mul3A_2, %dma_wait3A] : memref<2x10240x128xf32, #tpu.memory_space<hbm>> -> memref<1x640x128xf32, #tpu.memory_space<hbm>>
      %dma_wait3A_30 = tpu.memref_squeeze %dma_wait3A_29 : memref<1x640x128xf32, #tpu.memory_space<hbm>> -> memref<640x128xf32, #tpu.memory_space<hbm>>
      %dma_wait3A_31 = arith.constant 0 : i32
      %dma_wait3A_32 = tpu.memref_slice %arg11[%mul3A_2, %dma_wait3A_31] : memref<10240x128xf32, #tpu.memory_space<vmem_shared>> -> memref<640x128xf32, #tpu.memory_space<vmem_shared>>
      tpu.wait_dma2 semaphore(%run_scoped3A : memref<!tpu.dma_semaphore, #tpu.memory_space<semaphore_mem>>) src(%dma_wait3A_32 : memref<640x128xf32, #tpu.memory_space<vmem_shared>>) dst(%dma_wait3A_30 : memref<640x128xf32, #tpu.memory_space<hbm>>)
      tpu.yield
    }) : () -> ()
    return
  }
}

module attributes {stable_mosaic.version = 14 : i64} {
  func.func @_gidx_body(%arg0: i32, %arg1: memref<8x1024xi32, #tpu.memory_space<vmem>>, %arg2: memref<8x1024xi32, #tpu.memory_space<vmem>>, %arg3: memref<8x1024xi32, #tpu.memory_space<vmem>>) attributes {dimension_semantics = [#tpu.dimension_semantics<arbitrary>], iteration_bounds = array<i64: 40>, scalar_prefetch = 0 : i64, scratch_operands = 0 : i64, tpu.core_type = #tpu.core_type<tc>, window_params = [{transform_indices = @transform_0, window_bounds = array<i64: 8, 1024>}, {transform_indices = @transform_1, window_bounds = array<i64: 8, 1024>}, {transform_indices = @transform_2, window_bounds = array<i64: 8, 1024>}]} {
    %get3A = arith.constant 0 : index
    %get3A_0 = arith.constant 0 : index
    %get3A_1 = vector.load %arg2[%get3A, %get3A_0] : memref<8x1024xi32, #tpu.memory_space<vmem>>, vector<8x1024xi32>
    %mul3A = arith.constant 10000 : i32
    %mul3A_2 = vector.broadcast %mul3A : i32 to vector<8x1024xi32>
    %mul3A_3 = arith.muli %get3A_1, %mul3A_2 : vector<8x1024xi32>
    %get3A_4 = arith.constant 0 : index
    %get3A_5 = arith.constant 0 : index
    %get3A_6 = vector.load %arg1[%get3A_4, %get3A_5] : memref<8x1024xi32, #tpu.memory_space<vmem>>, vector<8x1024xi32>
    %add3A = arith.addi %mul3A_3, %get3A_6 : vector<8x1024xi32>
    %swap3A = arith.constant 0 : index
    %swap3A_7 = arith.constant 0 : index
    %swap3A_8 = vector.load %arg3[%swap3A, %swap3A_7] : memref<8x1024xi32, #tpu.memory_space<vmem>>, vector<8x1024xi32>
    tpu.vector_store %arg3[%swap3A, %swap3A_7], %add3A {strides = array<i32>} : memref<8x1024xi32, #tpu.memory_space<vmem>>, vector<8x1024xi32>,
    return
  }
  func.func @transform_0(%arg0: i32) -> (i32, i32) {
    %c0_i32 = arith.constant 0 : i32
    %c0_i32_0 = arith.constant 0 : i32
    return %arg0, %c0_i32 : i32, i32
  }
  func.func @transform_1(%arg0: i32) -> (i32, i32) {
    %c0_i32 = arith.constant 0 : i32
    %c0_i32_0 = arith.constant 0 : i32
    return %arg0, %c0_i32 : i32, i32
  }
  func.func @transform_2(%arg0: i32) -> (i32, i32) {
    %c0_i32 = arith.constant 0 : i32
    %c0_i32_0 = arith.constant 0 : i32
    return %arg0, %c0_i32 : i32, i32
  }
}

module attributes {stable_mosaic.version = 14 : i64} {
  func.func @_relmm_body(%arg0: i32, %arg1: memref<400x128xf32, #tpu.memory_space<vmem>>, %arg2: memref<34x128x128xf32, #tpu.memory_space<vmem>>, %arg3: memref<34x400x128xf32, #tpu.memory_space<vmem>>) attributes {dimension_semantics = [#tpu.dimension_semantics<arbitrary>], iteration_bounds = array<i64: 25>, scalar_prefetch = 0 : i64, scratch_operands = 0 : i64, tpu.core_type = #tpu.core_type<tc>, window_params = [{transform_indices = @transform_0, window_bounds = array<i64: 400, 128>}, {pipeline_mode = #tpu.pipeline_mode<synchronous>, transform_indices = @transform_1, window_bounds = array<i64: 34, 128, 128>}, {transform_indices = @transform_2, window_bounds = array<i64: 34, 400, 128>}]} {
    %get3A = arith.constant 0 : index
    %get3A_0 = arith.constant 0 : index
    %get3A_1 = vector.load %arg1[%get3A, %get3A_0] : memref<400x128xf32, #tpu.memory_space<vmem>>, vector<400x128xf32>
    %get3A_2 = arith.constant 0 : index
    %get3A_3 = arith.constant 0 : index
    %get3A_4 = arith.constant 0 : index
    %get3A_5 = vector.load %arg2[%get3A_2, %get3A_3, %get3A_4] : memref<34x128x128xf32, #tpu.memory_space<vmem>>, vector<1x128x128xf32>
    %get3A_6 = vector.shape_cast %get3A_5 : vector<1x128x128xf32> to vector<128x128xf32>
    %dot_general3A = arith.constant dense<0.000000e+00> : vector<400x128xf32>
    %dot_general3A_7 = tpu.matmul %get3A_1, %get3A_6, %dot_general3A {dimension_numbers = #tpu.dot_dimension_numbers<[1], [0], [0], [1], [0, 0, 1, 1], [], []>, precision = #tpu.contract_precision<fp32>, transpose_lhs_hint = false} : vector<400x128xf32>, vector<128x128xf32>, vector<400x128xf32> -> vector<400x128xf32>
    %swap3A = arith.constant 0 : index
    %swap3A_8 = arith.constant 0 : index
    %swap3A_9 = arith.constant 0 : index
    %swap3A_10 = vector.load %arg3[%swap3A, %swap3A_8, %swap3A_9] : memref<34x400x128xf32, #tpu.memory_space<vmem>>, vector<1x400x128xf32>
    %swap3A_11 = vector.shape_cast %swap3A_10 : vector<1x400x128xf32> to vector<400x128xf32>
    %swap3A_12 = vector.shape_cast %dot_general3A_7 : vector<400x128xf32> to vector<1x400x128xf32>
    tpu.vector_store %arg3[%swap3A, %swap3A_8, %swap3A_9], %swap3A_12 {strides = array<i32>} : memref<34x400x128xf32, #tpu.memory_space<vmem>>, vector<1x400x128xf32>,
    %get3A_13 = arith.constant 1 : index
    %get3A_14 = arith.constant 0 : index
    %get3A_15 = arith.constant 0 : index
    %get3A_16 = vector.load %arg2[%get3A_13, %get3A_14, %get3A_15] : memref<34x128x128xf32, #tpu.memory_space<vmem>>, vector<1x128x128xf32>
    %get3A_17 = vector.shape_cast %get3A_16 : vector<1x128x128xf32> to vector<128x128xf32>
    %dot_general3A_18 = arith.constant dense<0.000000e+00> : vector<400x128xf32>
    %dot_general3A_19 = tpu.matmul %get3A_1, %get3A_17, %dot_general3A_18 {dimension_numbers = #tpu.dot_dimension_numbers<[1], [0], [0], [1], [0, 0, 1, 1], [], []>, precision = #tpu.contract_precision<fp32>, transpose_lhs_hint = false} : vector<400x128xf32>, vector<128x128xf32>, vector<400x128xf32> -> vector<400x128xf32>
    %swap3A_20 = arith.constant 1 : index
    %swap3A_21 = arith.constant 0 : index
    %swap3A_22 = arith.constant 0 : index
    %swap3A_23 = vector.load %arg3[%swap3A_20, %swap3A_21, %swap3A_22] : memref<34x400x128xf32, #tpu.memory_space<vmem>>, vector<1x400x128xf32>
    %swap3A_24 = vector.shape_cast %swap3A_23 : vector<1x400x128xf32> to vector<400x128xf32>
    %swap3A_25 = vector.shape_cast %dot_general3A_19 : vector<400x128xf32> to vector<1x400x128xf32>
    tpu.vector_store %arg3[%swap3A_20, %swap3A_21, %swap3A_22], %swap3A_25 {strides = array<i32>} : memref<34x400x128xf32, #tpu.memory_space<vmem>>, vector<1x400x128xf32>,
    %get3A_26 = arith.constant 2 : index
    %get3A_27 = arith.constant 0 : index
    %get3A_28 = arith.constant 0 : index
    %get3A_29 = vector.load %arg2[%get3A_26, %get3A_27, %get3A_28] : memref<34x128x128xf32, #tpu.memory_space<vmem>>, vector<1x128x128xf32>
    %get3A_30 = vector.shape_cast %get3A_29 : vector<1x128x128xf32> to vector<128x128xf32>
    %dot_general3A_31 = arith.constant dense<0.000000e+00> : vector<400x128xf32>
    %dot_general3A_32 = tpu.matmul %get3A_1, %get3A_30, %dot_general3A_31 {dimension_numbers = #tpu.dot_dimension_numbers<[1], [0], [0], [1], [0, 0, 1, 1], [], []>, precision = #tpu.contract_precision<fp32>, transpose_lhs_hint = false} : vector<400x128xf32>, vector<128x128xf32>, vector<400x128xf32> -> vector<400x128xf32>
    %swap3A_33 = arith.constant 2 : index
    %swap3A_34 = arith.constant 0 : index
    %swap3A_35 = arith.constant 0 : index
    %swap3A_36 = vector.load %arg3[%swap3A_33, %swap3A_34, %swap3A_35] : memref<34x400x128xf32, #tpu.memory_space<vmem>>, vector<1x400x128xf32>
    %swap3A_37 = vector.shape_cast %swap3A_36 : vector<1x400x128xf32> to vector<400x128xf32>
    %swap3A_38 = vector.shape_cast %dot_general3A_32 : vector<400x128xf32> to vector<1x400x128xf32>
    tpu.vector_store %arg3[%swap3A_33, %swap3A_34, %swap3A_35], %swap3A_38 {strides = array<i32>} : memref<34x400x128xf32, #tpu.memory_space<vmem>>, vector<1x400x128xf32>,
    %get3A_39 = arith.constant 3 : index
    %get3A_40 = arith.constant 0 : index
    %get3A_41 = arith.constant 0 : index
    %get3A_42 = vector.load %arg2[%get3A_39, %get3A_40, %get3A_41] : memref<34x128x128xf32, #tpu.memory_space<vmem>>, vector<1x128x128xf32>
    %get3A_43 = vector.shape_cast %get3A_42 : vector<1x128x128xf32> to vector<128x128xf32>
    %dot_general3A_44 = arith.constant dense<0.000000e+00> : vector<400x128xf32>
    %dot_general3A_45 = tpu.matmul %get3A_1, %get3A_43, %dot_general3A_44 {dimension_numbers = #tpu.dot_dimension_numbers<[1], [0], [0], [1], [0, 0, 1, 1], [], []>, precision = #tpu.contract_precision<fp32>, transpose_lhs_hint = false} : vector<400x128xf32>, vector<128x128xf32>, vector<400x128xf32> -> vector<400x128xf32>
    %swap3A_46 = arith.constant 3 : index
    %swap3A_47 = arith.constant 0 : index
    %swap3A_48 = arith.constant 0 : index
    %swap3A_49 = vector.load %arg3[%swap3A_46, %swap3A_47, %swap3A_48] : memref<34x400x128xf32, #tpu.memory_space<vmem>>, vector<1x400x128xf32>
    %swap3A_50 = vector.shape_cast %swap3A_49 : vector<1x400x128xf32> to vector<400x128xf32>
    %swap3A_51 = vector.shape_cast %dot_general3A_45 : vector<400x128xf32> to vector<1x400x128xf32>
    tpu.vector_store %arg3[%swap3A_46, %swap3A_47, %swap3A_48], %swap3A_51 {strides = array<i32>} : memref<34x400x128xf32, #tpu.memory_space<vmem>>, vector<1x400x128xf32>,
    %get3A_52 = arith.constant 4 : index
    %get3A_53 = arith.constant 0 : index
    %get3A_54 = arith.constant 0 : index
    %get3A_55 = vector.load %arg2[%get3A_52, %get3A_53, %get3A_54] : memref<34x128x128xf32, #tpu.memory_space<vmem>>, vector<1x128x128xf32>
    %get3A_56 = vector.shape_cast %get3A_55 : vector<1x128x128xf32> to vector<128x128xf32>
    %dot_general3A_57 = arith.constant dense<0.000000e+00> : vector<400x128xf32>
    %dot_general3A_58 = tpu.matmul %get3A_1, %get3A_56, %dot_general3A_57 {dimension_numbers = #tpu.dot_dimension_numbers<[1], [0], [0], [1], [0, 0, 1, 1], [], []>, precision = #tpu.contract_precision<fp32>, transpose_lhs_hint = false} : vector<400x128xf32>, vector<128x128xf32>, vector<400x128xf32> -> vector<400x128xf32>
    %swap3A_59 = arith.constant 4 : index
    %swap3A_60 = arith.constant 0 : index
    %swap3A_61 = arith.constant 0 : index
    %swap3A_62 = vector.load %arg3[%swap3A_59, %swap3A_60, %swap3A_61] : memref<34x400x128xf32, #tpu.memory_space<vmem>>, vector<1x400x128xf32>
    %swap3A_63 = vector.shape_cast %swap3A_62 : vector<1x400x128xf32> to vector<400x128xf32>
    %swap3A_64 = vector.shape_cast %dot_general3A_58 : vector<400x128xf32> to vector<1x400x128xf32>
    tpu.vector_store %arg3[%swap3A_59, %swap3A_60, %swap3A_61], %swap3A_64 {strides = array<i32>} : memref<34x400x128xf32, #tpu.memory_space<vmem>>, vector<1x400x128xf32>,
    %get3A_65 = arith.constant 5 : index
    %get3A_66 = arith.constant 0 : index
    %get3A_67 = arith.constant 0 : index
    %get3A_68 = vector.load %arg2[%get3A_65, %get3A_66, %get3A_67] : memref<34x128x128xf32, #tpu.memory_space<vmem>>, vector<1x128x128xf32>
    %get3A_69 = vector.shape_cast %get3A_68 : vector<1x128x128xf32> to vector<128x128xf32>
    %dot_general3A_70 = arith.constant dense<0.000000e+00> : vector<400x128xf32>
    %dot_general3A_71 = tpu.matmul %get3A_1, %get3A_69, %dot_general3A_70 {dimension_numbers = #tpu.dot_dimension_numbers<[1], [0], [0], [1], [0, 0, 1, 1], [], []>, precision = #tpu.contract_precision<fp32>, transpose_lhs_hint = false} : vector<400x128xf32>, vector<128x128xf32>, vector<400x128xf32> -> vector<400x128xf32>
    %swap3A_72 = arith.constant 5 : index
    %swap3A_73 = arith.constant 0 : index
    %swap3A_74 = arith.constant 0 : index
    %swap3A_75 = vector.load %arg3[%swap3A_72, %swap3A_73, %swap3A_74] : memref<34x400x128xf32, #tpu.memory_space<vmem>>, vector<1x400x128xf32>
    %swap3A_76 = vector.shape_cast %swap3A_75 : vector<1x400x128xf32> to vector<400x128xf32>
    %swap3A_77 = vector.shape_cast %dot_general3A_71 : vector<400x128xf32> to vector<1x400x128xf32>
    tpu.vector_store %arg3[%swap3A_72, %swap3A_73, %swap3A_74], %swap3A_77 {strides = array<i32>} : memref<34x400x128xf32, #tpu.memory_space<vmem>>, vector<1x400x128xf32>,
    %get3A_78 = arith.constant 6 : index
    %get3A_79 = arith.constant 0 : index
    %get3A_80 = arith.constant 0 : index
    %get3A_81 = vector.load %arg2[%get3A_78, %get3A_79, %get3A_80] : memref<34x128x128xf32, #tpu.memory_space<vmem>>, vector<1x128x128xf32>
    %get3A_82 = vector.shape_cast %get3A_81 : vector<1x128x128xf32> to vector<128x128xf32>
    %dot_general3A_83 = arith.constant dense<0.000000e+00> : vector<400x128xf32>
    %dot_general3A_84 = tpu.matmul %get3A_1, %get3A_82, %dot_general3A_83 {dimension_numbers = #tpu.dot_dimension_numbers<[1], [0], [0], [1], [0, 0, 1, 1], [], []>, precision = #tpu.contract_precision<fp32>, transpose_lhs_hint = false} : vector<400x128xf32>, vector<128x128xf32>, vector<400x128xf32> -> vector<400x128xf32>
    %swap3A_85 = arith.constant 6 : index
    %swap3A_86 = arith.constant 0 : index
    %swap3A_87 = arith.constant 0 : index
    %swap3A_88 = vector.load %arg3[%swap3A_85, %swap3A_86, %swap3A_87] : memref<34x400x128xf32, #tpu.memory_space<vmem>>, vector<1x400x128xf32>
    %swap3A_89 = vector.shape_cast %swap3A_88 : vector<1x400x128xf32> to vector<400x128xf32>
    %swap3A_90 = vector.shape_cast %dot_general3A_84 : vector<400x128xf32> to vector<1x400x128xf32>
    tpu.vector_store %arg3[%swap3A_85, %swap3A_86, %swap3A_87], %swap3A_90 {strides = array<i32>} : memref<34x400x128xf32, #tpu.memory_space<vmem>>, vector<1x400x128xf32>,
    %get3A_91 = arith.constant 7 : index
    %get3A_92 = arith.constant 0 : index
    %get3A_93 = arith.constant 0 : index
    %get3A_94 = vector.load %arg2[%get3A_91, %get3A_92, %get3A_93] : memref<34x128x128xf32, #tpu.memory_space<vmem>>, vector<1x128x128xf32>
    %get3A_95 = vector.shape_cast %get3A_94 : vector<1x128x128xf32> to vector<128x128xf32>
    %dot_general3A_96 = arith.constant dense<0.000000e+00> : vector<400x128xf32>
    %dot_general3A_97 = tpu.matmul %get3A_1, %get3A_95, %dot_general3A_96 {dimension_numbers = #tpu.dot_dimension_numbers<[1], [0], [0], [1], [0, 0, 1, 1], [], []>, precision = #tpu.contract_precision<fp32>, transpose_lhs_hint = false} : vector<400x128xf32>, vector<128x128xf32>, vector<400x128xf32> -> vector<400x128xf32>
    %swap3A_98 = arith.constant 7 : index
    %swap3A_99 = arith.constant 0 : index
    %swap3A_100 = arith.constant 0 : index
    %swap3A_101 = vector.load %arg3[%swap3A_98, %swap3A_99, %swap3A_100] : memref<34x400x128xf32, #tpu.memory_space<vmem>>, vector<1x400x128xf32>
    %swap3A_102 = vector.shape_cast %swap3A_101 : vector<1x400x128xf32> to vector<400x128xf32>
    %swap3A_103 = vector.shape_cast %dot_general3A_97 : vector<400x128xf32> to vector<1x400x128xf32>
    tpu.vector_store %arg3[%swap3A_98, %swap3A_99, %swap3A_100], %swap3A_103 {strides = array<i32>} : memref<34x400x128xf32, #tpu.memory_space<vmem>>, vector<1x400x128xf32>,
    %get3A_104 = arith.constant 8 : index
    %get3A_105 = arith.constant 0 : index
    %get3A_106 = arith.constant 0 : index
    %get3A_107 = vector.load %arg2[%get3A_104, %get3A_105, %get3A_106] : memref<34x128x128xf32, #tpu.memory_space<vmem>>, vector<1x128x128xf32>
    %get3A_108 = vector.shape_cast %get3A_107 : vector<1x128x128xf32> to vector<128x128xf32>
    %dot_general3A_109 = arith.constant dense<0.000000e+00> : vector<400x128xf32>
    %dot_general3A_110 = tpu.matmul %get3A_1, %get3A_108, %dot_general3A_109 {dimension_numbers = #tpu.dot_dimension_numbers<[1], [0], [0], [1], [0, 0, 1, 1], [], []>, precision = #tpu.contract_precision<fp32>, transpose_lhs_hint = false} : vector<400x128xf32>, vector<128x128xf32>, vector<400x128xf32> -> vector<400x128xf32>
    %swap3A_111 = arith.constant 8 : index
    %swap3A_112 = arith.constant 0 : index
    %swap3A_113 = arith.constant 0 : index
    %swap3A_114 = vector.load %arg3[%swap3A_111, %swap3A_112, %swap3A_113] : memref<34x400x128xf32, #tpu.memory_space<vmem>>, vector<1x400x128xf32>
    %swap3A_115 = vector.shape_cast %swap3A_114 : vector<1x400x128xf32> to vector<400x128xf32>
    %swap3A_116 = vector.shape_cast %dot_general3A_110 : vector<400x128xf32> to vector<1x400x128xf32>
    tpu.vector_store %arg3[%swap3A_111, %swap3A_112, %swap3A_113], %swap3A_116 {strides = array<i32>} : memref<34x400x128xf32, #tpu.memory_space<vmem>>, vector<1x400x128xf32>,
    %get3A_117 = arith.constant 9 : index
    %get3A_118 = arith.constant 0 : index
    %get3A_119 = arith.constant 0 : index
    %get3A_120 = vector.load %arg2[%get3A_117, %get3A_118, %get3A_119] : memref<34x128x128xf32, #tpu.memory_space<vmem>>, vector<1x128x128xf32>
    %get3A_121 = vector.shape_cast %get3A_120 : vector<1x128x128xf32> to vector<128x128xf32>
    %dot_general3A_122 = arith.constant dense<0.000000e+00> : vector<400x128xf32>
    %dot_general3A_123 = tpu.matmul %get3A_1, %get3A_121, %dot_general3A_122 {dimension_numbers = #tpu.dot_dimension_numbers<[1], [0], [0], [1], [0, 0, 1, 1], [], []>, precision = #tpu.contract_precision<fp32>, transpose_lhs_hint = false} : vector<400x128xf32>, vector<128x128xf32>, vector<400x128xf32> -> vector<400x128xf32>
    %swap3A_124 = arith.constant 9 : index
    %swap3A_125 = arith.constant 0 : index
    %swap3A_126 = arith.constant 0 : index
    %swap3A_127 = vector.load %arg3[%swap3A_124, %swap3A_125, %swap3A_126] : memref<34x400x128xf32, #tpu.memory_space<vmem>>, vector<1x400x128xf32>
    %swap3A_128 = vector.shape_cast %swap3A_127 : vector<1x400x128xf32> to vector<400x128xf32>
    %swap3A_129 = vector.shape_cast %dot_general3A_123 : vector<400x128xf32> to vector<1x400x128xf32>
    tpu.vector_store %arg3[%swap3A_124, %swap3A_125, %swap3A_126], %swap3A_129 {strides = array<i32>} : memref<34x400x128xf32, #tpu.memory_space<vmem>>, vector<1x400x128xf32>,
    %get3A_130 = arith.constant 10 : index
    %get3A_131 = arith.constant 0 : index
    %get3A_132 = arith.constant 0 : index
    %get3A_133 = vector.load %arg2[%get3A_130, %get3A_131, %get3A_132] : memref<34x128x128xf32, #tpu.memory_space<vmem>>, vector<1x128x128xf32>
    %get3A_134 = vector.shape_cast %get3A_133 : vector<1x128x128xf32> to vector<128x128xf32>
    %dot_general3A_135 = arith.constant dense<0.000000e+00> : vector<400x128xf32>
    %dot_general3A_136 = tpu.matmul %get3A_1, %get3A_134, %dot_general3A_135 {dimension_numbers = #tpu.dot_dimension_numbers<[1], [0], [0], [1], [0, 0, 1, 1], [], []>, precision = #tpu.contract_precision<fp32>, transpose_lhs_hint = false} : vector<400x128xf32>, vector<128x128xf32>, vector<400x128xf32> -> vector<400x128xf32>
    %swap3A_137 = arith.constant 10 : index
    %swap3A_138 = arith.constant 0 : index
    %swap3A_139 = arith.constant 0 : index
    %swap3A_140 = vector.load %arg3[%swap3A_137, %swap3A_138, %swap3A_139] : memref<34x400x128xf32, #tpu.memory_space<vmem>>, vector<1x400x128xf32>
    %swap3A_141 = vector.shape_cast %swap3A_140 : vector<1x400x128xf32> to vector<400x128xf32>
    %swap3A_142 = vector.shape_cast %dot_general3A_136 : vector<400x128xf32> to vector<1x400x128xf32>
    tpu.vector_store %arg3[%swap3A_137, %swap3A_138, %swap3A_139], %swap3A_142 {strides = array<i32>} : memref<34x400x128xf32, #tpu.memory_space<vmem>>, vector<1x400x128xf32>,
    %get3A_143 = arith.constant 11 : index
    %get3A_144 = arith.constant 0 : index
    %get3A_145 = arith.constant 0 : index
    %get3A_146 = vector.load %arg2[%get3A_143, %get3A_144, %get3A_145] : memref<34x128x128xf32, #tpu.memory_space<vmem>>, vector<1x128x128xf32>
    %get3A_147 = vector.shape_cast %get3A_146 : vector<1x128x128xf32> to vector<128x128xf32>
    %dot_general3A_148 = arith.constant dense<0.000000e+00> : vector<400x128xf32>
    %dot_general3A_149 = tpu.matmul %get3A_1, %get3A_147, %dot_general3A_148 {dimension_numbers = #tpu.dot_dimension_numbers<[1], [0], [0], [1], [0, 0, 1, 1], [], []>, precision = #tpu.contract_precision<fp32>, transpose_lhs_hint = false} : vector<400x128xf32>, vector<128x128xf32>, vector<400x128xf32> -> vector<400x128xf32>
    %swap3A_150 = arith.constant 11 : index
    %swap3A_151 = arith.constant 0 : index
    %swap3A_152 = arith.constant 0 : index
    %swap3A_153 = vector.load %arg3[%swap3A_150, %swap3A_151, %swap3A_152] : memref<34x400x128xf32, #tpu.memory_space<vmem>>, vector<1x400x128xf32>
    %swap3A_154 = vector.shape_cast %swap3A_153 : vector<1x400x128xf32> to vector<400x128xf32>
    %swap3A_155 = vector.shape_cast %dot_general3A_149 : vector<400x128xf32> to vector<1x400x128xf32>
    tpu.vector_store %arg3[%swap3A_150, %swap3A_151, %swap3A_152], %swap3A_155 {strides = array<i32>} : memref<34x400x128xf32, #tpu.memory_space<vmem>>, vector<1x400x128xf32>,
    %get3A_156 = arith.constant 12 : index
    %get3A_157 = arith.constant 0 : index
    %get3A_158 = arith.constant 0 : index
    %get3A_159 = vector.load %arg2[%get3A_156, %get3A_157, %get3A_158] : memref<34x128x128xf32, #tpu.memory_space<vmem>>, vector<1x128x128xf32>
    %get3A_160 = vector.shape_cast %get3A_159 : vector<1x128x128xf32> to vector<128x128xf32>
    %dot_general3A_161 = arith.constant dense<0.000000e+00> : vector<400x128xf32>
    %dot_general3A_162 = tpu.matmul %get3A_1, %get3A_160, %dot_general3A_161 {dimension_numbers = #tpu.dot_dimension_numbers<[1], [0], [0], [1], [0, 0, 1, 1], [], []>, precision = #tpu.contract_precision<fp32>, transpose_lhs_hint = false} : vector<400x128xf32>, vector<128x128xf32>, vector<400x128xf32> -> vector<400x128xf32>
    %swap3A_163 = arith.constant 12 : index
    %swap3A_164 = arith.constant 0 : index
    %swap3A_165 = arith.constant 0 : index
    %swap3A_166 = vector.load %arg3[%swap3A_163, %swap3A_164, %swap3A_165] : memref<34x400x128xf32, #tpu.memory_space<vmem>>, vector<1x400x128xf32>
    %swap3A_167 = vector.shape_cast %swap3A_166 : vector<1x400x128xf32> to vector<400x128xf32>
    %swap3A_168 = vector.shape_cast %dot_general3A_162 : vector<400x128xf32> to vector<1x400x128xf32>
    tpu.vector_store %arg3[%swap3A_163, %swap3A_164, %swap3A_165], %swap3A_168 {strides = array<i32>} : memref<34x400x128xf32, #tpu.memory_space<vmem>>, vector<1x400x128xf32>,
    %get3A_169 = arith.constant 13 : index
    %get3A_170 = arith.constant 0 : index
    %get3A_171 = arith.constant 0 : index
    %get3A_172 = vector.load %arg2[%get3A_169, %get3A_170, %get3A_171] : memref<34x128x128xf32, #tpu.memory_space<vmem>>, vector<1x128x128xf32>
    %get3A_173 = vector.shape_cast %get3A_172 : vector<1x128x128xf32> to vector<128x128xf32>
    %dot_general3A_174 = arith.constant dense<0.000000e+00> : vector<400x128xf32>
    %dot_general3A_175 = tpu.matmul %get3A_1, %get3A_173, %dot_general3A_174 {dimension_numbers = #tpu.dot_dimension_numbers<[1], [0], [0], [1], [0, 0, 1, 1], [], []>, precision = #tpu.contract_precision<fp32>, transpose_lhs_hint = false} : vector<400x128xf32>, vector<128x128xf32>, vector<400x128xf32> -> vector<400x128xf32>
    %swap3A_176 = arith.constant 13 : index
    %swap3A_177 = arith.constant 0 : index
    %swap3A_178 = arith.constant 0 : index
    %swap3A_179 = vector.load %arg3[%swap3A_176, %swap3A_177, %swap3A_178] : memref<34x400x128xf32, #tpu.memory_space<vmem>>, vector<1x400x128xf32>
    %swap3A_180 = vector.shape_cast %swap3A_179 : vector<1x400x128xf32> to vector<400x128xf32>
    %swap3A_181 = vector.shape_cast %dot_general3A_175 : vector<400x128xf32> to vector<1x400x128xf32>
    tpu.vector_store %arg3[%swap3A_176, %swap3A_177, %swap3A_178], %swap3A_181 {strides = array<i32>} : memref<34x400x128xf32, #tpu.memory_space<vmem>>, vector<1x400x128xf32>,
    %get3A_182 = arith.constant 14 : index
    %get3A_183 = arith.constant 0 : index
    %get3A_184 = arith.constant 0 : index
    %get3A_185 = vector.load %arg2[%get3A_182, %get3A_183, %get3A_184] : memref<34x128x128xf32, #tpu.memory_space<vmem>>, vector<1x128x128xf32>
    %get3A_186 = vector.shape_cast %get3A_185 : vector<1x128x128xf32> to vector<128x128xf32>
    %dot_general3A_187 = arith.constant dense<0.000000e+00> : vector<400x128xf32>
    %dot_general3A_188 = tpu.matmul %get3A_1, %get3A_186, %dot_general3A_187 {dimension_numbers = #tpu.dot_dimension_numbers<[1], [0], [0], [1], [0, 0, 1, 1], [], []>, precision = #tpu.contract_precision<fp32>, transpose_lhs_hint = false} : vector<400x128xf32>, vector<128x128xf32>, vector<400x128xf32> -> vector<400x128xf32>
    %swap3A_189 = arith.constant 14 : index
    %swap3A_190 = arith.constant 0 : index
    %swap3A_191 = arith.constant 0 : index
    %swap3A_192 = vector.load %arg3[%swap3A_189, %swap3A_190, %swap3A_191] : memref<34x400x128xf32, #tpu.memory_space<vmem>>, vector<1x400x128xf32>
    %swap3A_193 = vector.shape_cast %swap3A_192 : vector<1x400x128xf32> to vector<400x128xf32>
    %swap3A_194 = vector.shape_cast %dot_general3A_188 : vector<400x128xf32> to vector<1x400x128xf32>
    tpu.vector_store %arg3[%swap3A_189, %swap3A_190, %swap3A_191], %swap3A_194 {strides = array<i32>} : memref<34x400x128xf32, #tpu.memory_space<vmem>>, vector<1x400x128xf32>,
    %get3A_195 = arith.constant 15 : index
    %get3A_196 = arith.constant 0 : index
    %get3A_197 = arith.constant 0 : index
    %get3A_198 = vector.load %arg2[%get3A_195, %get3A_196, %get3A_197] : memref<34x128x128xf32, #tpu.memory_space<vmem>>, vector<1x128x128xf32>
    %get3A_199 = vector.shape_cast %get3A_198 : vector<1x128x128xf32> to vector<128x128xf32>
    %dot_general3A_200 = arith.constant dense<0.000000e+00> : vector<400x128xf32>
    %dot_general3A_201 = tpu.matmul %get3A_1, %get3A_199, %dot_general3A_200 {dimension_numbers = #tpu.dot_dimension_numbers<[1], [0], [0], [1], [0, 0, 1, 1], [], []>, precision = #tpu.contract_precision<fp32>, transpose_lhs_hint = false} : vector<400x128xf32>, vector<128x128xf32>, vector<400x128xf32> -> vector<400x128xf32>
    %swap3A_202 = arith.constant 15 : index
    %swap3A_203 = arith.constant 0 : index
    %swap3A_204 = arith.constant 0 : index
    %swap3A_205 = vector.load %arg3[%swap3A_202, %swap3A_203, %swap3A_204] : memref<34x400x128xf32, #tpu.memory_space<vmem>>, vector<1x400x128xf32>
    %swap3A_206 = vector.shape_cast %swap3A_205 : vector<1x400x128xf32> to vector<400x128xf32>
    %swap3A_207 = vector.shape_cast %dot_general3A_201 : vector<400x128xf32> to vector<1x400x128xf32>
    tpu.vector_store %arg3[%swap3A_202, %swap3A_203, %swap3A_204], %swap3A_207 {strides = array<i32>} : memref<34x400x128xf32, #tpu.memory_space<vmem>>, vector<1x400x128xf32>,
    %get3A_208 = arith.constant 16 : index
    %get3A_209 = arith.constant 0 : index
    %get3A_210 = arith.constant 0 : index
    %get3A_211 = vector.load %arg2[%get3A_208, %get3A_209, %get3A_210] : memref<34x128x128xf32, #tpu.memory_space<vmem>>, vector<1x128x128xf32>
    %get3A_212 = vector.shape_cast %get3A_211 : vector<1x128x128xf32> to vector<128x128xf32>
    %dot_general3A_213 = arith.constant dense<0.000000e+00> : vector<400x128xf32>
    %dot_general3A_214 = tpu.matmul %get3A_1, %get3A_212, %dot_general3A_213 {dimension_numbers = #tpu.dot_dimension_numbers<[1], [0], [0], [1], [0, 0, 1, 1], [], []>, precision = #tpu.contract_precision<fp32>, transpose_lhs_hint = false} : vector<400x128xf32>, vector<128x128xf32>, vector<400x128xf32> -> vector<400x128xf32>
    %swap3A_215 = arith.constant 16 : index
    %swap3A_216 = arith.constant 0 : index
    %swap3A_217 = arith.constant 0 : index
    %swap3A_218 = vector.load %arg3[%swap3A_215, %swap3A_216, %swap3A_217] : memref<34x400x128xf32, #tpu.memory_space<vmem>>, vector<1x400x128xf32>
    %swap3A_219 = vector.shape_cast %swap3A_218 : vector<1x400x128xf32> to vector<400x128xf32>
    %swap3A_220 = vector.shape_cast %dot_general3A_214 : vector<400x128xf32> to vector<1x400x128xf32>
    tpu.vector_store %arg3[%swap3A_215, %swap3A_216, %swap3A_217], %swap3A_220 {strides = array<i32>} : memref<34x400x128xf32, #tpu.memory_space<vmem>>, vector<1x400x128xf32>,
    %get3A_221 = arith.constant 17 : index
    %get3A_222 = arith.constant 0 : index
    %get3A_223 = arith.constant 0 : index
    %get3A_224 = vector.load %arg2[%get3A_221, %get3A_222, %get3A_223] : memref<34x128x128xf32, #tpu.memory_space<vmem>>, vector<1x128x128xf32>
    %get3A_225 = vector.shape_cast %get3A_224 : vector<1x128x128xf32> to vector<128x128xf32>
    %dot_general3A_226 = arith.constant dense<0.000000e+00> : vector<400x128xf32>
    %dot_general3A_227 = tpu.matmul %get3A_1, %get3A_225, %dot_general3A_226 {dimension_numbers = #tpu.dot_dimension_numbers<[1], [0], [0], [1], [0, 0, 1, 1], [], []>, precision = #tpu.contract_precision<fp32>, transpose_lhs_hint = false} : vector<400x128xf32>, vector<128x128xf32>, vector<400x128xf32> -> vector<400x128xf32>
    %swap3A_228 = arith.constant 17 : index
    %swap3A_229 = arith.constant 0 : index
    %swap3A_230 = arith.constant 0 : index
    %swap3A_231 = vector.load %arg3[%swap3A_228, %swap3A_229, %swap3A_230] : memref<34x400x128xf32, #tpu.memory_space<vmem>>, vector<1x400x128xf32>
    %swap3A_232 = vector.shape_cast %swap3A_231 : vector<1x400x128xf32> to vector<400x128xf32>
    %swap3A_233 = vector.shape_cast %dot_general3A_227 : vector<400x128xf32> to vector<1x400x128xf32>
    tpu.vector_store %arg3[%swap3A_228, %swap3A_229, %swap3A_230], %swap3A_233 {strides = array<i32>} : memref<34x400x128xf32, #tpu.memory_space<vmem>>, vector<1x400x128xf32>,
    %get3A_234 = arith.constant 18 : index
    %get3A_235 = arith.constant 0 : index
    %get3A_236 = arith.constant 0 : index
    %get3A_237 = vector.load %arg2[%get3A_234, %get3A_235, %get3A_236] : memref<34x128x128xf32, #tpu.memory_space<vmem>>, vector<1x128x128xf32>
    %get3A_238 = vector.shape_cast %get3A_237 : vector<1x128x128xf32> to vector<128x128xf32>
    %dot_general3A_239 = arith.constant dense<0.000000e+00> : vector<400x128xf32>
    %dot_general3A_240 = tpu.matmul %get3A_1, %get3A_238, %dot_general3A_239 {dimension_numbers = #tpu.dot_dimension_numbers<[1], [0], [0], [1], [0, 0, 1, 1], [], []>, precision = #tpu.contract_precision<fp32>, transpose_lhs_hint = false} : vector<400x128xf32>, vector<128x128xf32>, vector<400x128xf32> -> vector<400x128xf32>
    %swap3A_241 = arith.constant 18 : index
    %swap3A_242 = arith.constant 0 : index
    %swap3A_243 = arith.constant 0 : index
    %swap3A_244 = vector.load %arg3[%swap3A_241, %swap3A_242, %swap3A_243] : memref<34x400x128xf32, #tpu.memory_space<vmem>>, vector<1x400x128xf32>
    %swap3A_245 = vector.shape_cast %swap3A_244 : vector<1x400x128xf32> to vector<400x128xf32>
    %swap3A_246 = vector.shape_cast %dot_general3A_240 : vector<400x128xf32> to vector<1x400x128xf32>
    tpu.vector_store %arg3[%swap3A_241, %swap3A_242, %swap3A_243], %swap3A_246 {strides = array<i32>} : memref<34x400x128xf32, #tpu.memory_space<vmem>>, vector<1x400x128xf32>,
    %get3A_247 = arith.constant 19 : index
    %get3A_248 = arith.constant 0 : index
    %get3A_249 = arith.constant 0 : index
    %get3A_250 = vector.load %arg2[%get3A_247, %get3A_248, %get3A_249] : memref<34x128x128xf32, #tpu.memory_space<vmem>>, vector<1x128x128xf32>
    %get3A_251 = vector.shape_cast %get3A_250 : vector<1x128x128xf32> to vector<128x128xf32>
    %dot_general3A_252 = arith.constant dense<0.000000e+00> : vector<400x128xf32>
    %dot_general3A_253 = tpu.matmul %get3A_1, %get3A_251, %dot_general3A_252 {dimension_numbers = #tpu.dot_dimension_numbers<[1], [0], [0], [1], [0, 0, 1, 1], [], []>, precision = #tpu.contract_precision<fp32>, transpose_lhs_hint = false} : vector<400x128xf32>, vector<128x128xf32>, vector<400x128xf32> -> vector<400x128xf32>
    %swap3A_254 = arith.constant 19 : index
    %swap3A_255 = arith.constant 0 : index
    %swap3A_256 = arith.constant 0 : index
    %swap3A_257 = vector.load %arg3[%swap3A_254, %swap3A_255, %swap3A_256] : memref<34x400x128xf32, #tpu.memory_space<vmem>>, vector<1x400x128xf32>
    %swap3A_258 = vector.shape_cast %swap3A_257 : vector<1x400x128xf32> to vector<400x128xf32>
    %swap3A_259 = vector.shape_cast %dot_general3A_253 : vector<400x128xf32> to vector<1x400x128xf32>
    tpu.vector_store %arg3[%swap3A_254, %swap3A_255, %swap3A_256], %swap3A_259 {strides = array<i32>} : memref<34x400x128xf32, #tpu.memory_space<vmem>>, vector<1x400x128xf32>,
    %get3A_260 = arith.constant 20 : index
    %get3A_261 = arith.constant 0 : index
    %get3A_262 = arith.constant 0 : index
    %get3A_263 = vector.load %arg2[%get3A_260, %get3A_261, %get3A_262] : memref<34x128x128xf32, #tpu.memory_space<vmem>>, vector<1x128x128xf32>
    %get3A_264 = vector.shape_cast %get3A_263 : vector<1x128x128xf32> to vector<128x128xf32>
    %dot_general3A_265 = arith.constant dense<0.000000e+00> : vector<400x128xf32>
    %dot_general3A_266 = tpu.matmul %get3A_1, %get3A_264, %dot_general3A_265 {dimension_numbers = #tpu.dot_dimension_numbers<[1], [0], [0], [1], [0, 0, 1, 1], [], []>, precision = #tpu.contract_precision<fp32>, transpose_lhs_hint = false} : vector<400x128xf32>, vector<128x128xf32>, vector<400x128xf32> -> vector<400x128xf32>
    %swap3A_267 = arith.constant 20 : index
    %swap3A_268 = arith.constant 0 : index
    %swap3A_269 = arith.constant 0 : index
    %swap3A_270 = vector.load %arg3[%swap3A_267, %swap3A_268, %swap3A_269] : memref<34x400x128xf32, #tpu.memory_space<vmem>>, vector<1x400x128xf32>
    %swap3A_271 = vector.shape_cast %swap3A_270 : vector<1x400x128xf32> to vector<400x128xf32>
    %swap3A_272 = vector.shape_cast %dot_general3A_266 : vector<400x128xf32> to vector<1x400x128xf32>
    tpu.vector_store %arg3[%swap3A_267, %swap3A_268, %swap3A_269], %swap3A_272 {strides = array<i32>} : memref<34x400x128xf32, #tpu.memory_space<vmem>>, vector<1x400x128xf32>,
    %get3A_273 = arith.constant 21 : index
    %get3A_274 = arith.constant 0 : index
    %get3A_275 = arith.constant 0 : index
    %get3A_276 = vector.load %arg2[%get3A_273, %get3A_274, %get3A_275] : memref<34x128x128xf32, #tpu.memory_space<vmem>>, vector<1x128x128xf32>
    %get3A_277 = vector.shape_cast %get3A_276 : vector<1x128x128xf32> to vector<128x128xf32>
    %dot_general3A_278 = arith.constant dense<0.000000e+00> : vector<400x128xf32>
    %dot_general3A_279 = tpu.matmul %get3A_1, %get3A_277, %dot_general3A_278 {dimension_numbers = #tpu.dot_dimension_numbers<[1], [0], [0], [1], [0, 0, 1, 1], [], []>, precision = #tpu.contract_precision<fp32>, transpose_lhs_hint = false} : vector<400x128xf32>, vector<128x128xf32>, vector<400x128xf32> -> vector<400x128xf32>
    %swap3A_280 = arith.constant 21 : index
    %swap3A_281 = arith.constant 0 : index
    %swap3A_282 = arith.constant 0 : index
    %swap3A_283 = vector.load %arg3[%swap3A_280, %swap3A_281, %swap3A_282] : memref<34x400x128xf32, #tpu.memory_space<vmem>>, vector<1x400x128xf32>
    %swap3A_284 = vector.shape_cast %swap3A_283 : vector<1x400x128xf32> to vector<400x128xf32>
    %swap3A_285 = vector.shape_cast %dot_general3A_279 : vector<400x128xf32> to vector<1x400x128xf32>
    tpu.vector_store %arg3[%swap3A_280, %swap3A_281, %swap3A_282], %swap3A_285 {strides = array<i32>} : memref<34x400x128xf32, #tpu.memory_space<vmem>>, vector<1x400x128xf32>,
    %get3A_286 = arith.constant 22 : index
    %get3A_287 = arith.constant 0 : index
    %get3A_288 = arith.constant 0 : index
    %get3A_289 = vector.load %arg2[%get3A_286, %get3A_287, %get3A_288] : memref<34x128x128xf32, #tpu.memory_space<vmem>>, vector<1x128x128xf32>
    %get3A_290 = vector.shape_cast %get3A_289 : vector<1x128x128xf32> to vector<128x128xf32>
    %dot_general3A_291 = arith.constant dense<0.000000e+00> : vector<400x128xf32>
    %dot_general3A_292 = tpu.matmul %get3A_1, %get3A_290, %dot_general3A_291 {dimension_numbers = #tpu.dot_dimension_numbers<[1], [0], [0], [1], [0, 0, 1, 1], [], []>, precision = #tpu.contract_precision<fp32>, transpose_lhs_hint = false} : vector<400x128xf32>, vector<128x128xf32>, vector<400x128xf32> -> vector<400x128xf32>
    %swap3A_293 = arith.constant 22 : index
    %swap3A_294 = arith.constant 0 : index
    %swap3A_295 = arith.constant 0 : index
    %swap3A_296 = vector.load %arg3[%swap3A_293, %swap3A_294, %swap3A_295] : memref<34x400x128xf32, #tpu.memory_space<vmem>>, vector<1x400x128xf32>
    %swap3A_297 = vector.shape_cast %swap3A_296 : vector<1x400x128xf32> to vector<400x128xf32>
    %swap3A_298 = vector.shape_cast %dot_general3A_292 : vector<400x128xf32> to vector<1x400x128xf32>
    tpu.vector_store %arg3[%swap3A_293, %swap3A_294, %swap3A_295], %swap3A_298 {strides = array<i32>} : memref<34x400x128xf32, #tpu.memory_space<vmem>>, vector<1x400x128xf32>,
    %get3A_299 = arith.constant 23 : index
    %get3A_300 = arith.constant 0 : index
    %get3A_301 = arith.constant 0 : index
    %get3A_302 = vector.load %arg2[%get3A_299, %get3A_300, %get3A_301] : memref<34x128x128xf32, #tpu.memory_space<vmem>>, vector<1x128x128xf32>
    %get3A_303 = vector.shape_cast %get3A_302 : vector<1x128x128xf32> to vector<128x128xf32>
    %dot_general3A_304 = arith.constant dense<0.000000e+00> : vector<400x128xf32>
    %dot_general3A_305 = tpu.matmul %get3A_1, %get3A_303, %dot_general3A_304 {dimension_numbers = #tpu.dot_dimension_numbers<[1], [0], [0], [1], [0, 0, 1, 1], [], []>, precision = #tpu.contract_precision<fp32>, transpose_lhs_hint = false} : vector<400x128xf32>, vector<128x128xf32>, vector<400x128xf32> -> vector<400x128xf32>
    %swap3A_306 = arith.constant 23 : index
    %swap3A_307 = arith.constant 0 : index
    %swap3A_308 = arith.constant 0 : index
    %swap3A_309 = vector.load %arg3[%swap3A_306, %swap3A_307, %swap3A_308] : memref<34x400x128xf32, #tpu.memory_space<vmem>>, vector<1x400x128xf32>
    %swap3A_310 = vector.shape_cast %swap3A_309 : vector<1x400x128xf32> to vector<400x128xf32>
    %swap3A_311 = vector.shape_cast %dot_general3A_305 : vector<400x128xf32> to vector<1x400x128xf32>
    tpu.vector_store %arg3[%swap3A_306, %swap3A_307, %swap3A_308], %swap3A_311 {strides = array<i32>} : memref<34x400x128xf32, #tpu.memory_space<vmem>>, vector<1x400x128xf32>,
    %get3A_312 = arith.constant 24 : index
    %get3A_313 = arith.constant 0 : index
    %get3A_314 = arith.constant 0 : index
    %get3A_315 = vector.load %arg2[%get3A_312, %get3A_313, %get3A_314] : memref<34x128x128xf32, #tpu.memory_space<vmem>>, vector<1x128x128xf32>
    %get3A_316 = vector.shape_cast %get3A_315 : vector<1x128x128xf32> to vector<128x128xf32>
    %dot_general3A_317 = arith.constant dense<0.000000e+00> : vector<400x128xf32>
    %dot_general3A_318 = tpu.matmul %get3A_1, %get3A_316, %dot_general3A_317 {dimension_numbers = #tpu.dot_dimension_numbers<[1], [0], [0], [1], [0, 0, 1, 1], [], []>, precision = #tpu.contract_precision<fp32>, transpose_lhs_hint = false} : vector<400x128xf32>, vector<128x128xf32>, vector<400x128xf32> -> vector<400x128xf32>
    %swap3A_319 = arith.constant 24 : index
    %swap3A_320 = arith.constant 0 : index
    %swap3A_321 = arith.constant 0 : index
    %swap3A_322 = vector.load %arg3[%swap3A_319, %swap3A_320, %swap3A_321] : memref<34x400x128xf32, #tpu.memory_space<vmem>>, vector<1x400x128xf32>
    %swap3A_323 = vector.shape_cast %swap3A_322 : vector<1x400x128xf32> to vector<400x128xf32>
    %swap3A_324 = vector.shape_cast %dot_general3A_318 : vector<400x128xf32> to vector<1x400x128xf32>
    tpu.vector_store %arg3[%swap3A_319, %swap3A_320, %swap3A_321], %swap3A_324 {strides = array<i32>} : memref<34x400x128xf32, #tpu.memory_space<vmem>>, vector<1x400x128xf32>,
    %get3A_325 = arith.constant 25 : index
    %get3A_326 = arith.constant 0 : index
    %get3A_327 = arith.constant 0 : index
    %get3A_328 = vector.load %arg2[%get3A_325, %get3A_326, %get3A_327] : memref<34x128x128xf32, #tpu.memory_space<vmem>>, vector<1x128x128xf32>
    %get3A_329 = vector.shape_cast %get3A_328 : vector<1x128x128xf32> to vector<128x128xf32>
    %dot_general3A_330 = arith.constant dense<0.000000e+00> : vector<400x128xf32>
    %dot_general3A_331 = tpu.matmul %get3A_1, %get3A_329, %dot_general3A_330 {dimension_numbers = #tpu.dot_dimension_numbers<[1], [0], [0], [1], [0, 0, 1, 1], [], []>, precision = #tpu.contract_precision<fp32>, transpose_lhs_hint = false} : vector<400x128xf32>, vector<128x128xf32>, vector<400x128xf32> -> vector<400x128xf32>
    %swap3A_332 = arith.constant 25 : index
    %swap3A_333 = arith.constant 0 : index
    %swap3A_334 = arith.constant 0 : index
    %swap3A_335 = vector.load %arg3[%swap3A_332, %swap3A_333, %swap3A_334] : memref<34x400x128xf32, #tpu.memory_space<vmem>>, vector<1x400x128xf32>
    %swap3A_336 = vector.shape_cast %swap3A_335 : vector<1x400x128xf32> to vector<400x128xf32>
    %swap3A_337 = vector.shape_cast %dot_general3A_331 : vector<400x128xf32> to vector<1x400x128xf32>
    tpu.vector_store %arg3[%swap3A_332, %swap3A_333, %swap3A_334], %swap3A_337 {strides = array<i32>} : memref<34x400x128xf32, #tpu.memory_space<vmem>>, vector<1x400x128xf32>,
    %get3A_338 = arith.constant 26 : index
    %get3A_339 = arith.constant 0 : index
    %get3A_340 = arith.constant 0 : index
    %get3A_341 = vector.load %arg2[%get3A_338, %get3A_339, %get3A_340] : memref<34x128x128xf32, #tpu.memory_space<vmem>>, vector<1x128x128xf32>
    %get3A_342 = vector.shape_cast %get3A_341 : vector<1x128x128xf32> to vector<128x128xf32>
    %dot_general3A_343 = arith.constant dense<0.000000e+00> : vector<400x128xf32>
    %dot_general3A_344 = tpu.matmul %get3A_1, %get3A_342, %dot_general3A_343 {dimension_numbers = #tpu.dot_dimension_numbers<[1], [0], [0], [1], [0, 0, 1, 1], [], []>, precision = #tpu.contract_precision<fp32>, transpose_lhs_hint = false} : vector<400x128xf32>, vector<128x128xf32>, vector<400x128xf32> -> vector<400x128xf32>
    %swap3A_345 = arith.constant 26 : index
    %swap3A_346 = arith.constant 0 : index
    %swap3A_347 = arith.constant 0 : index
    %swap3A_348 = vector.load %arg3[%swap3A_345, %swap3A_346, %swap3A_347] : memref<34x400x128xf32, #tpu.memory_space<vmem>>, vector<1x400x128xf32>
    %swap3A_349 = vector.shape_cast %swap3A_348 : vector<1x400x128xf32> to vector<400x128xf32>
    %swap3A_350 = vector.shape_cast %dot_general3A_344 : vector<400x128xf32> to vector<1x400x128xf32>
    tpu.vector_store %arg3[%swap3A_345, %swap3A_346, %swap3A_347], %swap3A_350 {strides = array<i32>} : memref<34x400x128xf32, #tpu.memory_space<vmem>>, vector<1x400x128xf32>,
    %get3A_351 = arith.constant 27 : index
    %get3A_352 = arith.constant 0 : index
    %get3A_353 = arith.constant 0 : index
    %get3A_354 = vector.load %arg2[%get3A_351, %get3A_352, %get3A_353] : memref<34x128x128xf32, #tpu.memory_space<vmem>>, vector<1x128x128xf32>
    %get3A_355 = vector.shape_cast %get3A_354 : vector<1x128x128xf32> to vector<128x128xf32>
    %dot_general3A_356 = arith.constant dense<0.000000e+00> : vector<400x128xf32>
    %dot_general3A_357 = tpu.matmul %get3A_1, %get3A_355, %dot_general3A_356 {dimension_numbers = #tpu.dot_dimension_numbers<[1], [0], [0], [1], [0, 0, 1, 1], [], []>, precision = #tpu.contract_precision<fp32>, transpose_lhs_hint = false} : vector<400x128xf32>, vector<128x128xf32>, vector<400x128xf32> -> vector<400x128xf32>
    %swap3A_358 = arith.constant 27 : index
    %swap3A_359 = arith.constant 0 : index
    %swap3A_360 = arith.constant 0 : index
    %swap3A_361 = vector.load %arg3[%swap3A_358, %swap3A_359, %swap3A_360] : memref<34x400x128xf32, #tpu.memory_space<vmem>>, vector<1x400x128xf32>
    %swap3A_362 = vector.shape_cast %swap3A_361 : vector<1x400x128xf32> to vector<400x128xf32>
    %swap3A_363 = vector.shape_cast %dot_general3A_357 : vector<400x128xf32> to vector<1x400x128xf32>
    tpu.vector_store %arg3[%swap3A_358, %swap3A_359, %swap3A_360], %swap3A_363 {strides = array<i32>} : memref<34x400x128xf32, #tpu.memory_space<vmem>>, vector<1x400x128xf32>,
    %get3A_364 = arith.constant 28 : index
    %get3A_365 = arith.constant 0 : index
    %get3A_366 = arith.constant 0 : index
    %get3A_367 = vector.load %arg2[%get3A_364, %get3A_365, %get3A_366] : memref<34x128x128xf32, #tpu.memory_space<vmem>>, vector<1x128x128xf32>
    %get3A_368 = vector.shape_cast %get3A_367 : vector<1x128x128xf32> to vector<128x128xf32>
    %dot_general3A_369 = arith.constant dense<0.000000e+00> : vector<400x128xf32>
    %dot_general3A_370 = tpu.matmul %get3A_1, %get3A_368, %dot_general3A_369 {dimension_numbers = #tpu.dot_dimension_numbers<[1], [0], [0], [1], [0, 0, 1, 1], [], []>, precision = #tpu.contract_precision<fp32>, transpose_lhs_hint = false} : vector<400x128xf32>, vector<128x128xf32>, vector<400x128xf32> -> vector<400x128xf32>
    %swap3A_371 = arith.constant 28 : index
    %swap3A_372 = arith.constant 0 : index
    %swap3A_373 = arith.constant 0 : index
    %swap3A_374 = vector.load %arg3[%swap3A_371, %swap3A_372, %swap3A_373] : memref<34x400x128xf32, #tpu.memory_space<vmem>>, vector<1x400x128xf32>
    %swap3A_375 = vector.shape_cast %swap3A_374 : vector<1x400x128xf32> to vector<400x128xf32>
    %swap3A_376 = vector.shape_cast %dot_general3A_370 : vector<400x128xf32> to vector<1x400x128xf32>
    tpu.vector_store %arg3[%swap3A_371, %swap3A_372, %swap3A_373], %swap3A_376 {strides = array<i32>} : memref<34x400x128xf32, #tpu.memory_space<vmem>>, vector<1x400x128xf32>,
    %get3A_377 = arith.constant 29 : index
    %get3A_378 = arith.constant 0 : index
    %get3A_379 = arith.constant 0 : index
    %get3A_380 = vector.load %arg2[%get3A_377, %get3A_378, %get3A_379] : memref<34x128x128xf32, #tpu.memory_space<vmem>>, vector<1x128x128xf32>
    %get3A_381 = vector.shape_cast %get3A_380 : vector<1x128x128xf32> to vector<128x128xf32>
    %dot_general3A_382 = arith.constant dense<0.000000e+00> : vector<400x128xf32>
    %dot_general3A_383 = tpu.matmul %get3A_1, %get3A_381, %dot_general3A_382 {dimension_numbers = #tpu.dot_dimension_numbers<[1], [0], [0], [1], [0, 0, 1, 1], [], []>, precision = #tpu.contract_precision<fp32>, transpose_lhs_hint = false} : vector<400x128xf32>, vector<128x128xf32>, vector<400x128xf32> -> vector<400x128xf32>
    %swap3A_384 = arith.constant 29 : index
    %swap3A_385 = arith.constant 0 : index
    %swap3A_386 = arith.constant 0 : index
    %swap3A_387 = vector.load %arg3[%swap3A_384, %swap3A_385, %swap3A_386] : memref<34x400x128xf32, #tpu.memory_space<vmem>>, vector<1x400x128xf32>
    %swap3A_388 = vector.shape_cast %swap3A_387 : vector<1x400x128xf32> to vector<400x128xf32>
    %swap3A_389 = vector.shape_cast %dot_general3A_383 : vector<400x128xf32> to vector<1x400x128xf32>
    tpu.vector_store %arg3[%swap3A_384, %swap3A_385, %swap3A_386], %swap3A_389 {strides = array<i32>} : memref<34x400x128xf32, #tpu.memory_space<vmem>>, vector<1x400x128xf32>,
    %get3A_390 = arith.constant 30 : index
    %get3A_391 = arith.constant 0 : index
    %get3A_392 = arith.constant 0 : index
    %get3A_393 = vector.load %arg2[%get3A_390, %get3A_391, %get3A_392] : memref<34x128x128xf32, #tpu.memory_space<vmem>>, vector<1x128x128xf32>
    %get3A_394 = vector.shape_cast %get3A_393 : vector<1x128x128xf32> to vector<128x128xf32>
    %dot_general3A_395 = arith.constant dense<0.000000e+00> : vector<400x128xf32>
    %dot_general3A_396 = tpu.matmul %get3A_1, %get3A_394, %dot_general3A_395 {dimension_numbers = #tpu.dot_dimension_numbers<[1], [0], [0], [1], [0, 0, 1, 1], [], []>, precision = #tpu.contract_precision<fp32>, transpose_lhs_hint = false} : vector<400x128xf32>, vector<128x128xf32>, vector<400x128xf32> -> vector<400x128xf32>
    %swap3A_397 = arith.constant 30 : index
    %swap3A_398 = arith.constant 0 : index
    %swap3A_399 = arith.constant 0 : index
    %swap3A_400 = vector.load %arg3[%swap3A_397, %swap3A_398, %swap3A_399] : memref<34x400x128xf32, #tpu.memory_space<vmem>>, vector<1x400x128xf32>
    %swap3A_401 = vector.shape_cast %swap3A_400 : vector<1x400x128xf32> to vector<400x128xf32>
    %swap3A_402 = vector.shape_cast %dot_general3A_396 : vector<400x128xf32> to vector<1x400x128xf32>
    tpu.vector_store %arg3[%swap3A_397, %swap3A_398, %swap3A_399], %swap3A_402 {strides = array<i32>} : memref<34x400x128xf32, #tpu.memory_space<vmem>>, vector<1x400x128xf32>,
    %get3A_403 = arith.constant 31 : index
    %get3A_404 = arith.constant 0 : index
    %get3A_405 = arith.constant 0 : index
    %get3A_406 = vector.load %arg2[%get3A_403, %get3A_404, %get3A_405] : memref<34x128x128xf32, #tpu.memory_space<vmem>>, vector<1x128x128xf32>
    %get3A_407 = vector.shape_cast %get3A_406 : vector<1x128x128xf32> to vector<128x128xf32>
    %dot_general3A_408 = arith.constant dense<0.000000e+00> : vector<400x128xf32>
    %dot_general3A_409 = tpu.matmul %get3A_1, %get3A_407, %dot_general3A_408 {dimension_numbers = #tpu.dot_dimension_numbers<[1], [0], [0], [1], [0, 0, 1, 1], [], []>, precision = #tpu.contract_precision<fp32>, transpose_lhs_hint = false} : vector<400x128xf32>, vector<128x128xf32>, vector<400x128xf32> -> vector<400x128xf32>
    %swap3A_410 = arith.constant 31 : index
    %swap3A_411 = arith.constant 0 : index
    %swap3A_412 = arith.constant 0 : index
    %swap3A_413 = vector.load %arg3[%swap3A_410, %swap3A_411, %swap3A_412] : memref<34x400x128xf32, #tpu.memory_space<vmem>>, vector<1x400x128xf32>
    %swap3A_414 = vector.shape_cast %swap3A_413 : vector<1x400x128xf32> to vector<400x128xf32>
    %swap3A_415 = vector.shape_cast %dot_general3A_409 : vector<400x128xf32> to vector<1x400x128xf32>
    tpu.vector_store %arg3[%swap3A_410, %swap3A_411, %swap3A_412], %swap3A_415 {strides = array<i32>} : memref<34x400x128xf32, #tpu.memory_space<vmem>>, vector<1x400x128xf32>,
    %get3A_416 = arith.constant 32 : index
    %get3A_417 = arith.constant 0 : index
    %get3A_418 = arith.constant 0 : index
    %get3A_419 = vector.load %arg2[%get3A_416, %get3A_417, %get3A_418] : memref<34x128x128xf32, #tpu.memory_space<vmem>>, vector<1x128x128xf32>
    %get3A_420 = vector.shape_cast %get3A_419 : vector<1x128x128xf32> to vector<128x128xf32>
    %dot_general3A_421 = arith.constant dense<0.000000e+00> : vector<400x128xf32>
    %dot_general3A_422 = tpu.matmul %get3A_1, %get3A_420, %dot_general3A_421 {dimension_numbers = #tpu.dot_dimension_numbers<[1], [0], [0], [1], [0, 0, 1, 1], [], []>, precision = #tpu.contract_precision<fp32>, transpose_lhs_hint = false} : vector<400x128xf32>, vector<128x128xf32>, vector<400x128xf32> -> vector<400x128xf32>
    %swap3A_423 = arith.constant 32 : index
    %swap3A_424 = arith.constant 0 : index
    %swap3A_425 = arith.constant 0 : index
    %swap3A_426 = vector.load %arg3[%swap3A_423, %swap3A_424, %swap3A_425] : memref<34x400x128xf32, #tpu.memory_space<vmem>>, vector<1x400x128xf32>
    %swap3A_427 = vector.shape_cast %swap3A_426 : vector<1x400x128xf32> to vector<400x128xf32>
    %swap3A_428 = vector.shape_cast %dot_general3A_422 : vector<400x128xf32> to vector<1x400x128xf32>
    tpu.vector_store %arg3[%swap3A_423, %swap3A_424, %swap3A_425], %swap3A_428 {strides = array<i32>} : memref<34x400x128xf32, #tpu.memory_space<vmem>>, vector<1x400x128xf32>,
    %get3A_429 = arith.constant 33 : index
    %get3A_430 = arith.constant 0 : index
    %get3A_431 = arith.constant 0 : index
    %get3A_432 = vector.load %arg2[%get3A_429, %get3A_430, %get3A_431] : memref<34x128x128xf32, #tpu.memory_space<vmem>>, vector<1x128x128xf32>
    %get3A_433 = vector.shape_cast %get3A_432 : vector<1x128x128xf32> to vector<128x128xf32>
    %dot_general3A_434 = arith.constant dense<0.000000e+00> : vector<400x128xf32>
    %dot_general3A_435 = tpu.matmul %get3A_1, %get3A_433, %dot_general3A_434 {dimension_numbers = #tpu.dot_dimension_numbers<[1], [0], [0], [1], [0, 0, 1, 1], [], []>, precision = #tpu.contract_precision<fp32>, transpose_lhs_hint = false} : vector<400x128xf32>, vector<128x128xf32>, vector<400x128xf32> -> vector<400x128xf32>
    %swap3A_436 = arith.constant 33 : index
    %swap3A_437 = arith.constant 0 : index
    %swap3A_438 = arith.constant 0 : index
    %swap3A_439 = vector.load %arg3[%swap3A_436, %swap3A_437, %swap3A_438] : memref<34x400x128xf32, #tpu.memory_space<vmem>>, vector<1x400x128xf32>
    %swap3A_440 = vector.shape_cast %swap3A_439 : vector<1x400x128xf32> to vector<400x128xf32>
    %swap3A_441 = vector.shape_cast %dot_general3A_435 : vector<400x128xf32> to vector<1x400x128xf32>
    tpu.vector_store %arg3[%swap3A_436, %swap3A_437, %swap3A_438], %swap3A_441 {strides = array<i32>} : memref<34x400x128xf32, #tpu.memory_space<vmem>>, vector<1x400x128xf32>,
    return
  }
  func.func @transform_0(%arg0: i32) -> (i32, i32) {
    %c0_i32 = arith.constant 0 : i32
    %c0_i32_0 = arith.constant 0 : i32
    return %arg0, %c0_i32 : i32, i32
  }
  func.func @transform_1(%arg0: i32) -> (i32, i32, i32) {
    %c0_i32 = arith.constant 0 : i32
    %c0_i32_0 = arith.constant 0 : i32
    %c0_i32_1 = arith.constant 0 : i32
    %c0_i32_2 = arith.constant 0 : i32
    return %c0_i32, %c0_i32_0, %c0_i32_1 : i32, i32, i32
  }
  func.func @transform_2(%arg0: i32) -> (i32, i32, i32) {
    %c0_i32 = arith.constant 0 : i32
    %c0_i32_0 = arith.constant 0 : i32
    %c0_i32_1 = arith.constant 0 : i32
    return %c0_i32, %arg0, %c0_i32_0 : i32, i32, i32
  }
}

module attributes {stable_mosaic.version = 14 : i64} {
  func.func @_combine_body(%arg0: i32, %arg1: memref<2x400x128xf32, #tpu.memory_space<vmem>>, %arg2: memref<2x400x128xf32, #tpu.memory_space<vmem>>, %arg3: memref<400x128xf32, #tpu.memory_space<vmem>>, %arg4: memref<128x128xf32, #tpu.memory_space<vmem>>, %arg5: memref<1x128xf32, #tpu.memory_space<vmem>>, %arg6: memref<400x128xf32, #tpu.memory_space<vmem>>) attributes {dimension_semantics = [#tpu.dimension_semantics<arbitrary>], iteration_bounds = array<i64: 25>, scalar_prefetch = 0 : i64, scratch_operands = 0 : i64, tpu.core_type = #tpu.core_type<tc>, window_params = [{transform_indices = @transform_0, window_bounds = array<i64: 2, 400, 128>}, {transform_indices = @transform_1, window_bounds = array<i64: 2, 400, 128>}, {transform_indices = @transform_2, window_bounds = array<i64: 400, 128>}, {pipeline_mode = #tpu.pipeline_mode<synchronous>, transform_indices = @transform_3, window_bounds = array<i64: 128, 128>}, {pipeline_mode = #tpu.pipeline_mode<synchronous>, transform_indices = @transform_4, window_bounds = array<i64: 1, 128>}, {transform_indices = @transform_5, window_bounds = array<i64: 400, 128>}]} {
    %get3A = arith.constant 0 : index
    %get3A_0 = arith.constant 0 : index
    %get3A_1 = arith.constant 0 : index
    %get3A_2 = vector.load %arg1[%get3A, %get3A_0, %get3A_1] : memref<2x400x128xf32, #tpu.memory_space<vmem>>, vector<1x400x128xf32>
    %get3A_3 = vector.shape_cast %get3A_2 : vector<1x400x128xf32> to vector<400x128xf32>
    %get3A_4 = arith.constant 1 : index
    %get3A_5 = arith.constant 0 : index
    %get3A_6 = arith.constant 0 : index
    %get3A_7 = vector.load %arg1[%get3A_4, %get3A_5, %get3A_6] : memref<2x400x128xf32, #tpu.memory_space<vmem>>, vector<1x400x128xf32>
    %get3A_8 = vector.shape_cast %get3A_7 : vector<1x400x128xf32> to vector<400x128xf32>
    %add3A = arith.addf %get3A_3, %get3A_8 : vector<400x128xf32>
    %get3A_9 = arith.constant 0 : index
    %get3A_10 = arith.constant 0 : index
    %get3A_11 = arith.constant 0 : index
    %get3A_12 = vector.load %arg2[%get3A_9, %get3A_10, %get3A_11] : memref<2x400x128xf32, #tpu.memory_space<vmem>>, vector<1x400x1xf32>
    %get3A_13 = vector.shape_cast %get3A_12 : vector<1x400x1xf32> to vector<400xf32>
    %get3A_14 = arith.constant 1 : index
    %get3A_15 = arith.constant 0 : index
    %get3A_16 = arith.constant 0 : index
    %get3A_17 = vector.load %arg2[%get3A_14, %get3A_15, %get3A_16] : memref<2x400x128xf32, #tpu.memory_space<vmem>>, vector<1x400x1xf32>
    %get3A_18 = vector.shape_cast %get3A_17 : vector<1x400x1xf32> to vector<400xf32>
    %add3A_19 = arith.addf %get3A_13, %get3A_18 : vector<400xf32>
    %max3A = arith.constant 1.000000e+00 : f32
    %max3A_20 = vector.broadcast %max3A : f32 to vector<400xf32>
    %max3A_21 = arith.maximumf %add3A_19, %max3A_20 : vector<400xf32>
    %div3A = arith.constant 1.000000e+00 : f32
    %div3A_22 = vector.broadcast %div3A : f32 to vector<400xf32>
    %div3A_23 = arith.divf %div3A_22, %max3A_21 : vector<400xf32>
    %broadcast_in_dim3A = vector.shape_cast %div3A_23 : vector<400xf32> to vector<400x1xf32>
    %mul3A = vector.broadcast %broadcast_in_dim3A : vector<400x1xf32> to vector<400x128xf32>
    %mul3A_24 = arith.mulf %add3A, %mul3A : vector<400x128xf32>
    %get3A_25 = arith.constant 0 : index
    %get3A_26 = arith.constant 0 : index
    %get3A_27 = vector.load %arg3[%get3A_25, %get3A_26] : memref<400x128xf32, #tpu.memory_space<vmem>>, vector<400x128xf32>
    %get3A_28 = arith.constant 0 : index
    %get3A_29 = arith.constant 0 : index
    %get3A_30 = vector.load %arg4[%get3A_28, %get3A_29] : memref<128x128xf32, #tpu.memory_space<vmem>>, vector<128x128xf32>
    %dot_general3A = arith.constant dense<0.000000e+00> : vector<400x128xf32>
    %dot_general3A_31 = tpu.matmul %get3A_27, %get3A_30, %dot_general3A {dimension_numbers = #tpu.dot_dimension_numbers<[1], [0], [0], [1], [0, 0, 1, 1], [], []>, precision = #tpu.contract_precision<fp32>, transpose_lhs_hint = false} : vector<400x128xf32>, vector<128x128xf32>, vector<400x128xf32> -> vector<400x128xf32>
    %add3A_32 = arith.addf %mul3A_24, %dot_general3A_31 : vector<400x128xf32>
    %get3A_33 = arith.constant 0 : index
    %get3A_34 = arith.constant 0 : index
    %get3A_35 = vector.load %arg5[%get3A_33, %get3A_34] : memref<1x128xf32, #tpu.memory_space<vmem>>, vector<1x128xf32>
    %add3A_36 = vector.broadcast %get3A_35 : vector<1x128xf32> to vector<400x128xf32>
    %add3A_37 = arith.addf %add3A_32, %add3A_36 : vector<400x128xf32>
    %max3A_38 = arith.constant 0.000000e+00 : f32
    %max3A_39 = vector.broadcast %max3A_38 : f32 to vector<400x128xf32>
    %max3A_40 = arith.maximumf %add3A_37, %max3A_39 : vector<400x128xf32>
    %swap3A = arith.constant 0 : index
    %swap3A_41 = arith.constant 0 : index
    %swap3A_42 = vector.load %arg6[%swap3A, %swap3A_41] : memref<400x128xf32, #tpu.memory_space<vmem>>, vector<400x128xf32>
    tpu.vector_store %arg6[%swap3A, %swap3A_41], %max3A_40 {strides = array<i32>} : memref<400x128xf32, #tpu.memory_space<vmem>>, vector<400x128xf32>,
    return
  }
  func.func @transform_0(%arg0: i32) -> (i32, i32, i32) {
    %c0_i32 = arith.constant 0 : i32
    %c0_i32_0 = arith.constant 0 : i32
    %c0_i32_1 = arith.constant 0 : i32
    return %c0_i32, %arg0, %c0_i32_0 : i32, i32, i32
  }
  func.func @transform_1(%arg0: i32) -> (i32, i32, i32) {
    %c0_i32 = arith.constant 0 : i32
    %c0_i32_0 = arith.constant 0 : i32
    %c0_i32_1 = arith.constant 0 : i32
    return %c0_i32, %arg0, %c0_i32_0 : i32, i32, i32
  }
  func.func @transform_2(%arg0: i32) -> (i32, i32) {
    %c0_i32 = arith.constant 0 : i32
    %c0_i32_0 = arith.constant 0 : i32
    return %arg0, %c0_i32 : i32, i32
  }
  func.func @transform_3(%arg0: i32) -> (i32, i32) {
    %c0_i32 = arith.constant 0 : i32
    %c0_i32_0 = arith.constant 0 : i32
    %c0_i32_1 = arith.constant 0 : i32
    return %c0_i32, %c0_i32_0 : i32, i32
  }
  func.func @transform_4(%arg0: i32) -> (i32, i32) {
    %c0_i32 = arith.constant 0 : i32
    %c0_i32_0 = arith.constant 0 : i32
    %c0_i32_1 = arith.constant 0 : i32
    return %c0_i32, %c0_i32_0 : i32, i32
  }
  func.func @transform_5(%arg0: i32) -> (i32, i32) {
    %c0_i32 = arith.constant 0 : i32
    %c0_i32_0 = arith.constant 0 : i32
    return %arg0, %c0_i32 : i32, i32
  }
}

module attributes {stable_mosaic.version = 14 : i64} {
  func.func @_readout_body(%arg0: i32, %arg1: memref<2x400x128xf32, #tpu.memory_space<vmem>>, %arg2: memref<2x400x128xf32, #tpu.memory_space<vmem>>, %arg3: memref<400x128xf32, #tpu.memory_space<vmem>>, %arg4: memref<128x128xf32, #tpu.memory_space<vmem>>, %arg5: memref<1x128xf32, #tpu.memory_space<vmem>>, %arg6: memref<1x1x400xi32, #tpu.memory_space<vmem>>, %arg7: memref<128x128xf32, #tpu.memory_space<vmem>>, %arg8: memref<1x128xf32, #tpu.memory_space<vmem>>, %arg9: memref<1x128xf32, #tpu.memory_space<vmem>>, %arg10: memref<1x1xf32, #tpu.memory_space<vmem>>, %arg11: memref<64x1xf32, #tpu.memory_space<vmem>>, %arg12: memref<64x128xf32, #tpu.memory_space<vmem>>, %arg13: memref<64x128xf32, #tpu.memory_space<vmem>>) attributes {dimension_semantics = [#tpu.dimension_semantics<arbitrary>], iteration_bounds = array<i64: 25>, scalar_prefetch = 0 : i64, scratch_operands = 2 : i64, tpu.core_type = #tpu.core_type<tc>, window_params = [{transform_indices = @transform_0, window_bounds = array<i64: 2, 400, 128>}, {transform_indices = @transform_1, window_bounds = array<i64: 2, 400, 128>}, {transform_indices = @transform_2, window_bounds = array<i64: 400, 128>}, {pipeline_mode = #tpu.pipeline_mode<synchronous>, transform_indices = @transform_3, window_bounds = array<i64: 128, 128>}, {pipeline_mode = #tpu.pipeline_mode<synchronous>, transform_indices = @transform_4, window_bounds = array<i64: 1, 128>}, {transform_indices = @transform_5, window_bounds = array<i64: 1, 1, 400>}, {pipeline_mode = #tpu.pipeline_mode<synchronous>, transform_indices = @transform_6, window_bounds = array<i64: 128, 128>}, {pipeline_mode = #tpu.pipeline_mode<synchronous>, transform_indices = @transform_7, window_bounds = array<i64: 1, 128>}, {pipeline_mode = #tpu.pipeline_mode<synchronous>, transform_indices = @transform_8, window_bounds = array<i64: 1, 128>}, {pipeline_mode = #tpu.pipeline_mode<synchronous>, transform_indices = @transform_9, window_bounds = array<i64: 1, 1>}, {pipeline_mode = #tpu.pipeline_mode<synchronous>, transform_indices = @transform_10, window_bounds = array<i64: 64, 1>}]} {
    %eq3A = arith.constant 0 : i32
    %eq3A_0 = arith.cmpi eq, %arg0, %eq3A : i32
    %convert_element_type3A = arith.extui %eq3A_0 : i1 to i32
    %cond3A = arith.constant 0 : i32
    %cond3A_1 = arith.cmpi ne, %convert_element_type3A, %cond3A : i32
    scf.if %cond3A_1 {
      %broadcast_in_dim3A_75 = arith.constant 0.000000e+00 : f32
      %broadcast_in_dim3A_76 = vector.broadcast %broadcast_in_dim3A_75 : f32 to vector<64x128xf32>
      %swap3A_77 = arith.constant 0 : index
      %swap3A_78 = arith.constant 0 : index
      %swap3A_79 = vector.load %arg12[%swap3A_77, %swap3A_78] : memref<64x128xf32, #tpu.memory_space<vmem>>, vector<64x128xf32>
      tpu.vector_store %arg12[%swap3A_77, %swap3A_78], %broadcast_in_dim3A_76 {strides = array<i32>} : memref<64x128xf32, #tpu.memory_space<vmem>>, vector<64x128xf32>,
      %broadcast_in_dim3A_80 = arith.constant 0.000000e+00 : f32
      %broadcast_in_dim3A_81 = vector.broadcast %broadcast_in_dim3A_80 : f32 to vector<64x128xf32>
      %swap3A_82 = arith.constant 0 : index
      %swap3A_83 = arith.constant 0 : index
      %swap3A_84 = vector.load %arg13[%swap3A_82, %swap3A_83] : memref<64x128xf32, #tpu.memory_space<vmem>>, vector<64x128xf32>
      tpu.vector_store %arg13[%swap3A_82, %swap3A_83], %broadcast_in_dim3A_81 {strides = array<i32>} : memref<64x128xf32, #tpu.memory_space<vmem>>, vector<64x128xf32>,
    } else {
    }
    %get3A = arith.constant 0 : index
    %get3A_2 = arith.constant 0 : index
    %get3A_3 = arith.constant 0 : index
    %get3A_4 = vector.load %arg1[%get3A, %get3A_2, %get3A_3] : memref<2x400x128xf32, #tpu.memory_space<vmem>>, vector<1x400x128xf32>
    %get3A_5 = vector.shape_cast %get3A_4 : vector<1x400x128xf32> to vector<400x128xf32>
    %get3A_6 = arith.constant 1 : index
    %get3A_7 = arith.constant 0 : index
    %get3A_8 = arith.constant 0 : index
    %get3A_9 = vector.load %arg1[%get3A_6, %get3A_7, %get3A_8] : memref<2x400x128xf32, #tpu.memory_space<vmem>>, vector<1x400x128xf32>
    %get3A_10 = vector.shape_cast %get3A_9 : vector<1x400x128xf32> to vector<400x128xf32>
    %add3A = arith.addf %get3A_5, %get3A_10 : vector<400x128xf32>
    %get3A_11 = arith.constant 0 : index
    %get3A_12 = arith.constant 0 : index
    %get3A_13 = arith.constant 0 : index
    %get3A_14 = vector.load %arg2[%get3A_11, %get3A_12, %get3A_13] : memref<2x400x128xf32, #tpu.memory_space<vmem>>, vector<1x400x1xf32>
    %get3A_15 = vector.shape_cast %get3A_14 : vector<1x400x1xf32> to vector<400xf32>
    %get3A_16 = arith.constant 1 : index
    %get3A_17 = arith.constant 0 : index
    %get3A_18 = arith.constant 0 : index
    %get3A_19 = vector.load %arg2[%get3A_16, %get3A_17, %get3A_18] : memref<2x400x128xf32, #tpu.memory_space<vmem>>, vector<1x400x1xf32>
    %get3A_20 = vector.shape_cast %get3A_19 : vector<1x400x1xf32> to vector<400xf32>
    %add3A_21 = arith.addf %get3A_15, %get3A_20 : vector<400xf32>
    %max3A = arith.constant 1.000000e+00 : f32
    %max3A_22 = vector.broadcast %max3A : f32 to vector<400xf32>
    %max3A_23 = arith.maximumf %add3A_21, %max3A_22 : vector<400xf32>
    %div3A = arith.constant 1.000000e+00 : f32
    %div3A_24 = vector.broadcast %div3A : f32 to vector<400xf32>
    %div3A_25 = arith.divf %div3A_24, %max3A_23 : vector<400xf32>
    %broadcast_in_dim3A = vector.shape_cast %div3A_25 : vector<400xf32> to vector<400x1xf32>
    %mul3A = vector.broadcast %broadcast_in_dim3A : vector<400x1xf32> to vector<400x128xf32>
    %mul3A_26 = arith.mulf %add3A, %mul3A : vector<400x128xf32>
    %get3A_27 = arith.constant 0 : index
    %get3A_28 = arith.constant 0 : index
    %get3A_29 = vector.load %arg3[%get3A_27, %get3A_28] : memref<400x128xf32, #tpu.memory_space<vmem>>, vector<400x128xf32>
    %get3A_30 = arith.constant 0 : index
    %get3A_31 = arith.constant 0 : index
    %get3A_32 = vector.load %arg4[%get3A_30, %get3A_31] : memref<128x128xf32, #tpu.memory_space<vmem>>, vector<128x128xf32>
    %dot_general3A = arith.constant dense<0.000000e+00> : vector<400x128xf32>
    %dot_general3A_33 = tpu.matmul %get3A_29, %get3A_32, %dot_general3A {dimension_numbers = #tpu.dot_dimension_numbers<[1], [0], [0], [1], [0, 0, 1, 1], [], []>, precision = #tpu.contract_precision<fp32>, transpose_lhs_hint = false} : vector<400x128xf32>, vector<128x128xf32>, vector<400x128xf32> -> vector<400x128xf32>
    %add3A_34 = arith.addf %mul3A_26, %dot_general3A_33 : vector<400x128xf32>
    %get3A_35 = arith.constant 0 : index
    %get3A_36 = arith.constant 0 : index
    %get3A_37 = vector.load %arg5[%get3A_35, %get3A_36] : memref<1x128xf32, #tpu.memory_space<vmem>>, vector<1x128xf32>
    %add3A_38 = vector.broadcast %get3A_37 : vector<1x128xf32> to vector<400x128xf32>
    %add3A_39 = arith.addf %add3A_34, %add3A_38 : vector<400x128xf32>
    %max3A_40 = arith.constant 0.000000e+00 : f32
    %max3A_41 = vector.broadcast %max3A_40 : f32 to vector<400x128xf32>
    %max3A_42 = arith.maximumf %add3A_39, %max3A_41 : vector<400x128xf32>
    %get3A_43 = arith.constant 0 : index
    %get3A_44 = arith.constant 0 : index
    %get3A_45 = arith.constant 0 : index
    %get3A_46 = vector.load %arg6[%get3A_43, %get3A_44, %get3A_45] : memref<1x1x400xi32, #tpu.memory_space<vmem>>, vector<1x1x400xi32>
    %get3A_47 = vector.shape_cast %get3A_46 : vector<1x1x400xi32> to vector<400xi32>
    %iota3A = tpu.iota {dimensions = array<i32: 0>} : vector<64x400xi32>
    %broadcast_in_dim3A_48 = vector.shape_cast %get3A_47 : vector<400xi32> to vector<1x400xi32>
    %eq3A_49 = vector.broadcast %broadcast_in_dim3A_48 : vector<1x400xi32> to vector<64x400xi32>
    %eq3A_50 = arith.cmpi eq, %eq3A_49, %iota3A : vector<64x400xi32>
    %convert_element_type3A_51 = arith.extui %eq3A_50 : vector<64x400xi1> to vector<64x400xi32>
    %convert_element_type3A_52 = arith.sitofp %convert_element_type3A_51 : vector<64x400xi32> to vector<64x400xf32>
    %get3A_53 = arith.constant 0 : index
    %get3A_54 = arith.constant 0 : index
    %get3A_55 = vector.load %arg12[%get3A_53, %get3A_54] : memref<64x128xf32, #tpu.memory_space<vmem>>, vector<64x128xf32>
    %dot_general3A_56 = arith.constant dense<0.000000e+00> : vector<64x128xf32>
    %dot_general3A_57 = tpu.matmul %convert_element_type3A_52, %max3A_42, %dot_general3A_56 {dimension_numbers = #tpu.dot_dimension_numbers<[1], [0], [0], [1], [0, 0, 1, 1], [], []>, precision = #tpu.contract_precision<fp32>, transpose_lhs_hint = false} : vector<64x400xf32>, vector<400x128xf32>, vector<64x128xf32> -> vector<64x128xf32>
    %add3A_58 = arith.addf %get3A_55, %dot_general3A_57 : vector<64x128xf32>
    %swap3A = arith.constant 0 : index
    %swap3A_59 = arith.constant 0 : index
    %swap3A_60 = vector.load %arg12[%swap3A, %swap3A_59] : memref<64x128xf32, #tpu.memory_space<vmem>>, vector<64x128xf32>
    tpu.vector_store %arg12[%swap3A, %swap3A_59], %add3A_58 {strides = array<i32>} : memref<64x128xf32, #tpu.memory_space<vmem>>, vector<64x128xf32>,
    %get3A_61 = arith.constant 0 : index
    %get3A_62 = arith.constant 0 : index
    %get3A_63 = vector.load %arg13[%get3A_61, %get3A_62] : memref<64x128xf32, #tpu.memory_space<vmem>>, vector<64x1xf32>
    %reduce_sum3A = arith.constant dense<0.000000e+00> : vector<64xf32>
    %reduce_sum3A_64 = vector.multi_reduction <add>, %convert_element_type3A_52, %reduce_sum3A [1] : vector<64x400xf32> to vector<64xf32>
    %broadcast_in_dim3A_65 = vector.shape_cast %reduce_sum3A_64 : vector<64xf32> to vector<64x1xf32>
    %add3A_66 = arith.addf %get3A_63, %broadcast_in_dim3A_65 : vector<64x1xf32>
    %swap3A_67 = arith.constant 0 : index
    %swap3A_68 = arith.constant 0 : index
    %swap3A_69 = vector.load %arg13[%swap3A_67, %swap3A_68] : memref<64x128xf32, #tpu.memory_space<vmem>>, vector<64x1xf32>
    tpu.vector_store %arg13[%swap3A_67, %swap3A_68], %add3A_66 {strides = array<i32>} : memref<64x128xf32, #tpu.memory_space<vmem>>, vector<64x1xf32>,
    %eq3A_70 = arith.constant 24 : i32
    %eq3A_71 = arith.cmpi eq, %arg0, %eq3A_70 : i32
    %convert_element_type3A_72 = arith.extui %eq3A_71 : i1 to i32
    %cond3A_73 = arith.constant 0 : i32
    %cond3A_74 = arith.cmpi ne, %convert_element_type3A_72, %cond3A_73 : i32
    scf.if %cond3A_74 {
      %get3A_75 = arith.constant 0 : index
      %get3A_76 = arith.constant 0 : index
      %get3A_77 = vector.load %arg13[%get3A_75, %get3A_76] : memref<64x128xf32, #tpu.memory_space<vmem>>, vector<64x1xf32>
      %max3A_78 = arith.constant 1.000000e+00 : f32
      %max3A_79 = vector.broadcast %max3A_78 : f32 to vector<64x1xf32>
      %max3A_80 = arith.maximumf %get3A_77, %max3A_79 : vector<64x1xf32>
      %get3A_81 = arith.constant 0 : index
      %get3A_82 = arith.constant 0 : index
      %get3A_83 = vector.load %arg12[%get3A_81, %get3A_82] : memref<64x128xf32, #tpu.memory_space<vmem>>, vector<64x128xf32>
      %div3A_84 = vector.broadcast %max3A_80 : vector<64x1xf32> to vector<64x128xf32>
      %div3A_85 = arith.divf %get3A_83, %div3A_84 : vector<64x128xf32>
      %get3A_86 = arith.constant 0 : index
      %get3A_87 = arith.constant 0 : index
      %get3A_88 = vector.load %arg7[%get3A_86, %get3A_87] : memref<128x128xf32, #tpu.memory_space<vmem>>, vector<128x128xf32>
      %dot_general3A_89 = arith.constant dense<0.000000e+00> : vector<64x128xf32>
      %dot_general3A_90 = tpu.matmul %div3A_85, %get3A_88, %dot_general3A_89 {dimension_numbers = #tpu.dot_dimension_numbers<[1], [0], [0], [1], [0, 0, 1, 1], [], []>, precision = #tpu.contract_precision<fp32>, transpose_lhs_hint = false} : vector<64x128xf32>, vector<128x128xf32>, vector<64x128xf32> -> vector<64x128xf32>
      %get3A_91 = arith.constant 0 : index
      %get3A_92 = arith.constant 0 : index
      %get3A_93 = vector.load %arg8[%get3A_91, %get3A_92] : memref<1x128xf32, #tpu.memory_space<vmem>>, vector<1x128xf32>
      %add3A_94 = vector.broadcast %get3A_93 : vector<1x128xf32> to vector<64x128xf32>
      %add3A_95 = arith.addf %dot_general3A_90, %add3A_94 : vector<64x128xf32>
      %max3A_96 = arith.constant 0.000000e+00 : f32
      %max3A_97 = vector.broadcast %max3A_96 : f32 to vector<64x128xf32>
      %max3A_98 = arith.maximumf %add3A_95, %max3A_97 : vector<64x128xf32>
      %get3A_99 = arith.constant 0 : index
      %get3A_100 = arith.constant 0 : index
      %get3A_101 = vector.load %arg9[%get3A_99, %get3A_100] : memref<1x128xf32, #tpu.memory_space<vmem>>, vector<1x128xf32>
      %mul3A_102 = vector.broadcast %get3A_101 : vector<1x128xf32> to vector<64x128xf32>
      %mul3A_103 = arith.mulf %max3A_98, %mul3A_102 : vector<64x128xf32>
      %reduce_sum3A_104 = arith.constant dense<0.000000e+00> : vector<64xf32>
      %reduce_sum3A_105 = vector.multi_reduction <add>, %mul3A_103, %reduce_sum3A_104 [1] : vector<64x128xf32> to vector<64xf32>
      %broadcast_in_dim3A_106 = vector.shape_cast %reduce_sum3A_105 : vector<64xf32> to vector<64x1xf32>
      %get3A_107 = arith.constant 0 : index
      %get3A_108 = arith.constant 0 : index
      %get3A_109 = vector.load %arg10[%get3A_107, %get3A_108] : memref<1x1xf32, #tpu.memory_space<vmem>>, vector<1x1xf32>
      %add3A_110 = vector.broadcast %get3A_109 : vector<1x1xf32> to vector<64x1xf32>
      %add3A_111 = arith.addf %broadcast_in_dim3A_106, %add3A_110 : vector<64x1xf32>
      %swap3A_112 = arith.constant 0 : index
      %swap3A_113 = arith.constant 0 : index
      %swap3A_114 = vector.load %arg11[%swap3A_112, %swap3A_113] : memref<64x1xf32, #tpu.memory_space<vmem>>, vector<64x1xf32>
      tpu.vector_store %arg11[%swap3A_112, %swap3A_113], %add3A_111 {strides = array<i32>} : memref<64x1xf32, #tpu.memory_space<vmem>>, vector<64x1xf32>,
    } else {
    }
    return
  }
  func.func @transform_0(%arg0: i32) -> (i32, i32, i32) {
    %c0_i32 = arith.constant 0 : i32
    %c0_i32_0 = arith.constant 0 : i32
    %c0_i32_1 = arith.constant 0 : i32
    return %c0_i32, %arg0, %c0_i32_0 : i32, i32, i32
  }
  func.func @transform_1(%arg0: i32) -> (i32, i32, i32) {
    %c0_i32 = arith.constant 0 : i32
    %c0_i32_0 = arith.constant 0 : i32
    %c0_i32_1 = arith.constant 0 : i32
    return %c0_i32, %arg0, %c0_i32_0 : i32, i32, i32
  }
  func.func @transform_2(%arg0: i32) -> (i32, i32) {
    %c0_i32 = arith.constant 0 : i32
    %c0_i32_0 = arith.constant 0 : i32
    return %arg0, %c0_i32 : i32, i32
  }
  func.func @transform_3(%arg0: i32) -> (i32, i32) {
    %c0_i32 = arith.constant 0 : i32
    %c0_i32_0 = arith.constant 0 : i32
    %c0_i32_1 = arith.constant 0 : i32
    return %c0_i32, %c0_i32_0 : i32, i32
  }
  func.func @transform_4(%arg0: i32) -> (i32, i32) {
    %c0_i32 = arith.constant 0 : i32
    %c0_i32_0 = arith.constant 0 : i32
    %c0_i32_1 = arith.constant 0 : i32
    return %c0_i32, %c0_i32_0 : i32, i32
  }
  func.func @transform_5(%arg0: i32) -> (i32, i32, i32) {
    %c0_i32 = arith.constant 0 : i32
    %c0_i32_0 = arith.constant 0 : i32
    %c0_i32_1 = arith.constant 0 : i32
    return %arg0, %c0_i32, %c0_i32_0 : i32, i32, i32
  }
  func.func @transform_6(%arg0: i32) -> (i32, i32) {
    %c0_i32 = arith.constant 0 : i32
    %c0_i32_0 = arith.constant 0 : i32
    %c0_i32_1 = arith.constant 0 : i32
    return %c0_i32, %c0_i32_0 : i32, i32
  }
  func.func @transform_7(%arg0: i32) -> (i32, i32) {
    %c0_i32 = arith.constant 0 : i32
    %c0_i32_0 = arith.constant 0 : i32
    %c0_i32_1 = arith.constant 0 : i32
    return %c0_i32, %c0_i32_0 : i32, i32
  }
  func.func @transform_8(%arg0: i32) -> (i32, i32) {
    %c0_i32 = arith.constant 0 : i32
    %c0_i32_0 = arith.constant 0 : i32
    %c0_i32_1 = arith.constant 0 : i32
    return %c0_i32, %c0_i32_0 : i32, i32
  }
  func.func @transform_9(%arg0: i32) -> (i32, i32) {
    %c0_i32 = arith.constant 0 : i32
    %c0_i32_0 = arith.constant 0 : i32
    %c0_i32_1 = arith.constant 0 : i32
    return %c0_i32, %c0_i32_0 : i32, i32
  }
  func.func @transform_10(%arg0: i32) -> (i32, i32) {
    %c0_i32 = arith.constant 0 : i32
    %c0_i32_0 = arith.constant 0 : i32
    %c0_i32_1 = arith.constant 0 : i32
    return %c0_i32, %c0_i32_0 : i32, i32
  }
}

</mosaic_0001>

<sc_bundles>
// kernel: kernel.10.cloned.1.call-start
scs
__scs_entry_jumppad:
0x0: {  	(pc) =	sbr.rel $0x88, $3  }
0x1: {  	(tag) =	ssettag $0x0;
	lr =	simm.s32 $0x1  }
0x2: {  	[smem:$0x3F93] =	sst lr;
	_ =	strace $0xD0000000  }
0x3: {  	_ = 	snop  }
0x4: {  	_ = 	snop  }
0x5: {  	_ = 	snop  }
0x6: {  	_ = 	snop  }
0x7: {  	_ = 	snop  }
__scs_overlays_trampoline_lowered:
0x8: {  	[smem:$0x3FA2] =	sst s0  }
0x9: {  	[smem:$0x3FA3] =	sst s1  }
0xa: {  	[smem:$0x3FA4] =	sst s2  }
0xb: {  	[smem:$0x3FA5] =	sst s3  }
0xc: {  	[smem:$0x3FA6] =	sst s4  }
0xd: {  	[smem:$0x3FA7] =	sst s5  }
0xe: {  	[smem:$0x3FA8] =	sst s6  }
0xf: {  	[smem:$0x3FA9] =	sst s7  }
0x10: {  	[smem:$0x3FAA] =	sst s8  }
0x11: {  	[smem:$0x3FAB] =	sst s9;
	s0 =	simm.s32 @!p0 $0x0  }
0x12: {  	s1 =	sld [smem:$0x3F91];
	s0 =	simm.s32 @p0 $0x1  }
0x13: {  	[smem:$0x3FAC] =	sst s0;
	s0 =	simm.s32 @!p1 $0x0  }
0x14: {  	s2 =	sld [smem:$0x3F90];
	s0 =	simm.s32 @p1 $0x1  }
0x15: {  	[smem:$0x3FAD] =	sst s0;
	s0 =	simm.s32 @!p2 $0x0  }
0x16: {  	s3 =	sld [smem:$0x3FDB];
	s0 =	simm.s32 @p2 $0x1  }
0x17: {  	s4 =	simm.s32 $0x1BF5;
	[smem:$0x3FAF] =	sst s0  }
0x18: {  	s0 =	sld [smem:$0x3F92];
	_ =	swait.ge [sflag:s4], $0x0  }
0x19: {  	s7 =	sld [smem:$0x3F93]  }
0x1a: {  	s8 =	sadd.s32 $0xFFFFE003, lr  }
0x1b: {  	s9 =	sadd.s32 $0xFFFFFEF7, lr;
	s5 =	simm.s32 $0xFFFFFFFF;
	p2 =	slt.u32 s8, $0xFFFFF086  }
0x1c: {  	p1 =	slt.u32 s9, $0xF7A;
	s5 =	simm.s32 @!p2 $0x0  }
0x1d: {  	s5 =	simm.s32 @p1 $0x1;
	p0 =	seq.s32 s7, s2  }
0x1e: {  	s7 =	smul.u32 @!p0 $0xF7A, s2;
	p2 =	seq.s32 @!p0 s5, $0x0  }
0x1f: {  	s9 =	smul.u32 $0xF7A, s1;
	s8 =	simm.s32 @!p0 $0x1BF5;
	p2 =	por !p2, p0  }
0x20: {  	[sflag:s8] =	ssyncset.s32 @!p0 $0xFFFFF086;
	s6 =	sadd.s32 @!p0 s3, s7;
	s7 =	simm.s32 @!p0 $0x108  }
0x21: {  	s3 =	sadd.s32 s3, s9;
	s6 =	sadd.s32 @!p0 $0x88, s6;
	s7 =	simm.s32 @p2 $0x1082  }
0x22: {  	[simem:s7], [sflag:s8] =	dma.local @!p0 [hbm:s6], $0xF7A  }
0x23: {  	s9 =	sor.u32 $0xD0000000, s2;
	s6 =	simm.s32 $0x108;
	_ =	swait.ge @!p0 [sflag:s8], $0x0  }
0x24: {  	s3 =	sadd.s32 $0x88, s3;
	s6 =	simm.s32 @!p1 $0x1082;
	[sflag:s4] =	ssyncset.s32 $0xFFFFF086  }
0x25: {  	[simem:s6], [sflag:s4] =	dma.local [hbm:s3], $0xF7A  }
0x26: {  	[smem:$0x3F93] =	sst s1;
	(tag) =	ssettag s2;
	_ =	strace s9  }
0x27: {  	s1 =	sld [smem:$0x3FA3]  }
0x28: {  	s2 =	sld [smem:$0x3FA4]  }
0x29: {  	s4 =	sld [smem:$0x3FA6]  }
0x2a: {  	p0 =	seq.s32 s5, $0x0;
	s5 =	sld [smem:$0x3FA7]  }
0x2b: {  	s6 =	sld [smem:$0x3FA8]  }
0x2c: {  	s7 =	sld [smem:$0x3FA9]  }
0x2d: {  	s3 =	simm.s32 $0x108;
	s8 =	sld [smem:$0x3FAA]  }
0x2e: {  	s3 =	simm.s32 @!p0 $0x1082;
	s9 =	sld [smem:$0x3FAB]  }
0x2f: {  	lr =	sadd.s32 s0, s3;
	s0 =	sld [smem:$0x3FA2]  }
0x30: {  	s3 =	sld [smem:$0x3FA5]  }
0x31: {  	[smem:$0x3FAE] =	sst s10  }
0x32: {  	s10 =	sld [smem:$0x3FAC];
	_ =	sdelay $0x3  }
0x33: {  	p0 =	seq.s32 s10, $0x1;
	s10 =	sld [smem:$0x3FAE];
	_ =	sdelay $0x3  }
0x34: {  	[smem:$0x3FAE] =	sst s10  }
0x35: {  	s10 =	sld [smem:$0x3FAD];
	_ =	sdelay $0x3  }
0x36: {  	p1 =	seq.s32 s10, $0x1;
	s10 =	sld [smem:$0x3FAE];
	_ =	sdelay $0x3  }
0x37: {  	[smem:$0x3FAE] =	sst s10  }
0x38: {  	s10 =	sld [smem:$0x3FAF]  }
0x39: {  	_ = 	snop;
	(pc) =	sbr.ind lr, $3  }
0x3a: {  	_ = 	snop  }
0x3b: {  	_ = 	snop  }
0x3c: {  	p2 =	seq.s32 s10, $0x1;
	s10 =	sld [smem:$0x3FAE]  }
0x3d: {  	_ =	shalt  }
0x3e: {  	_ =	shalt  }
0x3f: {  	_ =	shalt  }
0x40: {  	_ =	shalt  }
0x41: {  	_ =	shalt  }
0x42: {  	_ =	shalt  }
0x43: {  	_ =	shalt  }
0x44: {  	_ =	shalt  }
0x45: {  	_ =	shalt  }
0x46: {  	_ =	shalt  }
0x47: {  	_ =	shalt  }
0x48: {  	_ =	shalt  }
0x49: {  	_ =	shalt  }
0x4a: {  	_ =	shalt  }
0x4b: {  	_ =	shalt  }
0x4c: {  	_ =	shalt  }
0x4d: {  	_ =	shalt  }
0x4e: {  	_ =	shalt  }
0x4f: {  	_ =	shalt  }
0x50: {  	_ =	shalt  }
0x51: {  	_ =	shalt  }
0x52: {  	_ =	shalt  }
0x53: {  	_ =	shalt  }
0x54: {  	_ =	shalt  }
0x55: {  	_ =	shalt  }
0x56: {  	_ =	shalt  }
0x57: {  	_ =	shalt  }
0x58: {  	_ =	shalt  }
0x59: {  	_ =	shalt  }
0x5a: {  	_ =	shalt  }
0x5b: {  	_ =	shalt  }
0x5c: {  	_ =	shalt  }
0x5d: {  	_ =	shalt  }
0x5e: {  	_ =	shalt  }
0x5f: {  	_ =	shalt  }
0x60: {  	_ =	shalt  }
0x61: {  	_ =	shalt  }
0x62: {  	_ =	shalt  }
0x63: {  	_ =	shalt  }
0x64: {  	_ =	shalt  }
0x65: {  	_ =	shalt  }
0x66: {  	_ =	shalt  }
0x67: {  	_ =	shalt  }
0x68: {  	_ =	shalt  }
0x69: {  	_ =	shalt  }
0x6a: {  	_ =	shalt  }
0x6b: {  	_ =	shalt  }
0x6c: {  	_ =	shalt  }
0x6d: {  	_ =	shalt  }
0x6e: {  	_ =	shalt  }
0x6f: {  	_ =	shalt  }
0x70: {  	_ =	shalt  }
0x71: {  	_ =	shalt  }
0x72: {  	_ =	shalt  }
0x73: {  	_ =	shalt  }
0x74: {  	_ =	shalt  }
0x75: {  	_ =	shalt  }
0x76: {  	_ =	shalt  }
0x77: {  	_ =	shalt  }
0x78: {  	_ =	shalt  }
0x79: {  	_ =	shalt  }
0x7a: {  	_ =	shalt  }
0x7b: {  	_ =	shalt  }
0x7c: {  	_ =	shalt  }
0x7d: {  	_ =	shalt  }
0x7e: {  	_ =	shalt  }
0x7f: {  	_ =	shalt  }
0x80: {  	_ =	shalt  }
0x81: {  	_ =	shalt  }
0x82: {  	_ =	shalt  }
0x83: {  	_ =	shalt  }
0x84: {  	_ =	shalt  }
0x85: {  	_ =	shalt  }
0x86: {  	_ =	shalt  }
0x87: {  	_ =	shalt  }
.Lfunc_end0:
.L_simem_size_0:
called_computation_lowered:
.L_overlay_start_0:
0x88: {  	s2 =	sld [smem:$0x3FD9]  }
0x89: {  	s3 =	sld [smem:$0x3FFE];
	_ =	sdelay $0x1  }
0x8a: {  	s1 =	srdreg.scid  }
0x8b: {  	s0 =	sand.u32 $0x1, s1  }
0x8c: {  	s17 =	sshll.u32 s0, $0xA;
	s2 =	sadd.s32 s3, s2  }
0x8d: {  	s2 =	sadd.s32 s2, s17  }
0x8e: {  	[smem:$0x3FBA] =	sst s2  }
0x8f: {  	_ = 	snop  }
0x90: {  	(tm) =	ssettm $0x1  }
0x91: {  	s18 =	sld [smem:$0x3FFB];
	_ =	sdelay $0x3  }
0x92: {  	_ =	strace s18  }
0x93: {  	s2 =	sld [smem:$0x3FFC];
	_ =	sdelay $0x3  }
0x94: {  	_ =	strace s2  }
0x95: {  	s2 =	sld [smem:$0x3FFD];
	_ =	sdelay $0x3  }
0x96: {  	_ =	strace s2  }
0x97: {  	_ =	strace $0x8FFFFFFF  }
0x98: {  	s19 =	sld [smem:$0x3FDB];
	_ =	sdelay $0x1  }
0x99: {  	s20 =	simm.s32 $_scs_section_size  }
0x9a: {  	s4 =	simm.s32 $_size__tile_overlayer_lowered;
	s5 =	simm.s32 $_tile_overlayer_lowered  }
0x9b: {  	s6 =	simm.s32 $0x1BFF;
	s21 =	sshll.u32 s5, $0x1;
	s3 =	sadd.s32 s20, s19  }
0x9c: {  	s22 =	simm.s32 $0x0;
	s4 =	sshll.u32 s4, $0x1;
	s5 =	sadd.s32 s21, s3  }
0x9d: {  	[timem:s22], [sflag:s6] =	dma.local [hbm:s5], s4  }
0x9e: {  	_ =	swait.ge [sflag:s6], s4  }
0x9f: {  	s4 =	ssub.s32 $0x0, s4;
	[sflag:s6] =	ssyncset.done $0x0  }
0xa0: {  	[sflag:s6] =	ssyncadd.s32 s4;
	_ =	sdelay $0x1  }
0xa1: {  	s23 =	simm.s32 $0x1B8B  }
0xa2: {  	_ =	swait.ge [sflag:s23], $0x1  }
0xa3: {  	[sflag:s23] =	ssyncset.done $0x0  }
0xa4: {  	[sflag:s23] =	ssyncadd.s32 $0xFFFFFFFF  }
0xa5: {  	s4 =	sld [smem:$0x0]  }
0xa6: {  	s5 =	sand.u32 $0xFFFFFFFE, s1  }
0xa7: {  	p0 =	sne.s32 s1, s5  }
0xa8: {  	s5 =	sshll.u32 @p0 s5, $0xE  }
0xa9: {  	s5 =	sadd.s32 @p0 $0x11B8D, s5;
	s6 =	sshll.u32 @p0 s4, $0x11  }
0xaa: {  	s5 =	sor.u32 @p0 s6, s5  }
0xab: {  	[sflag:s5] =	ssyncadd.remote.s32 @p0 $0x1;
	_ =	sdelay $0x1  }
0xac: {  	s5 =	simm.s32 @p0 $0x1B8D  }
0xad: {  	_ =	swait.eq @p0 [sflag:s5], $0x1  }
0xae: {  	[sflag:s5] =	ssyncadd.s32 @p0 $0xFFFFFFFF  }
0xaf: {  	s6 =	sshll.u32 @!p0 s1, $0xE  }
0xb0: {  	s6 =	sor.u32 @!p0 $0x4000, s6;
	s5 =	simm.s32 @!p0 $0x1B8D  }
0xb1: {  	s4 =	sshll.u32 @!p0 s4, $0x11;
	s6 =	sadd.s32 @!p0 $0x11B8D, s6;
	_ =	swait.eq @!p0 [sflag:s5], $0x1  }
0xb2: {  	s4 =	sor.u32 @!p0 s4, s6;
	[sflag:s5] =	ssyncadd.s32 @!p0 $0xFFFFFFFF  }
0xb3: {  	s25 =	simm.s32 $0x1B8E;
	s24 =	sld [smem:$0x3FFE];
	[sflag:s4] =	ssyncadd.remote.s32 @!p0 $0x1  }
0xb4: {  	s26 =	simm.s32 $execute0_lowered;
	[smem:$0x3FD2] =	sst s25  }
0xb5: {  	s5 =	sshll.u32 s26, $0x1;
	_ =	strace $0x80000049;
	[dreg:$0x1] =	wrdreg $0xFFFFFFFF  }
0xb6: {  	s28 =	simm.s32 $_size_execute0_lowered;
	s3 =	sadd.s32 s3, s5;
	[dreg:$0x0] =	wrdreg $0x0  }
0xb7: {  	s5 =	sshll.u32 s28, $0x1;
	[dreg:$0x2] =	wrdreg s3  }
0xb8: {  	[dreg:$0x3] =	wrdreg s5  }
0xb9: {  	[dreg:$0x4] =	wrdreg $0xC0  }
0xba: {  	_ =	task [dreg:s22], $0x5FFFF  }
0xbb: {  	[dreg:$0x1] =	wrdreg $0xFFFFFFFF  }
0xbc: {  	[dreg:$0x0] =	wrdreg $0x60  }
0xbd: {  	[dreg:$0x2] =	wrdreg s24  }
0xbe: {  	[dreg:$0x3] =	wrdreg $0x50000  }
0xbf: {  	[dreg:$0x4] =	wrdreg $0x9  }
0xc0: {  	_ =	task.clear_ibuf [dreg:s22], $0x5FFFF;
	_ =	strace $0x90000049  }
0xc1: {  	s29 =	simm.s32 $0x9;
	_ =	strace $0x8000004B  }
0xc2: {  	_ =	swait.ge [sflag:s29], $0x1  }
0xc3: {  	[sflag:s29] =	ssyncadd.s32 $0xFFFFFFFF  }
0xc4: {  	_ =	strace $0x9000004B  }
0xc5: {  	_ =	sfence  }
0xc6: {  	s30 =	sld [smem:$0x0];
	_ =	sdelay $0x2  }
0xc7: {  	s31 =	sshll.u32 s1, $0xD;
	s1 =	sshrl.u32 s1, $0x2  }
0xc8: {  	s4 =	sand.u32 $0x4000, s31;
	s1 =	sadd.s32 s1, s30  }
0xc9: {  	s0 =	sor.u32 s4, s0;
	s1 =	sshll.u32 s1, $0x11  }
0xca: {  	s0 =	sor.u32 s1, s0  }
0xcb: {  	s0 =	sadd.s32 $0x8F2B, s0  }
0xcc: {  	[sflag:s0] =	ssyncadd.remote.s32 $0x1  }
0xcd: {  	_ =	sfence.sel $0xFFFF  }
0xce: {  	[dreg:$0x0] =	wrdreg $0xFFFFFFFF;
	(pc) =	sbr.abs _section_cstart, $3  }
0xcf: {  	[dreg:$0x1] =	wrdreg $0xFFFFFFFF  }
0xd0: {  	_ =	task.clear_ibuf [dreg:s22], $0x2FFFF;
	_ =	strace $0x9FFFFFFF  }
0xd1: {  	(tm) =	ssettm $0x7FFFFFFF  }
tec
execute0_lowered:
.L_overlay_start_1:
0x0: {  	(tag) =	ssettag $0x1  }
0x1: {  	s1 =	srdreg.scid;
	s4 =	rddreg [dreg:$0x0]  }
0x2: {  	s0 =	stileid.u32;
	s2 =	rddreg [dreg:$0x1]  }
0x3: {  	s3 =	simm.s32 $0x0;
	s10 =	simm.s32 $0x80;
	s11 =	simm.s32 $0x1000  }
0x4: {  	s12 =	simm.s32 $0x100;
	s13 =	simm.s32 $0x180;
	s14 =	simm.s32 $0x200  }
0x5: {  	s15 =	simm.s32 $0x280;
	s16 =	simm.s32 $0x300;
	s17 =	simm.s32 $0x380  }
0x6: {  	s18 =	simm.s32 $0x400;
	s19 =	simm.s32 $0x480;
	s6 =	smul.u32 $0x5000, s0  }
0x7: {  	s20 =	simm.s32 $0x500;
	s21 =	simm.s32 $0x580;
	s9 =	smul.u32 $0x14000, s0  }
0x8: {  	s22 =	simm.s32 $0x600;
	s5 =	sand.u32 $0x1, s1;
	s25 =	smul.u32 $0x50000, s0  }
0x9: {  	s23 =	simm.s32 $0x680;
	[smem:$0x7FF] =	sst s3;
	s7 =	smul.u32 $0x2800, s5  }
0xa: {  	s8 =	smul.u32 $0x140000, s5;
	_ =	strace $0x8000004A;
	s5 =	ssub.s32 $0x2, s5  }
0xb: {  	s29 =	sshrl.u32 s5, $0x1;
	s30 =	sshrl.u32 s25, $0x2;
	s25 =	simm.s32 $0x780  }
0xc: {  	s6 =	sadd.s32 s7, s6;
	s24 =	sadd.s32 s9, s8;
	s31 =	ssub.s32 s5, s29  }
0xd: {  	s8 =	simm.s32 $0x800;
	s6 =	sshrl.u32 s6, $0x3;
	s28 =	sshrl.u32 s24, $0x3  }
0xe: {  	s9 =	simm.s32 $0x1;
	s26 =	sadd.s32 s6, s4;
	s6 =	sadd.s32 s28, s4  }
0xf: {  	s24 =	simm.s32 $0x700;
	s4 =	sadd.s32 s30, s2;
	s5 =	sadd.s32 $0x597400, s6  }
0x10: {  	v0 =	vimm.f32 $0.0e+00;
	v1 =	vimm.f32 $1.000000000e+00;
	s6 =	smax.u32 s31, $0x1;
	s7 =	sadd.s32 $0xD200, s26;
	s26 =	simm.s32 $0x0  }
.LBB2_1:
0x11: {  	s28 =	sand.u32 $0x1E00, s3  }
0x12: {  	s30 =	sand.u32 $0x70, s3;
	s28 =	sshrl.u32 s28, $0x2  }
0x13: {  	s29 =	simm.s32 $0x40;
	s31 =	sor.u32 s30, s28;
	s30 =	simm.s32 $0x0  }
.LBB2_2:
0x14: {  	p0 =	sne.s32 s29, $0x1FC0  }
0x15: {  	[tilespmem:s31+$0x800] =	vst v0;
	s30 =	sadd.s32 $0x10, s30;
	s28 =	smov.u32 s29;
	s29 =	sadd.s32 $0x40, s29  }
.Ltmp0:
0x16: {  	(pc) =	sbr.rel @p0 .LBB2_2-.Ltmp0, $4  }
0x17: {  	_ = 	snop  }
0x18: {  	s28 =	sand.u32 $0x1E00, s28  }
0x19: {  	s31 =	sand.u32 $0x70, s30;
	s28 =	sshrl.u32 s28, $0x2  }
0x1a: {  	s31 =	sor.u32 s31, s28;
	s28 =	simm.s32 $0x0  }
0x1b: {  	s29 =	sand.u32 $0xFE00, s28  }
0x1c: {  	s30 =	sand.u32 $0x70, s28;
	s1 =	sshrl.u32 s29, $0x2  }
0x1d: {  	[tilespmem:s31+$0x800] =	vst v0;
	s29 =	simm.s32 $0x40;
	s30 =	sor.u32 s30, s1  }
.LBB2_4:
0x1e: {  	p0 =	sne.s32 s29, $0xFFC0  }
0x1f: {  	[tilespmem:s30+$0x1000] =	vst v1;
	s28 =	sadd.s32 $0x10, s28;
	s1 =	smov.u32 s29;
	s29 =	sadd.s32 $0x40, s29  }
.Ltmp1:
0x20: {  	(pc) =	sbr.rel @p0 .LBB2_4-.Ltmp1, $4  }
0x21: {  	_ = 	snop  }
0x22: {  	s1 =	sand.u32 $0xFE00, s1  }
0x23: {  	s30 =	sand.u32 $0x70, s28;
	s1 =	sshrl.u32 s1, $0x2  }
0x24: {  	s30 =	sor.u32 s30, s1  }
0x25: {  	[tilespmem:s30+$0x1000] =	vst v1;
	s1 =	sadd.s32 $0x0, s4  }
0x26: {  	[spmem:s1] =	stream.linear.scatter [tilespmem:s8], [sflag:$0x1], $0x800, $0x38;
	[tilespmem:$0x19000] =	vst v63  }
0x27: {  	s28 =	simm.s32 $0x2000;
	_ =	swait.ge [sflag:s9], $0x800  }
.LBB2_6:
0x28: {  	s1 =	sshra.s32 s28, $0x2;
	[sflag:s9] =	ssyncset.done $0x0;
	p0 =	sne.s32 s28, $0x4E000  }
.Ltmp2:
0x29: {  	s1 =	sadd.s32 s1, s4;
	[sflag:s9] =	ssyncadd.s32 $0xFFFFF800;
	(pc) =	sbr.rel @p0 .LBB2_6-.Ltmp2, $3  }
0x2a: {  	[spmem:s1] =	stream.linear.scatter [tilespmem:s8], [sflag:$0x1], $0x800, $0x38;
	[tilespmem:$0x19000] =	vst v63  }
0x2b: {  	s28 =	sadd.s32 $0x2000, s28;
	_ =	sdelay $0x1  }
0x2c: {  	_ =	swait.ge [sflag:s9], $0x800  }
0x2d: {  	[sflag:s9] =	ssyncset.done $0x0  }
0x2e: {  	[sflag:s9] =	ssyncadd.s32 $0xFFFFF800  }
0x2f: {  	s1 =	sadd.s32 $0x0, s7;
	[bflag:$0x0] =	sbarrier.arrive $0xFFFF  }
0x30: {  	[tilespmem:s3], [sflag:$0x1] =	stream.linear.gather [hbm4b:s1+s3], $0x800, $0x38;
	[tilespmem:$0x19000] =	vst v63  }
0x31: {  	_ =	swait.ge [sflag:s9], $0x800  }
0x32: {  	[sflag:s9] =	ssyncset.done $0x0  }
0x33: {  	[sflag:s9] =	ssyncadd.s32 $0xFFFFF800  }
0x34: {  	[spmem:s2] =	stream.indirect.scatter.add.f32 [tilespmem:s11], [sflag:$0x1], $0x80, s3, s10, $0xb8;
	[tilespmem:$0x19000] =	vst v63  }
0x35: {  	_ =	swait.ge [sflag:s9], $0x4000  }
0x36: {  	[sflag:s9] =	ssyncset.done $0x0  }
0x37: {  	[sflag:s9] =	ssyncadd.s32 $0xFFFFC000  }
0x38: {  	[spmem:s2] =	stream.indirect.scatter.add.f32 [tilespmem:s11], [sflag:$0x1], $0x80, s10, s10, $0xb8;
	[tilespmem:$0x19000] =	vst v63  }
0x39: {  	_ =	swait.ge [sflag:s9], $0x4000  }
0x3a: {  	[sflag:s9] =	ssyncset.done $0x0  }
0x3b: {  	[sflag:s9] =	ssyncadd.s32 $0xFFFFC000  }
0x3c: {  	[spmem:s2] =	stream.indirect.scatter.add.f32 [tilespmem:s11], [sflag:$0x1], $0x80, s12, s10, $0xb8;
	[tilespmem:$0x19000] =	vst v63  }
0x3d: {  	_ =	swait.ge [sflag:s9], $0x4000  }
0x3e: {  	[sflag:s9] =	ssyncset.done $0x0  }
0x3f: {  	[sflag:s9] =	ssyncadd.s32 $0xFFFFC000  }
0x40: {  	[spmem:s2] =	stream.indirect.scatter.add.f32 [tilespmem:s11], [sflag:$0x1], $0x80, s13, s10, $0xb8;
	[tilespmem:$0x19000] =	vst v63  }
0x41: {  	_ =	swait.ge [sflag:s9], $0x4000  }
0x42: {  	[sflag:s9] =	ssyncset.done $0x0  }
0x43: {  	[sflag:s9] =	ssyncadd.s32 $0xFFFFC000  }
0x44: {  	[spmem:s2] =	stream.indirect.scatter.add.f32 [tilespmem:s11], [sflag:$0x1], $0x80, s14, s10, $0xb8;
	[tilespmem:$0x19000] =	vst v63  }
0x45: {  	_ =	swait.ge [sflag:s9], $0x4000  }
0x46: {  	[sflag:s9] =	ssyncset.done $0x0  }
0x47: {  	[sflag:s9] =	ssyncadd.s32 $0xFFFFC000  }
0x48: {  	[spmem:s2] =	stream.indirect.scatter.add.f32 [tilespmem:s11], [sflag:$0x1], $0x80, s15, s10, $0xb8;
	[tilespmem:$0x19000] =	vst v63  }
0x49: {  	_ =	swait.ge [sflag:s9], $0x4000  }
0x4a: {  	[sflag:s9] =	ssyncset.done $0x0  }
0x4b: {  	[sflag:s9] =	ssyncadd.s32 $0xFFFFC000  }
0x4c: {  	[spmem:s2] =	stream.indirect.scatter.add.f32 [tilespmem:s11], [sflag:$0x1], $0x80, s16, s10, $0xb8;
	[tilespmem:$0x19000] =	vst v63  }
0x4d: {  	_ =	swait.ge [sflag:s9], $0x4000  }
0x4e: {  	[sflag:s9] =	ssyncset.done $0x0  }
0x4f: {  	[sflag:s9] =	ssyncadd.s32 $0xFFFFC000  }
0x50: {  	[spmem:s2] =	stream.indirect.scatter.add.f32 [tilespmem:s11], [sflag:$0x1], $0x80, s17, s10, $0xb8;
	[tilespmem:$0x19000] =	vst v63  }
0x51: {  	_ =	swait.ge [sflag:s9], $0x4000  }
0x52: {  	[sflag:s9] =	ssyncset.done $0x0  }
0x53: {  	[sflag:s9] =	ssyncadd.s32 $0xFFFFC000  }
0x54: {  	[spmem:s2] =	stream.indirect.scatter.add.f32 [tilespmem:s11], [sflag:$0x1], $0x80, s18, s10, $0xb8;
	[tilespmem:$0x19000] =	vst v63  }
0x55: {  	_ =	swait.ge [sflag:s9], $0x4000  }
0x56: {  	[sflag:s9] =	ssyncset.done $0x0  }
0x57: {  	[sflag:s9] =	ssyncadd.s32 $0xFFFFC000  }
0x58: {  	[spmem:s2] =	stream.indirect.scatter.add.f32 [tilespmem:s11], [sflag:$0x1], $0x80, s19, s10, $0xb8;
	[tilespmem:$0x19000] =	vst v63  }
0x59: {  	_ =	swait.ge [sflag:s9], $0x4000  }
0x5a: {  	[sflag:s9] =	ssyncset.done $0x0  }
0x5b: {  	[sflag:s9] =	ssyncadd.s32 $0xFFFFC000  }
0x5c: {  	[spmem:s2] =	stream.indirect.scatter.add.f32 [tilespmem:s11], [sflag:$0x1], $0x80, s20, s10, $0xb8;
	[tilespmem:$0x19000] =	vst v63  }
0x5d: {  	_ =	swait.ge [sflag:s9], $0x4000  }
0x5e: {  	[sflag:s9] =	ssyncset.done $0x0  }
0x5f: {  	[sflag:s9] =	ssyncadd.s32 $0xFFFFC000  }
0x60: {  	[spmem:s2] =	stream.indirect.scatter.add.f32 [tilespmem:s11], [sflag:$0x1], $0x80, s21, s10, $0xb8;
	[tilespmem:$0x19000] =	vst v63  }
0x61: {  	_ =	swait.ge [sflag:s9], $0x4000  }
0x62: {  	[sflag:s9] =	ssyncset.done $0x0  }
0x63: {  	[sflag:s9] =	ssyncadd.s32 $0xFFFFC000  }
0x64: {  	[spmem:s2] =	stream.indirect.scatter.add.f32 [tilespmem:s11], [sflag:$0x1], $0x80, s22, s10, $0xb8;
	[tilespmem:$0x19000] =	vst v63  }
0x65: {  	_ =	swait.ge [sflag:s9], $0x4000  }
0x66: {  	[sflag:s9] =	ssyncset.done $0x0  }
0x67: {  	[sflag:s9] =	ssyncadd.s32 $0xFFFFC000  }
0x68: {  	[spmem:s2] =	stream.indirect.scatter.add.f32 [tilespmem:s11], [sflag:$0x1], $0x80, s23, s10, $0xb8;
	[tilespmem:$0x19000] =	vst v63  }
0x69: {  	_ =	swait.ge [sflag:s9], $0x4000  }
0x6a: {  	[sflag:s9] =	ssyncset.done $0x0  }
0x6b: {  	[sflag:s9] =	ssyncadd.s32 $0xFFFFC000  }
0x6c: {  	[spmem:s2] =	stream.indirect.scatter.add.f32 [tilespmem:s11], [sflag:$0x1], $0x80, s24, s10, $0xb8;
	[tilespmem:$0x19000] =	vst v63  }
0x6d: {  	_ =	swait.ge [sflag:s9], $0x4000  }
0x6e: {  	[sflag:s9] =	ssyncset.done $0x0  }
0x6f: {  	[sflag:s9] =	ssyncadd.s32 $0xFFFFC000  }
0x70: {  	[spmem:s2] =	stream.indirect.scatter.add.f32 [tilespmem:s11], [sflag:$0x1], $0x80, s25, s10, $0xb8;
	[tilespmem:$0x19000] =	vst v63  }
0x71: {  	_ =	swait.ge [sflag:s9], $0x4000  }
0x72: {  	s28 =	simm.s32 $0x100;
	s30 =	simm.s32 $0x200;
	[sflag:s9] =	ssyncset.done $0x0  }
.LBB2_8:
0x73: {  	s1 =	sadd.s32 s28, s7  }
0x74: {  	[sflag:s9] =	ssyncadd.s32 $0xFFFFC000;
	s28 =	smov.u32 s30;
	s29 =	sadd.s32 $0x100, s30  }
0x75: {  	[tilespmem:s3], [sflag:$0x1] =	stream.linear.gather [hbm4b:s1+s3], $0x800, $0x38;
	[tilespmem:$0x19000] =	vst v63  }
0x76: {  	p0 =	sne.s32 s30, $0x400;
	_ =	swait.ge [sflag:s9], $0x800  }
0x77: {  	[sflag:s9] =	ssyncset.done $0x0  }
0x78: {  	[sflag:s9] =	ssyncadd.s32 $0xFFFFF800  }
0x79: {  	[spmem:s2] =	stream.indirect.scatter.add.f32 [tilespmem:s11], [sflag:$0x1], $0x80, s3, s10, $0xb8;
	[tilespmem:$0x19000] =	vst v63  }
0x7a: {  	_ =	swait.ge [sflag:s9], $0x4000  }
0x7b: {  	[sflag:s9] =	ssyncset.done $0x0  }
0x7c: {  	[sflag:s9] =	ssyncadd.s32 $0xFFFFC000  }
0x7d: {  	[spmem:s2] =	stream.indirect.scatter.add.f32 [tilespmem:s11], [sflag:$0x1], $0x80, s10, s10, $0xb8;
	[tilespmem:$0x19000] =	vst v63  }
0x7e: {  	_ =	swait.ge [sflag:s9], $0x4000  }
0x7f: {  	[sflag:s9] =	ssyncset.done $0x0  }
0x80: {  	[sflag:s9] =	ssyncadd.s32 $0xFFFFC000  }
0x81: {  	[spmem:s2] =	stream.indirect.scatter.add.f32 [tilespmem:s11], [sflag:$0x1], $0x80, s12, s10, $0xb8;
	[tilespmem:$0x19000] =	vst v63  }
0x82: {  	_ =	swait.ge [sflag:s9], $0x4000  }
0x83: {  	[sflag:s9] =	ssyncset.done $0x0  }
0x84: {  	[sflag:s9] =	ssyncadd.s32 $0xFFFFC000  }
0x85: {  	[spmem:s2] =	stream.indirect.scatter.add.f32 [tilespmem:s11], [sflag:$0x1], $0x80, s13, s10, $0xb8;
	[tilespmem:$0x19000] =	vst v63  }
0x86: {  	_ =	swait.ge [sflag:s9], $0x4000  }
0x87: {  	[sflag:s9] =	ssyncset.done $0x0  }
0x88: {  	[sflag:s9] =	ssyncadd.s32 $0xFFFFC000  }
0x89: {  	[spmem:s2] =	stream.indirect.scatter.add.f32 [tilespmem:s11], [sflag:$0x1], $0x80, s14, s10, $0xb8;
	[tilespmem:$0x19000] =	vst v63  }
0x8a: {  	_ =	swait.ge [sflag:s9], $0x4000  }
0x8b: {  	[sflag:s9] =	ssyncset.done $0x0  }
0x8c: {  	[sflag:s9] =	ssyncadd.s32 $0xFFFFC000  }
0x8d: {  	[spmem:s2] =	stream.indirect.scatter.add.f32 [tilespmem:s11], [sflag:$0x1], $0x80, s15, s10, $0xb8;
	[tilespmem:$0x19000] =	vst v63  }
0x8e: {  	_ =	swait.ge [sflag:s9], $0x4000  }
0x8f: {  	[sflag:s9] =	ssyncset.done $0x0  }
0x90: {  	[sflag:s9] =	ssyncadd.s32 $0xFFFFC000  }
0x91: {  	[spmem:s2] =	stream.indirect.scatter.add.f32 [tilespmem:s11], [sflag:$0x1], $0x80, s16, s10, $0xb8;
	[tilespmem:$0x19000] =	vst v63  }
0x92: {  	_ =	swait.ge [sflag:s9], $0x4000  }
0x93: {  	[sflag:s9] =	ssyncset.done $0x0  }
0x94: {  	[sflag:s9] =	ssyncadd.s32 $0xFFFFC000  }
0x95: {  	[spmem:s2] =	stream.indirect.scatter.add.f32 [tilespmem:s11], [sflag:$0x1], $0x80, s17, s10, $0xb8;
	[tilespmem:$0x19000] =	vst v63  }
0x96: {  	_ =	swait.ge [sflag:s9], $0x4000  }
0x97: {  	[sflag:s9] =	ssyncset.done $0x0  }
0x98: {  	[sflag:s9] =	ssyncadd.s32 $0xFFFFC000  }
0x99: {  	[spmem:s2] =	stream.indirect.scatter.add.f32 [tilespmem:s11], [sflag:$0x1], $0x80, s18, s10, $0xb8;
	[tilespmem:$0x19000] =	vst v63  }
0x9a: {  	_ =	swait.ge [sflag:s9], $0x4000  }
0x9b: {  	[sflag:s9] =	ssyncset.done $0x0  }
0x9c: {  	[sflag:s9] =	ssyncadd.s32 $0xFFFFC000  }
0x9d: {  	[spmem:s2] =	stream.indirect.scatter.add.f32 [tilespmem:s11], [sflag:$0x1], $0x80, s19, s10, $0xb8;
	[tilespmem:$0x19000] =	vst v63  }
0x9e: {  	_ =	swait.ge [sflag:s9], $0x4000  }
0x9f: {  	[sflag:s9] =	ssyncset.done $0x0  }
0xa0: {  	[sflag:s9] =	ssyncadd.s32 $0xFFFFC000  }
0xa1: {  	[spmem:s2] =	stream.indirect.scatter.add.f32 [tilespmem:s11], [sflag:$0x1], $0x80, s20, s10, $0xb8;
	[tilespmem:$0x19000] =	vst v63  }
0xa2: {  	_ =	swait.ge [sflag:s9], $0x4000  }
0xa3: {  	[sflag:s9] =	ssyncset.done $0x0  }
0xa4: {  	[sflag:s9] =	ssyncadd.s32 $0xFFFFC000  }
0xa5: {  	[spmem:s2] =	stream.indirect.scatter.add.f32 [tilespmem:s11], [sflag:$0x1], $0x80, s21, s10, $0xb8;
	[tilespmem:$0x19000] =	vst v63  }
0xa6: {  	_ =	swait.ge [sflag:s9], $0x4000  }
0xa7: {  	[sflag:s9] =	ssyncset.done $0x0  }
0xa8: {  	[sflag:s9] =	ssyncadd.s32 $0xFFFFC000  }
0xa9: {  	[spmem:s2] =	stream.indirect.scatter.add.f32 [tilespmem:s11], [sflag:$0x1], $0x80, s22, s10, $0xb8;
	[tilespmem:$0x19000] =	vst v63  }
0xaa: {  	_ =	swait.ge [sflag:s9], $0x4000  }
0xab: {  	[sflag:s9] =	ssyncset.done $0x0  }
0xac: {  	[sflag:s9] =	ssyncadd.s32 $0xFFFFC000  }
0xad: {  	[spmem:s2] =	stream.indirect.scatter.add.f32 [tilespmem:s11], [sflag:$0x1], $0x80, s23, s10, $0xb8;
	[tilespmem:$0x19000] =	vst v63  }
0xae: {  	_ =	swait.ge [sflag:s9], $0x4000  }
0xaf: {  	[sflag:s9] =	ssyncset.done $0x0  }
0xb0: {  	[sflag:s9] =	ssyncadd.s32 $0xFFFFC000  }
0xb1: {  	[spmem:s2] =	stream.indirect.scatter.add.f32 [tilespmem:s11], [sflag:$0x1], $0x80, s24, s10, $0xb8;
	[tilespmem:$0x19000] =	vst v63  }
0xb2: {  	_ =	swait.ge [sflag:s9], $0x4000  }
.Ltmp3:
0xb3: {  	[sflag:s9] =	ssyncset.done $0x0;
	(pc) =	sbr.rel @p0 .LBB2_8-.Ltmp3, $4  }
0xb4: {  	[sflag:s9] =	ssyncadd.s32 $0xFFFFC000  }
0xb5: {  	[spmem:s2] =	stream.indirect.scatter.add.f32 [tilespmem:s11], [sflag:$0x1], $0x80, s25, s10, $0xb8;
	[tilespmem:$0x19000] =	vst v63  }
0xb6: {  	_ =	swait.ge [sflag:s9], $0x4000  }
0xb7: {  	s30 =	smov.u32 s29;
	[sflag:s9] =	ssyncset.done $0x0  }
0xb8: {  	s1 =	sadd.s32 s28, s7;
	[sflag:s9] =	ssyncadd.s32 $0xFFFFC000  }
0xb9: {  	[tilespmem:s3], [sflag:$0x1] =	stream.linear.gather [hbm4b:s1+s3], $0x800, $0x38;
	[tilespmem:$0x19000] =	vst v63  }
0xba: {  	_ =	swait.ge [sflag:s9], $0x800  }
0xbb: {  	[sflag:s9] =	ssyncset.done $0x0  }
0xbc: {  	[sflag:s9] =	ssyncadd.s32 $0xFFFFF800  }
0xbd: {  	[spmem:s2] =	stream.indirect.scatter.add.f32 [tilespmem:s11], [sflag:$0x1], $0x80, s3, s10, $0xb8;
	[tilespmem:$0x19000] =	vst v63  }
0xbe: {  	_ =	swait.ge [sflag:s9], $0x4000  }
0xbf: {  	[sflag:s9] =	ssyncset.done $0x0  }
0xc0: {  	[sflag:s9] =	ssyncadd.s32 $0xFFFFC000  }
0xc1: {  	[spmem:s2] =	stream.indirect.scatter.add.f32 [tilespmem:s11], [sflag:$0x1], $0x80, s10, s10, $0xb8;
	[tilespmem:$0x19000] =	vst v63  }
0xc2: {  	_ =	swait.ge [sflag:s9], $0x4000  }
0xc3: {  	[sflag:s9] =	ssyncset.done $0x0  }
0xc4: {  	[sflag:s9] =	ssyncadd.s32 $0xFFFFC000  }
0xc5: {  	[spmem:s2] =	stream.indirect.scatter.add.f32 [tilespmem:s11], [sflag:$0x1], $0x80, s12, s10, $0xb8;
	[tilespmem:$0x19000] =	vst v63  }
0xc6: {  	_ =	swait.ge [sflag:s9], $0x4000  }
0xc7: {  	[sflag:s9] =	ssyncset.done $0x0  }
0xc8: {  	[sflag:s9] =	ssyncadd.s32 $0xFFFFC000  }
0xc9: {  	[spmem:s2] =	stream.indirect.scatter.add.f32 [tilespmem:s11], [sflag:$0x1], $0x80, s13, s10, $0xb8;
	[tilespmem:$0x19000] =	vst v63  }
0xca: {  	_ =	swait.ge [sflag:s9], $0x4000  }
0xcb: {  	[sflag:s9] =	ssyncset.done $0x0  }
0xcc: {  	[sflag:s9] =	ssyncadd.s32 $0xFFFFC000  }
0xcd: {  	[spmem:s2] =	stream.indirect.scatter.add.f32 [tilespmem:s11], [sflag:$0x1], $0x80, s14, s10, $0xb8;
	[tilespmem:$0x19000] =	vst v63  }
0xce: {  	_ =	swait.ge [sflag:s9], $0x4000  }
0xcf: {  	[sflag:s9] =	ssyncset.done $0x0  }
0xd0: {  	[sflag:s9] =	ssyncadd.s32 $0xFFFFC000  }
0xd1: {  	[spmem:s2] =	stream.indirect.scatter.add.f32 [tilespmem:s11], [sflag:$0x1], $0x80, s15, s10, $0xb8;
	[tilespmem:$0x19000] =	vst v63  }
0xd2: {  	_ =	swait.ge [sflag:s9], $0x4000  }
0xd3: {  	[sflag:s9] =	ssyncset.done $0x0  }
0xd4: {  	[sflag:s9] =	ssyncadd.s32 $0xFFFFC000  }
0xd5: {  	[spmem:s2] =	stream.indirect.scatter.add.f32 [tilespmem:s11], [sflag:$0x1], $0x80, s16, s10, $0xb8;
	[tilespmem:$0x19000] =	vst v63  }
0xd6: {  	_ =	swait.ge [sflag:s9], $0x4000  }
0xd7: {  	[sflag:s9] =	ssyncset.done $0x0  }
0xd8: {  	[sflag:s9] =	ssyncadd.s32 $0xFFFFC000  }
0xd9: {  	[spmem:s2] =	stream.indirect.scatter.add.f32 [tilespmem:s11], [sflag:$0x1], $0x80, s17, s10, $0xb8;
	[tilespmem:$0x19000] =	vst v63  }
0xda: {  	_ =	swait.ge [sflag:s9], $0x4000  }
0xdb: {  	[sflag:s9] =	ssyncset.done $0x0  }
0xdc: {  	[sflag:s9] =	ssyncadd.s32 $0xFFFFC000  }
0xdd: {  	[spmem:s2] =	stream.indirect.scatter.add.f32 [tilespmem:s11], [sflag:$0x1], $0x80, s18, s10, $0xb8;
	[tilespmem:$0x19000] =	vst v63  }
0xde: {  	_ =	swait.ge [sflag:s9], $0x4000  }
0xdf: {  	[sflag:s9] =	ssyncset.done $0x0  }
0xe0: {  	[sflag:s9] =	ssyncadd.s32 $0xFFFFC000  }
0xe1: {  	[spmem:s2] =	stream.indirect.scatter.add.f32 [tilespmem:s11], [sflag:$0x1], $0x80, s19, s10, $0xb8;
	[tilespmem:$0x19000] =	vst v63  }
0xe2: {  	_ =	swait.ge [sflag:s9], $0x4000  }
0xe3: {  	[sflag:s9] =	ssyncset.done $0x0  }
0xe4: {  	[sflag:s9] =	ssyncadd.s32 $0xFFFFC000  }
0xe5: {  	[spmem:s2] =	stream.indirect.scatter.add.f32 [tilespmem:s11], [sflag:$0x1], $0x80, s20, s10, $0xb8;
	[tilespmem:$0x19000] =	vst v63  }
0xe6: {  	_ =	swait.ge [sflag:s9], $0x4000  }
0xe7: {  	[sflag:s9] =	ssyncset.done $0x0  }
0xe8: {  	[sflag:s9] =	ssyncadd.s32 $0xFFFFC000  }
0xe9: {  	[spmem:s2] =	stream.indirect.scatter.add.f32 [tilespmem:s11], [sflag:$0x1], $0x80, s21, s10, $0xb8;
	[tilespmem:$0x19000] =	vst v63  }
0xea: {  	_ =	swait.ge [sflag:s9], $0x4000  }
0xeb: {  	[sflag:s9] =	ssyncset.done $0x0  }
0xec: {  	[sflag:s9] =	ssyncadd.s32 $0xFFFFC000  }
0xed: {  	[spmem:s2] =	stream.indirect.scatter.add.f32 [tilespmem:s11], [sflag:$0x1], $0x80, s22, s10, $0xb8;
	[tilespmem:$0x19000] =	vst v63  }
0xee: {  	_ =	swait.ge [sflag:s9], $0x4000  }
0xef: {  	[sflag:s9] =	ssyncset.done $0x0  }
0xf0: {  	[sflag:s9] =	ssyncadd.s32 $0xFFFFC000  }
0xf1: {  	[spmem:s2] =	stream.indirect.scatter.add.f32 [tilespmem:s11], [sflag:$0x1], $0x80, s23, s10, $0xb8;
	[tilespmem:$0x19000] =	vst v63  }
0xf2: {  	_ =	swait.ge [sflag:s9], $0x4000  }
0xf3: {  	[sflag:s9] =	ssyncset.done $0x0  }
0xf4: {  	[sflag:s9] =	ssyncadd.s32 $0xFFFFC000  }
0xf5: {  	[spmem:s2] =	stream.indirect.scatter.add.f32 [tilespmem:s11], [sflag:$0x1], $0x80, s24, s10, $0xb8;
	[tilespmem:$0x19000] =	vst v63  }
0xf6: {  	_ =	swait.ge [sflag:s9], $0x4000  }
0xf7: {  	[sflag:s9] =	ssyncset.done $0x0  }
0xf8: {  	[sflag:s9] =	ssyncadd.s32 $0xFFFFC000  }
0xf9: {  	[spmem:s2] =	stream.indirect.scatter.add.f32 [tilespmem:s11], [sflag:$0x1], $0x80, s25, s10, $0xb8;
	[tilespmem:$0x19000] =	vst v63  }
0xfa: {  	_ =	swait.ge [sflag:s9], $0x4000  }
0xfb: {  	s30 =	sshll.u32 s0, $0x6;
	s26 =	sadd.s32 $0x1, s26;
	[sflag:s9] =	ssyncset.done $0x0  }
0xfc: {  	s31 =	sshrl.u32 s4, $0x3;
	p0 =	sne.s32 s26, s6;
	[sflag:s9] =	ssyncadd.s32 $0xFFFFC000  }
.Ltmp4:
0xfd: {  	s1 =	sor.u32 $0x1C01, s30;
	[bflag:$0x0] =	sbarrier.arrive $0xFFFF;
	(pc) =	sbr.rel @p0 .LBB2_1-.Ltmp4, $4  }
0xfe: {  	[hbm:s5], [sflag:s1] =	dma.local [spmem:s31], $0x2800  }
0xff: {  	_ =	swait.ge [sflag:s9], $0x2800  }
0x100: {  	[sflag:s9] =	ssyncset.done $0x0  }
0x101: {  	[sflag:s9] =	ssyncadd.s32 $0xFFFFD800  }
0x102: {  	_ =	sfence.sel $0x180000  }
0x103: {  	[bflag:$0x0] =	sbarrier.arrive $0xFFFF  }
0x104: {  	_ =	strace $0x9000004A  }
0x105: {  	[bflag:$0x2] =	sbarrier.arrive $0xFFFF  }
0x106: {  	p0 =	sne.s32 s0, $0x0;
	s0 =	rddreg [dreg:$0x2]  }
0x107: {  	s0 =	sadd.s32 @!p0 $0x100000, s0  }
0x108: {  	[sflag:s0] =	ssyncadd.tile.s32 @!p0 $0x1;
	_ =	shalt  }
.Lfunc_end2:
_tile_overlayer_lowered:
.L_overlay_start_2:
0x109: {  	(tag) =	ssettag $0x2  }
0x10a: {  	s0 =	rddreg [dreg:$0x0];
	s2 =	stileid.u32  }
0x10b: {  	s1 =	rddreg [dreg:$0x1];
	p0 =	sne.s32 s2, $0x0  }
0x10c: {  	s3 =	rddreg [dreg:$0x2];
	[bflag:$0x3] =	sbarrier.arrive $0xFFFF;
	s2 =	simm.s32 @!p0 $0x1C01  }
0x10d: {  	[timem:s3], [sflag:s2] =	dma.local @!p0 [hbm:s0], s1  }
0x10e: {  	s0 =	simm.s32 @!p0 $0x1  }
0x10f: {  	_ =	swait.ge @!p0 [sflag:s0], s1  }
0x110: {  	s1 =	ssub.s32 @!p0 $0x0, s1;
	[sflag:s0] =	ssyncset.done @!p0 $0x0  }
0x111: {  	[sflag:s0] =	ssyncadd.s32 @!p0 s1  }
0x112: {  	[bflag:$0x3] =	sbarrier.arrive $0xFFFF  }
0x113: {  	_ =	shalt  }

// kernel: kernel.13.cloned.1.call-start
scs
__scs_entry_jumppad:
0x0: {  	(pc) =	sbr.rel $0x88, $3  }
0x1: {  	(tag) =	ssettag $0x0;
	lr =	simm.s32 $0x1  }
0x2: {  	[smem:$0x3F93] =	sst lr;
	_ =	strace $0xD0000000  }
0x3: {  	_ = 	snop  }
0x4: {  	_ = 	snop  }
0x5: {  	_ = 	snop  }
0x6: {  	_ = 	snop  }
0x7: {  	_ = 	snop  }
__scs_overlays_trampoline_lowered:
0x8: {  	[smem:$0x3FA2] =	sst s0  }
0x9: {  	[smem:$0x3FA3] =	sst s1  }
0xa: {  	[smem:$0x3FA4] =	sst s2  }
0xb: {  	[smem:$0x3FA5] =	sst s3  }
0xc: {  	[smem:$0x3FA6] =	sst s4  }
0xd: {  	[smem:$0x3FA7] =	sst s5  }
0xe: {  	[smem:$0x3FA8] =	sst s6  }
0xf: {  	[smem:$0x3FA9] =	sst s7  }
0x10: {  	[smem:$0x3FAA] =	sst s8  }
0x11: {  	[smem:$0x3FAB] =	sst s9;
	s0 =	simm.s32 @!p0 $0x0  }
0x12: {  	s1 =	sld [smem:$0x3F91];
	s0 =	simm.s32 @p0 $0x1  }
0x13: {  	[smem:$0x3FAC] =	sst s0;
	s0 =	simm.s32 @!p1 $0x0  }
0x14: {  	s2 =	sld [smem:$0x3F90];
	s0 =	simm.s32 @p1 $0x1  }
0x15: {  	[smem:$0x3FAD] =	sst s0;
	s0 =	simm.s32 @!p2 $0x0  }
0x16: {  	s3 =	sld [smem:$0x3FDB];
	s0 =	simm.s32 @p2 $0x1  }
0x17: {  	s4 =	simm.s32 $0x1BF5;
	[smem:$0x3FAF] =	sst s0  }
0x18: {  	s0 =	sld [smem:$0x3F92];
	_ =	swait.ge [sflag:s4], $0x0  }
0x19: {  	s7 =	sld [smem:$0x3F93]  }
0x1a: {  	s8 =	sadd.s32 $0xFFFFE003, lr  }
0x1b: {  	s9 =	sadd.s32 $0xFFFFFEF7, lr;
	s5 =	simm.s32 $0xFFFFFFFF;
	p2 =	slt.u32 s8, $0xFFFFF086  }
0x1c: {  	p1 =	slt.u32 s9, $0xF7A;
	s5 =	simm.s32 @!p2 $0x0  }
0x1d: {  	s5 =	simm.s32 @p1 $0x1;
	p0 =	seq.s32 s7, s2  }
0x1e: {  	s7 =	smul.u32 @!p0 $0xF7A, s2;
	p2 =	seq.s32 @!p0 s5, $0x0  }
0x1f: {  	s9 =	smul.u32 $0xF7A, s1;
	s8 =	simm.s32 @!p0 $0x1BF5;
	p2 =	por !p2, p0  }
0x20: {  	[sflag:s8] =	ssyncset.s32 @!p0 $0xFFFFF086;
	s6 =	sadd.s32 @!p0 s3, s7;
	s7 =	simm.s32 @!p0 $0x108  }
0x21: {  	s3 =	sadd.s32 s3, s9;
	s6 =	sadd.s32 @!p0 $0x88, s6;
	s7 =	simm.s32 @p2 $0x1082  }
0x22: {  	[simem:s7], [sflag:s8] =	dma.local @!p0 [hbm:s6], $0xF7A  }
0x23: {  	s9 =	sor.u32 $0xD0000000, s2;
	s6 =	simm.s32 $0x108;
	_ =	swait.ge @!p0 [sflag:s8], $0x0  }
0x24: {  	s3 =	sadd.s32 $0x88, s3;
	s6 =	simm.s32 @!p1 $0x1082;
	[sflag:s4] =	ssyncset.s32 $0xFFFFF086  }
0x25: {  	[simem:s6], [sflag:s4] =	dma.local [hbm:s3], $0xF7A  }
0x26: {  	[smem:$0x3F93] =	sst s1;
	(tag) =	ssettag s2;
	_ =	strace s9  }
0x27: {  	s1 =	sld [smem:$0x3FA3]  }
0x28: {  	s2 =	sld [smem:$0x3FA4]  }
0x29: {  	s4 =	sld [smem:$0x3FA6]  }
0x2a: {  	p0 =	seq.s32 s5, $0x0;
	s5 =	sld [smem:$0x3FA7]  }
0x2b: {  	s6 =	sld [smem:$0x3FA8]  }
0x2c: {  	s7 =	sld [smem:$0x3FA9]  }
0x2d: {  	s3 =	simm.s32 $0x108;
	s8 =	sld [smem:$0x3FAA]  }
0x2e: {  	s3 =	simm.s32 @!p0 $0x1082;
	s9 =	sld [smem:$0x3FAB]  }
0x2f: {  	lr =	sadd.s32 s0, s3;
	s0 =	sld [smem:$0x3FA2]  }
0x30: {  	s3 =	sld [smem:$0x3FA5]  }
0x31: {  	[smem:$0x3FAE] =	sst s10  }
0x32: {  	s10 =	sld [smem:$0x3FAC];
	_ =	sdelay $0x3  }
0x33: {  	p0 =	seq.s32 s10, $0x1;
	s10 =	sld [smem:$0x3FAE];
	_ =	sdelay $0x3  }
0x34: {  	[smem:$0x3FAE] =	sst s10  }
0x35: {  	s10 =	sld [smem:$0x3FAD];
	_ =	sdelay $0x3  }
0x36: {  	p1 =	seq.s32 s10, $0x1;
	s10 =	sld [smem:$0x3FAE];
	_ =	sdelay $0x3  }
0x37: {  	[smem:$0x3FAE] =	sst s10  }
0x38: {  	s10 =	sld [smem:$0x3FAF]  }
0x39: {  	_ = 	snop;
	(pc) =	sbr.ind lr, $3  }
0x3a: {  	_ = 	snop  }
0x3b: {  	_ = 	snop  }
0x3c: {  	p2 =	seq.s32 s10, $0x1;
	s10 =	sld [smem:$0x3FAE]  }
0x3d: {  	_ =	shalt  }
0x3e: {  	_ =	shalt  }
0x3f: {  	_ =	shalt  }
0x40: {  	_ =	shalt  }
0x41: {  	_ =	shalt  }
0x42: {  	_ =	shalt  }
0x43: {  	_ =	shalt  }
0x44: {  	_ =	shalt  }
0x45: {  	_ =	shalt  }
0x46: {  	_ =	shalt  }
0x47: {  	_ =	shalt  }
0x48: {  	_ =	shalt  }
0x49: {  	_ =	shalt  }
0x4a: {  	_ =	shalt  }
0x4b: {  	_ =	shalt  }
0x4c: {  	_ =	shalt  }
0x4d: {  	_ =	shalt  }
0x4e: {  	_ =	shalt  }
0x4f: {  	_ =	shalt  }
0x50: {  	_ =	shalt  }
0x51: {  	_ =	shalt  }
0x52: {  	_ =	shalt  }
0x53: {  	_ =	shalt  }
0x54: {  	_ =	shalt  }
0x55: {  	_ =	shalt  }
0x56: {  	_ =	shalt  }
0x57: {  	_ =	shalt  }
0x58: {  	_ =	shalt  }
0x59: {  	_ =	shalt  }
0x5a: {  	_ =	shalt  }
0x5b: {  	_ =	shalt  }
0x5c: {  	_ =	shalt  }
0x5d: {  	_ =	shalt  }
0x5e: {  	_ =	shalt  }
0x5f: {  	_ =	shalt  }
0x60: {  	_ =	shalt  }
0x61: {  	_ =	shalt  }
0x62: {  	_ =	shalt  }
0x63: {  	_ =	shalt  }
0x64: {  	_ =	shalt  }
0x65: {  	_ =	shalt  }
0x66: {  	_ =	shalt  }
0x67: {  	_ =	shalt  }
0x68: {  	_ =	shalt  }
0x69: {  	_ =	shalt  }
0x6a: {  	_ =	shalt  }
0x6b: {  	_ =	shalt  }
0x6c: {  	_ =	shalt  }
0x6d: {  	_ =	shalt  }
0x6e: {  	_ =	shalt  }
0x6f: {  	_ =	shalt  }
0x70: {  	_ =	shalt  }
0x71: {  	_ =	shalt  }
0x72: {  	_ =	shalt  }
0x73: {  	_ =	shalt  }
0x74: {  	_ =	shalt  }
0x75: {  	_ =	shalt  }
0x76: {  	_ =	shalt  }
0x77: {  	_ =	shalt  }
0x78: {  	_ =	shalt  }
0x79: {  	_ =	shalt  }
0x7a: {  	_ =	shalt  }
0x7b: {  	_ =	shalt  }
0x7c: {  	_ =	shalt  }
0x7d: {  	_ =	shalt  }
0x7e: {  	_ =	shalt  }
0x7f: {  	_ =	shalt  }
0x80: {  	_ =	shalt  }
0x81: {  	_ =	shalt  }
0x82: {  	_ =	shalt  }
0x83: {  	_ =	shalt  }
0x84: {  	_ =	shalt  }
0x85: {  	_ =	shalt  }
0x86: {  	_ =	shalt  }
0x87: {  	_ =	shalt  }
.Lfunc_end0:
.L_simem_size_0:
called_computation.1_lowered:
.L_overlay_start_0:
0x88: {  	s2 =	sld [smem:$0x3FD9]  }
0x89: {  	s3 =	sld [smem:$0x3FFE];
	_ =	sdelay $0x1  }
0x8a: {  	s1 =	srdreg.scid  }
0x8b: {  	s0 =	sand.u32 $0x1, s1  }
0x8c: {  	s16 =	sshll.u32 s0, $0xA;
	s2 =	sadd.s32 s3, s2  }
0x8d: {  	s2 =	sadd.s32 s2, s16  }
0x8e: {  	[smem:$0x3FBA] =	sst s2  }
0x8f: {  	_ = 	snop  }
0x90: {  	(tm) =	ssettm $0x1  }
0x91: {  	s17 =	sld [smem:$0x3FFB];
	_ =	sdelay $0x3  }
0x92: {  	_ =	strace s17  }
0x93: {  	s2 =	sld [smem:$0x3FFC];
	_ =	sdelay $0x3  }
0x94: {  	_ =	strace s2  }
0x95: {  	s2 =	sld [smem:$0x3FFD];
	_ =	sdelay $0x3  }
0x96: {  	_ =	strace s2  }
0x97: {  	_ =	strace $0x8FFFFFFF  }
0x98: {  	s18 =	sld [smem:$0x3FDB];
	_ =	sdelay $0x1  }
0x99: {  	s19 =	simm.s32 $_scs_section_size  }
0x9a: {  	s4 =	simm.s32 $_size__tile_overlayer_lowered;
	s5 =	simm.s32 $_tile_overlayer_lowered  }
0x9b: {  	s22 =	simm.s32 $0x1BFF;
	s21 =	sshll.u32 s5, $0x1;
	s2 =	sadd.s32 s19, s18  }
0x9c: {  	s6 =	simm.s32 $0x0;
	s20 =	sshll.u32 s4, $0x1;
	s4 =	sadd.s32 s21, s2  }
0x9d: {  	[timem:s6], [sflag:s22] =	dma.local [hbm:s4], s20  }
0x9e: {  	_ =	swait.ge [sflag:s22], s20  }
0x9f: {  	s3 =	ssub.s32 $0x0, s20;
	[sflag:s22] =	ssyncset.done $0x0  }
0xa0: {  	[sflag:s22] =	ssyncadd.s32 s3;
	_ =	sdelay $0x1  }
0xa1: {  	s23 =	simm.s32 $0x1B8B  }
0xa2: {  	_ =	swait.ge [sflag:s23], $0x1  }
0xa3: {  	[sflag:s23] =	ssyncset.done $0x0  }
0xa4: {  	s25 =	simm.s32 $0x1B8E;
	s24 =	sld [smem:$0x3FFE];
	[sflag:s23] =	ssyncadd.s32 $0xFFFFFFFF  }
0xa5: {  	s26 =	simm.s32 $execute0_lowered;
	[smem:$0x3FD2] =	sst s25  }
0xa6: {  	s4 =	sshll.u32 s26, $0x1;
	_ =	strace $0x80000046;
	[dreg:$0x1] =	wrdreg $0xFFFFFFFF  }
0xa7: {  	s28 =	simm.s32 $_size_execute0_lowered;
	s2 =	sadd.s32 s2, s4;
	[dreg:$0x0] =	wrdreg $0x0  }
0xa8: {  	s4 =	sshll.u32 s28, $0x1;
	[dreg:$0x2] =	wrdreg s2  }
0xa9: {  	[dreg:$0x3] =	wrdreg s4  }
0xaa: {  	[dreg:$0x4] =	wrdreg $0xC0  }
0xab: {  	_ =	task [dreg:s6], $0x5FFFF  }
0xac: {  	[dreg:$0x1] =	wrdreg $0xFFFFFFFF  }
0xad: {  	[dreg:$0x0] =	wrdreg $0x60  }
0xae: {  	[dreg:$0x2] =	wrdreg s24  }
0xaf: {  	[dreg:$0x3] =	wrdreg $0x98000  }
0xb0: {  	[dreg:$0x4] =	wrdreg $0xA  }
0xb1: {  	_ =	task.clear_ibuf [dreg:s6], $0x5FFFF;
	_ =	strace $0x90000046  }
0xb2: {  	s29 =	simm.s32 $0xA;
	_ =	strace $0x80000048  }
0xb3: {  	_ =	swait.ge [sflag:s29], $0x1  }
0xb4: {  	[sflag:s29] =	ssyncadd.s32 $0xFFFFFFFF  }
0xb5: {  	_ =	strace $0x90000048  }
0xb6: {  	_ =	sfence  }
0xb7: {  	s30 =	sld [smem:$0x0];
	_ =	sdelay $0x2  }
0xb8: {  	s31 =	sshll.u32 s1, $0xD;
	s1 =	sshrl.u32 s1, $0x2  }
0xb9: {  	s3 =	sand.u32 $0x4000, s31;
	s1 =	sadd.s32 s1, s30  }
0xba: {  	s0 =	sor.u32 s3, s0;
	s1 =	sshll.u32 s1, $0x11  }
0xbb: {  	s0 =	sor.u32 s1, s0  }
0xbc: {  	s0 =	sadd.s32 $0x8F2B, s0  }
0xbd: {  	[sflag:s0] =	ssyncadd.remote.s32 $0x1  }
0xbe: {  	_ =	sfence.sel $0xFFFF  }
0xbf: {  	[dreg:$0x0] =	wrdreg $0xFFFFFFFF;
	(pc) =	sbr.abs _section_cstart, $3  }
0xc0: {  	[dreg:$0x1] =	wrdreg $0xFFFFFFFF  }
0xc1: {  	_ =	task.clear_ibuf [dreg:s6], $0x2FFFF;
	_ =	strace $0x9FFFFFFF  }
0xc2: {  	(tm) =	ssettm $0x7FFFFFFF  }
0xc3: {  	_ =	shalt  }
tec
execute0_lowered:
.L_overlay_start_1:
0x0: {  	(tag) =	ssettag $0x1  }
0x1: {  	s0 =	srdreg.scid  }
0x2: {  	s8 =	stileid.u32;
	s5 =	rddreg [dreg:$0x0]  }
0x3: {  	s2 =	rddreg [dreg:$0x1];
	s3 =	simm.s32 $0x0;
	s15 =	simm.s32 $0x100  }
0x4: {  	s16 =	simm.s32 $0x880;
	s17 =	simm.s32 $0x180;
	s18 =	simm.s32 $0x900  }
0x5: {  	s19 =	simm.s32 $0x200;
	s20 =	simm.s32 $0x980;
	[smem:$0x7FF] =	sst s3  }
0x6: {  	s21 =	simm.s32 $0x280;
	_ =	strace $0x80000047;
	[dreg:$0x5] =	wrdreg s15  }
0x7: {  	s9 =	simm.s32 $0x3;
	s22 =	simm.s32 $0xA00;
	[dreg:$0x6] =	wrdreg s16  }
0x8: {  	s10 =	simm.s32 $0x800;
	s23 =	simm.s32 $0x300;
	[dreg:$0x7] =	wrdreg s17  }
0x9: {  	s11 =	simm.s32 $0x80;
	s24 =	simm.s32 $0xA80;
	[dreg:$0x8] =	wrdreg s18  }
0xa: {  	s25 =	simm.s32 $0x380;
	s26 =	simm.s32 $0xB00;
	[dreg:$0x9] =	wrdreg s19  }
0xb: {  	s28 =	simm.s32 $0xE00;
	s1 =	smul.u32 $0x5000, s8;
	[dreg:$0xa] =	wrdreg s20  }
0xc: {  	s29 =	simm.s32 $0x700;
	s7 =	smul.u32 $0x14000, s8;
	[dreg:$0xb] =	wrdreg s21  }
0xd: {  	s0 =	sand.u32 $0x1, s0;
	s14 =	smul.u32 $0x50000, s8;
	[dreg:$0xc] =	wrdreg s22  }
0xe: {  	s30 =	simm.s32 $0xE80;
	s4 =	smul.u32 $0x2800, s0;
	[dreg:$0xd] =	wrdreg s23  }
0xf: {  	s31 =	simm.s32 $0x780;
	s6 =	smul.u32 $0x140000, s0;
	[dreg:$0xe] =	wrdreg s24  }
0x10: {  	s0 =	ssub.s32 $0x2, s0;
	[dreg:$0xf] =	wrdreg s25;
	s15 =	simm.s32 $0x2  }
0x11: {  	[dreg:$0x10] =	wrdreg s26;
	s17 =	simm.s32 $0xB80;
	s18 =	simm.s32 $0x480  }
0x12: {  	s19 =	simm.s32 $0xC00;
	s20 =	simm.s32 $0x500;
	s21 =	simm.s32 $0xC80  }
0x13: {  	s22 =	simm.s32 $0x580;
	s23 =	simm.s32 $0xD00;
	s24 =	simm.s32 $0x600  }
0x14: {  	s25 =	simm.s32 $0xD80;
	s26 =	simm.s32 $0x680;
	s13 =	sshrl.u32 s0, $0x1  }
0x15: {  	s1 =	sadd.s32 s4, s1;
	s6 =	sadd.s32 s7, s6;
	s4 =	sadd.s32 $0x17200, s5  }
0x16: {  	s0 =	ssub.s32 s0, s13;
	s13 =	simm.s32 $0x1;
	s7 =	simm.s32 $0x0  }
0x17: {  	s1 =	sshrl.u32 s1, $0x3;
	s6 =	sshrl.u32 s6, $0x3;
	s0 =	smax.u32 s0, $0x1  }
0x18: {  	s1 =	sadd.s32 s1, s5;
	s6 =	sadd.s32 s6, s5;
	s5 =	sshrl.u32 s14, $0x2  }
0x19: {  	[dreg:$0x12] =	wrdreg s0;
	s14 =	simm.s32 $0x5000;
	s12 =	sadd.s32 $0xD200, s1  }
0x1a: {  	s0 =	simm.s32 $0xF80;
	s1 =	sadd.s32 $0x3200, s1;
	[dreg:$0x3] =	wrdreg s12  }
0x1b: {  	s5 =	sadd.s32 s5, s2;
	s6 =	sadd.s32 $0x547400, s6;
	[dreg:$0x4] =	wrdreg s1  }
0x1c: {  	v0 =	vimm.f32 $0.0e+00;
	[dreg:$0x11] =	wrdreg s6;
	s12 =	simm.s32 $0x1000;
	s1 =	simm.s32 $0xF00  }
.LBB2_1:
0x1d: {  	[dreg:$0x13] =	wrdreg s7;
	s6 =	simm.s32 $0x0;
	s7 =	simm.s32 $0x0  }
.LBB2_2:
0x1e: {  	p0 =	sne.s32 s7, $0x1FC0  }
.Ltmp0:
0x1f: {  	_ = 	snop;
	(pc) =	sbr.rel @p0 .LBB2_2-.Ltmp0, $4  }
0x20: {  	s8 =	sand.u32 $0x1E00, s7  }
0x21: {  	s16 =	sand.u32 $0x70, s6;
	s8 =	sshrl.u32 s8, $0x2  }
0x22: {  	s8 =	sor.u32 s16, s8  }
0x23: {  	s6 =	sadd.s32 $0x10, s6;
	s7 =	sadd.s32 $0x40, s7;
	[tilespmem:s8+$0x9000] =	vst v0  }
0x24: {  	s6 =	sadd.s32 $0x0, s5;
	s8 =	simm.s32 $0x9000  }
0x25: {  	[spmem:s6] =	stream.linear.scatter [tilespmem:s8], [sflag:$0x3], $0x800, $0x38;
	[tilespmem:$0x1D800] =	vst v63  }
0x26: {  	s6 =	simm.s32 $0x2000;
	_ =	swait.ge [sflag:s9], $0x800  }
.LBB2_4:
0x27: {  	s7 =	sshra.s32 s6, $0x2;
	[sflag:s9] =	ssyncset.done $0x0;
	p0 =	sne.s32 s6, $0x4E000  }
.Ltmp1:
0x28: {  	s7 =	sadd.s32 s7, s5;
	[sflag:s9] =	ssyncadd.s32 $0xFFFFF800;
	(pc) =	sbr.rel @p0 .LBB2_4-.Ltmp1, $3  }
0x29: {  	[spmem:s7] =	stream.linear.scatter [tilespmem:s8], [sflag:$0x3], $0x800, $0x38;
	[tilespmem:$0x1D800] =	vst v63  }
0x2a: {  	s6 =	sadd.s32 $0x2000, s6;
	_ =	sdelay $0x1  }
0x2b: {  	_ =	swait.ge [sflag:s9], $0x800  }
0x2c: {  	[sflag:s9] =	ssyncset.done $0x0  }
0x2d: {  	[sflag:s9] =	ssyncadd.s32 $0xFFFFF800  }
0x2e: {  	[bflag:$0x0] =	sbarrier.arrive $0xFFFF  }
0x2f: {  	s6 =	rddreg [dreg:$0x4]  }
0x30: {  	s6 =	sadd.s32 $0x0, s6  }
0x31: {  	[tilespmem:s3], [sflag:$0x3] =	stream.linear.gather [hbm4b:s6+s3], $0x800, $0x38;
	[tilespmem:$0x1D800] =	vst v63  }
0x32: {  	_ =	swait.ge [sflag:s9], $0x800  }
0x33: {  	s8 =	rddreg [dreg:$0x3];
	[sflag:s9] =	ssyncset.done $0x0  }
0x34: {  	[sflag:s9] =	ssyncadd.s32 $0xFFFFF800;
	s6 =	sadd.s32 $0x0, s8  }
0x35: {  	[tilespmem:s10], [sflag:$0x3] =	stream.linear.gather [hbm4b:s6+s3], $0x800, $0x38;
	[tilespmem:$0x1D800] =	vst v63  }
0x36: {  	_ =	swait.ge [sflag:s9], $0x800  }
0x37: {  	[sflag:s9] =	ssyncset.done $0x0  }
0x38: {  	[sflag:s9] =	ssyncadd.s32 $0xFFFFF800  }
0x39: {  	[tilespmem:s12], [sflag:$0x1] =	stream.indirect.gather [hbm4b:s4+s11], $0x80, s3, s11, $0xb8;
	[tilespmem:$0x1D800] =	vst v63  }
0x3a: {  	_ =	swait.ge [sflag:s13], $0x4000  }
0x3b: {  	[sflag:s13] =	ssyncset.done $0x0  }
0x3c: {  	[sflag:s13] =	ssyncadd.s32 $0xFFFFC000  }
0x3d: {  	[tilespmem:s14], [sflag:$0x2] =	stream.indirect.gather [hbm4b:s4+s11], $0x80, s11, s11, $0xb8;
	[tilespmem:$0x1D800] =	vst v63  }
0x3e: {  	_ = 	snop  }
0x3f: {  	[spmem:s2] =	stream.indirect.scatter.add.f32 [tilespmem:s12], [sflag:$0x3], $0x80, s10, s11, $0xb8;
	[tilespmem:$0x1D800] =	vst v63  }
0x40: {  	_ =	swait.ge [sflag:s9], $0x4000  }
0x41: {  	[sflag:s9] =	ssyncset.done $0x0  }
0x42: {  	[sflag:s9] =	ssyncadd.s32 $0xFFFFC000  }
0x43: {  	_ =	swait.ge [sflag:s15], $0x4000  }
0x44: {  	[sflag:s15] =	ssyncset.done $0x0  }
0x45: {  	s16 =	rddreg [dreg:$0x5];
	[sflag:s15] =	ssyncadd.s32 $0xFFFFC000  }
0x46: {  	[tilespmem:s12], [sflag:$0x1] =	stream.indirect.gather [hbm4b:s4+s11], $0x80, s16, s11, $0xb8;
	[tilespmem:$0x1D800] =	vst v63  }
0x47: {  	s7 =	rddreg [dreg:$0x6]  }
0x48: {  	[spmem:s2] =	stream.indirect.scatter.add.f32 [tilespmem:s14], [sflag:$0x3], $0x80, s7, s11, $0xb8;
	[tilespmem:$0x1D800] =	vst v63  }
0x49: {  	_ =	swait.ge [sflag:s9], $0x4000  }
0x4a: {  	[sflag:s9] =	ssyncset.done $0x0  }
0x4b: {  	[sflag:s9] =	ssyncadd.s32 $0xFFFFC000  }
0x4c: {  	_ =	swait.ge [sflag:s13], $0x4000  }
0x4d: {  	[sflag:s13] =	ssyncset.done $0x0  }
0x4e: {  	s8 =	rddreg [dreg:$0x7];
	[sflag:s13] =	ssyncadd.s32 $0xFFFFC000  }
0x4f: {  	[tilespmem:s14], [sflag:$0x2] =	stream.indirect.gather [hbm4b:s4+s11], $0x80, s8, s11, $0xb8;
	[tilespmem:$0x1D800] =	vst v63  }
0x50: {  	s16 =	rddreg [dreg:$0x8]  }
0x51: {  	[spmem:s2] =	stream.indirect.scatter.add.f32 [tilespmem:s12], [sflag:$0x3], $0x80, s16, s11, $0xb8;
	[tilespmem:$0x1D800] =	vst v63  }
0x52: {  	_ =	swait.ge [sflag:s9], $0x4000  }
0x53: {  	[sflag:s9] =	ssyncset.done $0x0  }
0x54: {  	[sflag:s9] =	ssyncadd.s32 $0xFFFFC000  }
0x55: {  	_ =	swait.ge [sflag:s15], $0x4000  }
0x56: {  	[sflag:s15] =	ssyncset.done $0x0  }
0x57: {  	s8 =	rddreg [dreg:$0x9];
	[sflag:s15] =	ssyncadd.s32 $0xFFFFC000  }
0x58: {  	[tilespmem:s12], [sflag:$0x1] =	stream.indirect.gather [hbm4b:s4+s11], $0x80, s8, s11, $0xb8;
	[tilespmem:$0x1D800] =	vst v63  }
0x59: {  	s16 =	rddreg [dreg:$0xa]  }
0x5a: {  	[spmem:s2] =	stream.indirect.scatter.add.f32 [tilespmem:s14], [sflag:$0x3], $0x80, s16, s11, $0xb8;
	[tilespmem:$0x1D800] =	vst v63  }
0x5b: {  	_ =	swait.ge [sflag:s9], $0x4000  }
0x5c: {  	[sflag:s9] =	ssyncset.done $0x0  }
0x5d: {  	[sflag:s9] =	ssyncadd.s32 $0xFFFFC000  }
0x5e: {  	_ =	swait.ge [sflag:s13], $0x4000  }
0x5f: {  	[sflag:s13] =	ssyncset.done $0x0  }
0x60: {  	s8 =	rddreg [dreg:$0xb];
	[sflag:s13] =	ssyncadd.s32 $0xFFFFC000  }
0x61: {  	[tilespmem:s14], [sflag:$0x2] =	stream.indirect.gather [hbm4b:s4+s11], $0x80, s8, s11, $0xb8;
	[tilespmem:$0x1D800] =	vst v63  }
0x62: {  	s16 =	rddreg [dreg:$0xc]  }
0x63: {  	[spmem:s2] =	stream.indirect.scatter.add.f32 [tilespmem:s12], [sflag:$0x3], $0x80, s16, s11, $0xb8;
	[tilespmem:$0x1D800] =	vst v63  }
0x64: {  	_ =	swait.ge [sflag:s9], $0x4000  }
0x65: {  	[sflag:s9] =	ssyncset.done $0x0  }
0x66: {  	[sflag:s9] =	ssyncadd.s32 $0xFFFFC000  }
0x67: {  	_ =	swait.ge [sflag:s15], $0x4000  }
0x68: {  	[sflag:s15] =	ssyncset.done $0x0  }
0x69: {  	s8 =	rddreg [dreg:$0xd];
	[sflag:s15] =	ssyncadd.s32 $0xFFFFC000  }
0x6a: {  	[tilespmem:s12], [sflag:$0x1] =	stream.indirect.gather [hbm4b:s4+s11], $0x80, s8, s11, $0xb8;
	[tilespmem:$0x1D800] =	vst v63  }
0x6b: {  	s16 =	rddreg [dreg:$0xe]  }
0x6c: {  	[spmem:s2] =	stream.indirect.scatter.add.f32 [tilespmem:s14], [sflag:$0x3], $0x80, s16, s11, $0xb8;
	[tilespmem:$0x1D800] =	vst v63  }
0x6d: {  	_ =	swait.ge [sflag:s9], $0x4000  }
0x6e: {  	[sflag:s9] =	ssyncset.done $0x0  }
0x6f: {  	[sflag:s9] =	ssyncadd.s32 $0xFFFFC000  }
0x70: {  	_ =	swait.ge [sflag:s13], $0x4000  }
0x71: {  	[sflag:s13] =	ssyncset.done $0x0  }
0x72: {  	s7 =	rddreg [dreg:$0xf];
	[sflag:s13] =	ssyncadd.s32 $0xFFFFC000  }
0x73: {  	[tilespmem:s14], [sflag:$0x2] =	stream.indirect.gather [hbm4b:s4+s11], $0x80, s7, s11, $0xb8;
	[tilespmem:$0x1D800] =	vst v63  }
0x74: {  	s8 =	rddreg [dreg:$0x10]  }
0x75: {  	[spmem:s2] =	stream.indirect.scatter.add.f32 [tilespmem:s12], [sflag:$0x3], $0x80, s8, s11, $0xb8;
	[tilespmem:$0x1D800] =	vst v63  }
0x76: {  	_ =	swait.ge [sflag:s9], $0x4000  }
0x77: {  	[sflag:s9] =	ssyncset.done $0x0  }
0x78: {  	[sflag:s9] =	ssyncadd.s32 $0xFFFFC000  }
0x79: {  	_ =	swait.ge [sflag:s15], $0x4000  }
0x7a: {  	[sflag:s15] =	ssyncset.done $0x0  }
0x7b: {  	s16 =	simm.s32 $0x400;
	[sflag:s15] =	ssyncadd.s32 $0xFFFFC000  }
0x7c: {  	[tilespmem:s12], [sflag:$0x1] =	stream.indirect.gather [hbm4b:s4+s11], $0x80, s16, s11, $0xb8;
	[tilespmem:$0x1D800] =	vst v63  }
0x7d: {  	_ = 	snop  }
0x7e: {  	[spmem:s2] =	stream.indirect.scatter.add.f32 [tilespmem:s14], [sflag:$0x3], $0x80, s17, s11, $0xb8;
	[tilespmem:$0x1D800] =	vst v63  }
0x7f: {  	_ =	swait.ge [sflag:s9], $0x4000  }
0x80: {  	[sflag:s9] =	ssyncset.done $0x0  }
0x81: {  	[sflag:s9] =	ssyncadd.s32 $0xFFFFC000  }
0x82: {  	_ =	swait.ge [sflag:s13], $0x4000  }
0x83: {  	[sflag:s13] =	ssyncset.done $0x0  }
0x84: {  	[sflag:s13] =	ssyncadd.s32 $0xFFFFC000  }
0x85: {  	[tilespmem:s14], [sflag:$0x2] =	stream.indirect.gather [hbm4b:s4+s11], $0x80, s18, s11, $0xb8;
	[tilespmem:$0x1D800] =	vst v63  }
0x86: {  	_ = 	snop  }
0x87: {  	[spmem:s2] =	stream.indirect.scatter.add.f32 [tilespmem:s12], [sflag:$0x3], $0x80, s19, s11, $0xb8;
	[tilespmem:$0x1D800] =	vst v63  }
0x88: {  	_ =	swait.ge [sflag:s9], $0x4000  }
0x89: {  	[sflag:s9] =	ssyncset.done $0x0  }
0x8a: {  	[sflag:s9] =	ssyncadd.s32 $0xFFFFC000  }
0x8b: {  	_ =	swait.ge [sflag:s15], $0x4000  }
0x8c: {  	[sflag:s15] =	ssyncset.done $0x0  }
0x8d: {  	[sflag:s15] =	ssyncadd.s32 $0xFFFFC000  }
0x8e: {  	[tilespmem:s12], [sflag:$0x1] =	stream.indirect.gather [hbm4b:s4+s11], $0x80, s20, s11, $0xb8;
	[tilespmem:$0x1D800] =	vst v63  }
0x8f: {  	_ = 	snop  }
0x90: {  	[spmem:s2] =	stream.indirect.scatter.add.f32 [tilespmem:s14], [sflag:$0x3], $0x80, s21, s11, $0xb8;
	[tilespmem:$0x1D800] =	vst v63  }
0x91: {  	_ =	swait.ge [sflag:s9], $0x4000  }
0x92: {  	[sflag:s9] =	ssyncset.done $0x0  }
0x93: {  	[sflag:s9] =	ssyncadd.s32 $0xFFFFC000  }
0x94: {  	_ =	swait.ge [sflag:s13], $0x4000  }
0x95: {  	[sflag:s13] =	ssyncset.done $0x0  }
0x96: {  	[sflag:s13] =	ssyncadd.s32 $0xFFFFC000  }
0x97: {  	[tilespmem:s14], [sflag:$0x2] =	stream.indirect.gather [hbm4b:s4+s11], $0x80, s22, s11, $0xb8;
	[tilespmem:$0x1D800] =	vst v63  }
0x98: {  	_ = 	snop  }
0x99: {  	[spmem:s2] =	stream.indirect.scatter.add.f32 [tilespmem:s12], [sflag:$0x3], $0x80, s23, s11, $0xb8;
	[tilespmem:$0x1D800] =	vst v63  }
0x9a: {  	_ =	swait.ge [sflag:s9], $0x4000  }
0x9b: {  	[sflag:s9] =	ssyncset.done $0x0  }
0x9c: {  	[sflag:s9] =	ssyncadd.s32 $0xFFFFC000  }
0x9d: {  	_ =	swait.ge [sflag:s15], $0x4000  }
0x9e: {  	[sflag:s15] =	ssyncset.done $0x0  }
0x9f: {  	[sflag:s15] =	ssyncadd.s32 $0xFFFFC000  }
0xa0: {  	[tilespmem:s12], [sflag:$0x1] =	stream.indirect.gather [hbm4b:s4+s11], $0x80, s24, s11, $0xb8;
	[tilespmem:$0x1D800] =	vst v63  }
0xa1: {  	_ = 	snop  }
0xa2: {  	[spmem:s2] =	stream.indirect.scatter.add.f32 [tilespmem:s14], [sflag:$0x3], $0x80, s25, s11, $0xb8;
	[tilespmem:$0x1D800] =	vst v63  }
0xa3: {  	_ =	swait.ge [sflag:s9], $0x4000  }
0xa4: {  	[sflag:s9] =	ssyncset.done $0x0  }
0xa5: {  	[sflag:s9] =	ssyncadd.s32 $0xFFFFC000  }
0xa6: {  	_ =	swait.ge [sflag:s13], $0x4000  }
0xa7: {  	[sflag:s13] =	ssyncset.done $0x0  }
0xa8: {  	[sflag:s13] =	ssyncadd.s32 $0xFFFFC000  }
0xa9: {  	[tilespmem:s14], [sflag:$0x2] =	stream.indirect.gather [hbm4b:s4+s11], $0x80, s26, s11, $0xb8;
	[tilespmem:$0x1D800] =	vst v63  }
0xaa: {  	_ = 	snop  }
0xab: {  	[spmem:s2] =	stream.indirect.scatter.add.f32 [tilespmem:s12], [sflag:$0x3], $0x80, s28, s11, $0xb8;
	[tilespmem:$0x1D800] =	vst v63  }
0xac: {  	_ =	swait.ge [sflag:s9], $0x4000  }
0xad: {  	[sflag:s9] =	ssyncset.done $0x0  }
0xae: {  	[sflag:s9] =	ssyncadd.s32 $0xFFFFC000  }
0xaf: {  	_ =	swait.ge [sflag:s15], $0x4000  }
0xb0: {  	[sflag:s15] =	ssyncset.done $0x0  }
0xb1: {  	[sflag:s15] =	ssyncadd.s32 $0xFFFFC000  }
0xb2: {  	[tilespmem:s12], [sflag:$0x1] =	stream.indirect.gather [hbm4b:s4+s11], $0x80, s29, s11, $0xb8;
	[tilespmem:$0x1D800] =	vst v63  }
0xb3: {  	_ = 	snop  }
0xb4: {  	[spmem:s2] =	stream.indirect.scatter.add.f32 [tilespmem:s14], [sflag:$0x3], $0x80, s30, s11, $0xb8;
	[tilespmem:$0x1D800] =	vst v63  }
0xb5: {  	_ =	swait.ge [sflag:s9], $0x4000  }
0xb6: {  	[sflag:s9] =	ssyncset.done $0x0  }
0xb7: {  	[sflag:s9] =	ssyncadd.s32 $0xFFFFC000  }
0xb8: {  	_ =	swait.ge [sflag:s13], $0x4000  }
0xb9: {  	[sflag:s13] =	ssyncset.done $0x0  }
0xba: {  	[sflag:s13] =	ssyncadd.s32 $0xFFFFC000  }
0xbb: {  	[tilespmem:s14], [sflag:$0x2] =	stream.indirect.gather [hbm4b:s4+s11], $0x80, s31, s11, $0xb8;
	[tilespmem:$0x1D800] =	vst v63  }
0xbc: {  	_ = 	snop  }
0xbd: {  	[spmem:s2] =	stream.indirect.scatter.add.f32 [tilespmem:s12], [sflag:$0x3], $0x80, s1, s11, $0xb8;
	[tilespmem:$0x1D800] =	vst v63  }
0xbe: {  	_ =	swait.ge [sflag:s9], $0x4000  }
0xbf: {  	[sflag:s9] =	ssyncset.done $0x0  }
0xc0: {  	[sflag:s9] =	ssyncadd.s32 $0xFFFFC000  }
0xc1: {  	_ =	swait.ge [sflag:s15], $0x4000  }
0xc2: {  	[sflag:s15] =	ssyncset.done $0x0  }
0xc3: {  	[sflag:s15] =	ssyncadd.s32 $0xFFFFC000  }
0xc4: {  	[spmem:s2] =	stream.indirect.scatter.add.f32 [tilespmem:s14], [sflag:$0x3], $0x80, s0, s11, $0xb8;
	[tilespmem:$0x1D800] =	vst v63  }
0xc5: {  	s6 =	simm.s32 $0x200;
	_ =	swait.ge [sflag:s9], $0x4000  }
0xc6: {  	s7 =	simm.s32 $0x100;
	s8 =	rddreg [dreg:$0x4];
	[sflag:s9] =	ssyncset.done $0x0  }
.LBB2_6:
0xc7: {  	[sflag:s9] =	ssyncadd.s32 $0xFFFFC000;
	s8 =	sadd.s32 s7, s8  }
0xc8: {  	[tilespmem:s3], [sflag:$0x3] =	stream.linear.gather [hbm4b:s8+s3], $0x800, $0x38;
	[tilespmem:$0x1D800] =	vst v63  }
0xc9: {  	_ =	swait.ge [sflag:s9], $0x800  }
0xca: {  	s8 =	rddreg [dreg:$0x3];
	[sflag:s9] =	ssyncset.done $0x0  }
0xcb: {  	[sflag:s9] =	ssyncadd.s32 $0xFFFFF800;
	s8 =	sadd.s32 s7, s8  }
0xcc: {  	[tilespmem:s10], [sflag:$0x3] =	stream.linear.gather [hbm4b:s8+s3], $0x800, $0x38;
	[tilespmem:$0x1D800] =	vst v63  }
0xcd: {  	_ =	swait.ge [sflag:s9], $0x800  }
0xce: {  	[sflag:s9] =	ssyncset.done $0x0  }
0xcf: {  	[sflag:s9] =	ssyncadd.s32 $0xFFFFF800  }
0xd0: {  	[tilespmem:s12], [sflag:$0x1] =	stream.indirect.gather [hbm4b:s4+s11], $0x80, s3, s11, $0xb8;
	[tilespmem:$0x1D800] =	vst v63  }
0xd1: {  	_ =	swait.ge [sflag:s13], $0x4000  }
0xd2: {  	[sflag:s13] =	ssyncset.done $0x0  }
0xd3: {  	[sflag:s13] =	ssyncadd.s32 $0xFFFFC000  }
0xd4: {  	[tilespmem:s14], [sflag:$0x2] =	stream.indirect.gather [hbm4b:s4+s11], $0x80, s11, s11, $0xb8;
	[tilespmem:$0x1D800] =	vst v63  }
0xd5: {  	_ = 	snop  }
0xd6: {  	[spmem:s2] =	stream.indirect.scatter.add.f32 [tilespmem:s12], [sflag:$0x3], $0x80, s10, s11, $0xb8;
	[tilespmem:$0x1D800] =	vst v63  }
0xd7: {  	_ =	swait.ge [sflag:s9], $0x4000  }
0xd8: {  	[sflag:s9] =	ssyncset.done $0x0  }
0xd9: {  	[sflag:s9] =	ssyncadd.s32 $0xFFFFC000  }
0xda: {  	_ =	swait.ge [sflag:s15], $0x4000  }
0xdb: {  	[sflag:s15] =	ssyncset.done $0x0  }
0xdc: {  	s16 =	smov.u32 s6;
	s8 =	rddreg [dreg:$0x5];
	[sflag:s15] =	ssyncadd.s32 $0xFFFFC000  }
0xdd: {  	[tilespmem:s12], [sflag:$0x1] =	stream.indirect.gather [hbm4b:s4+s11], $0x80, s8, s11, $0xb8;
	[tilespmem:$0x1D800] =	vst v63  }
0xde: {  	s7 =	smov.u32 s16;
	s16 =	rddreg [dreg:$0x6]  }
0xdf: {  	[spmem:s2] =	stream.indirect.scatter.add.f32 [tilespmem:s14], [sflag:$0x3], $0x80, s16, s11, $0xb8;
	[tilespmem:$0x1D800] =	vst v63  }
0xe0: {  	_ =	swait.ge [sflag:s9], $0x4000  }
0xe1: {  	[sflag:s9] =	ssyncset.done $0x0  }
0xe2: {  	[sflag:s9] =	ssyncadd.s32 $0xFFFFC000  }
0xe3: {  	_ =	swait.ge [sflag:s13], $0x4000  }
0xe4: {  	[sflag:s13] =	ssyncset.done $0x0  }
0xe5: {  	s8 =	rddreg [dreg:$0x7];
	[sflag:s13] =	ssyncadd.s32 $0xFFFFC000  }
0xe6: {  	[tilespmem:s14], [sflag:$0x2] =	stream.indirect.gather [hbm4b:s4+s11], $0x80, s8, s11, $0xb8;
	[tilespmem:$0x1D800] =	vst v63  }
0xe7: {  	s16 =	rddreg [dreg:$0x8]  }
0xe8: {  	[spmem:s2] =	stream.indirect.scatter.add.f32 [tilespmem:s12], [sflag:$0x3], $0x80, s16, s11, $0xb8;
	[tilespmem:$0x1D800] =	vst v63  }
0xe9: {  	_ =	swait.ge [sflag:s9], $0x4000  }
0xea: {  	[sflag:s9] =	ssyncset.done $0x0  }
0xeb: {  	[sflag:s9] =	ssyncadd.s32 $0xFFFFC000  }
0xec: {  	_ =	swait.ge [sflag:s15], $0x4000  }
0xed: {  	[sflag:s15] =	ssyncset.done $0x0  }
0xee: {  	s8 =	rddreg [dreg:$0x9];
	[sflag:s15] =	ssyncadd.s32 $0xFFFFC000  }
0xef: {  	[tilespmem:s12], [sflag:$0x1] =	stream.indirect.gather [hbm4b:s4+s11], $0x80, s8, s11, $0xb8;
	[tilespmem:$0x1D800] =	vst v63  }
0xf0: {  	s16 =	rddreg [dreg:$0xa]  }
0xf1: {  	[spmem:s2] =	stream.indirect.scatter.add.f32 [tilespmem:s14], [sflag:$0x3], $0x80, s16, s11, $0xb8;
	[tilespmem:$0x1D800] =	vst v63  }
0xf2: {  	_ =	swait.ge [sflag:s9], $0x4000  }
0xf3: {  	[sflag:s9] =	ssyncset.done $0x0  }
0xf4: {  	[sflag:s9] =	ssyncadd.s32 $0xFFFFC000  }
0xf5: {  	_ =	swait.ge [sflag:s13], $0x4000  }
0xf6: {  	[sflag:s13] =	ssyncset.done $0x0  }
0xf7: {  	s8 =	rddreg [dreg:$0xb];
	[sflag:s13] =	ssyncadd.s32 $0xFFFFC000  }
0xf8: {  	[tilespmem:s14], [sflag:$0x2] =	stream.indirect.gather [hbm4b:s4+s11], $0x80, s8, s11, $0xb8;
	[tilespmem:$0x1D800] =	vst v63  }
0xf9: {  	s16 =	rddreg [dreg:$0xc]  }
0xfa: {  	[spmem:s2] =	stream.indirect.scatter.add.f32 [tilespmem:s12], [sflag:$0x3], $0x80, s16, s11, $0xb8;
	[tilespmem:$0x1D800] =	vst v63  }
0xfb: {  	_ =	swait.ge [sflag:s9], $0x4000  }
0xfc: {  	[sflag:s9] =	ssyncset.done $0x0  }
0xfd: {  	[sflag:s9] =	ssyncadd.s32 $0xFFFFC000  }
0xfe: {  	_ =	swait.ge [sflag:s15], $0x4000  }
0xff: {  	[sflag:s15] =	ssyncset.done $0x0  }
0x100: {  	s8 =	rddreg [dreg:$0xd];
	[sflag:s15] =	ssyncadd.s32 $0xFFFFC000  }
0x101: {  	[tilespmem:s12], [sflag:$0x1] =	stream.indirect.gather [hbm4b:s4+s11], $0x80, s8, s11, $0xb8;
	[tilespmem:$0x1D800] =	vst v63  }
0x102: {  	s16 =	rddreg [dreg:$0xe]  }
0x103: {  	[spmem:s2] =	stream.indirect.scatter.add.f32 [tilespmem:s14], [sflag:$0x3], $0x80, s16, s11, $0xb8;
	[tilespmem:$0x1D800] =	vst v63  }
0x104: {  	_ =	swait.ge [sflag:s9], $0x4000  }
0x105: {  	[sflag:s9] =	ssyncset.done $0x0  }
0x106: {  	[sflag:s9] =	ssyncadd.s32 $0xFFFFC000  }
0x107: {  	_ =	swait.ge [sflag:s13], $0x4000  }
0x108: {  	[sflag:s13] =	ssyncset.done $0x0  }
0x109: {  	s8 =	rddreg [dreg:$0xf];
	[sflag:s13] =	ssyncadd.s32 $0xFFFFC000  }
0x10a: {  	[tilespmem:s14], [sflag:$0x2] =	stream.indirect.gather [hbm4b:s4+s11], $0x80, s8, s11, $0xb8;
	[tilespmem:$0x1D800] =	vst v63  }
0x10b: {  	s16 =	rddreg [dreg:$0x10]  }
0x10c: {  	[spmem:s2] =	stream.indirect.scatter.add.f32 [tilespmem:s12], [sflag:$0x3], $0x80, s16, s11, $0xb8;
	[tilespmem:$0x1D800] =	vst v63  }
0x10d: {  	_ =	swait.ge [sflag:s9], $0x4000  }
0x10e: {  	[sflag:s9] =	ssyncset.done $0x0  }
0x10f: {  	[sflag:s9] =	ssyncadd.s32 $0xFFFFC000  }
0x110: {  	_ =	swait.ge [sflag:s15], $0x4000  }
0x111: {  	[sflag:s15] =	ssyncset.done $0x0  }
0x112: {  	s16 =	simm.s32 $0x400;
	[sflag:s15] =	ssyncadd.s32 $0xFFFFC000  }
0x113: {  	[tilespmem:s12], [sflag:$0x1] =	stream.indirect.gather [hbm4b:s4+s11], $0x80, s16, s11, $0xb8;
	[tilespmem:$0x1D800] =	vst v63  }
0x114: {  	_ = 	snop  }
0x115: {  	[spmem:s2] =	stream.indirect.scatter.add.f32 [tilespmem:s14], [sflag:$0x3], $0x80, s17, s11, $0xb8;
	[tilespmem:$0x1D800] =	vst v63  }
0x116: {  	_ =	swait.ge [sflag:s9], $0x4000  }
0x117: {  	[sflag:s9] =	ssyncset.done $0x0  }
0x118: {  	[sflag:s9] =	ssyncadd.s32 $0xFFFFC000  }
0x119: {  	_ =	swait.ge [sflag:s13], $0x4000  }
0x11a: {  	[sflag:s13] =	ssyncset.done $0x0  }
0x11b: {  	[sflag:s13] =	ssyncadd.s32 $0xFFFFC000  }
0x11c: {  	[tilespmem:s14], [sflag:$0x2] =	stream.indirect.gather [hbm4b:s4+s11], $0x80, s18, s11, $0xb8;
	[tilespmem:$0x1D800] =	vst v63  }
0x11d: {  	_ = 	snop  }
0x11e: {  	[spmem:s2] =	stream.indirect.scatter.add.f32 [tilespmem:s12], [sflag:$0x3], $0x80, s19, s11, $0xb8;
	[tilespmem:$0x1D800] =	vst v63  }
0x11f: {  	_ =	swait.ge [sflag:s9], $0x4000  }
0x120: {  	[sflag:s9] =	ssyncset.done $0x0  }
0x121: {  	[sflag:s9] =	ssyncadd.s32 $0xFFFFC000  }
0x122: {  	_ =	swait.ge [sflag:s15], $0x4000  }
0x123: {  	[sflag:s15] =	ssyncset.done $0x0  }
0x124: {  	[sflag:s15] =	ssyncadd.s32 $0xFFFFC000  }
0x125: {  	[tilespmem:s12], [sflag:$0x1] =	stream.indirect.gather [hbm4b:s4+s11], $0x80, s20, s11, $0xb8;
	[tilespmem:$0x1D800] =	vst v63  }
0x126: {  	_ = 	snop  }
0x127: {  	[spmem:s2] =	stream.indirect.scatter.add.f32 [tilespmem:s14], [sflag:$0x3], $0x80, s21, s11, $0xb8;
	[tilespmem:$0x1D800] =	vst v63  }
0x128: {  	_ =	swait.ge [sflag:s9], $0x4000  }
0x129: {  	[sflag:s9] =	ssyncset.done $0x0  }
0x12a: {  	[sflag:s9] =	ssyncadd.s32 $0xFFFFC000  }
0x12b: {  	_ =	swait.ge [sflag:s13], $0x4000  }
0x12c: {  	[sflag:s13] =	ssyncset.done $0x0  }
0x12d: {  	[sflag:s13] =	ssyncadd.s32 $0xFFFFC000  }
0x12e: {  	[tilespmem:s14], [sflag:$0x2] =	stream.indirect.gather [hbm4b:s4+s11], $0x80, s22, s11, $0xb8;
	[tilespmem:$0x1D800] =	vst v63  }
0x12f: {  	_ = 	snop  }
0x130: {  	[spmem:s2] =	stream.indirect.scatter.add.f32 [tilespmem:s12], [sflag:$0x3], $0x80, s23, s11, $0xb8;
	[tilespmem:$0x1D800] =	vst v63  }
0x131: {  	_ =	swait.ge [sflag:s9], $0x4000  }
0x132: {  	[sflag:s9] =	ssyncset.done $0x0  }
0x133: {  	[sflag:s9] =	ssyncadd.s32 $0xFFFFC000  }
0x134: {  	_ =	swait.ge [sflag:s15], $0x4000  }
0x135: {  	[sflag:s15] =	ssyncset.done $0x0  }
0x136: {  	[sflag:s15] =	ssyncadd.s32 $0xFFFFC000  }
0x137: {  	[tilespmem:s12], [sflag:$0x1] =	stream.indirect.gather [hbm4b:s4+s11], $0x80, s24, s11, $0xb8;
	[tilespmem:$0x1D800] =	vst v63  }
0x138: {  	_ = 	snop  }
0x139: {  	[spmem:s2] =	stream.indirect.scatter.add.f32 [tilespmem:s14], [sflag:$0x3], $0x80, s25, s11, $0xb8;
	[tilespmem:$0x1D800] =	vst v63  }
0x13a: {  	_ =	swait.ge [sflag:s9], $0x4000  }
0x13b: {  	[sflag:s9] =	ssyncset.done $0x0  }
0x13c: {  	[sflag:s9] =	ssyncadd.s32 $0xFFFFC000  }
0x13d: {  	_ =	swait.ge [sflag:s13], $0x4000  }
0x13e: {  	[sflag:s13] =	ssyncset.done $0x0  }
0x13f: {  	[sflag:s13] =	ssyncadd.s32 $0xFFFFC000  }
0x140: {  	[tilespmem:s14], [sflag:$0x2] =	stream.indirect.gather [hbm4b:s4+s11], $0x80, s26, s11, $0xb8;
	[tilespmem:$0x1D800] =	vst v63  }
0x141: {  	_ = 	snop  }
0x142: {  	[spmem:s2] =	stream.indirect.scatter.add.f32 [tilespmem:s12], [sflag:$0x3], $0x80, s28, s11, $0xb8;
	[tilespmem:$0x1D800] =	vst v63  }
0x143: {  	_ =	swait.ge [sflag:s9], $0x4000  }
0x144: {  	[sflag:s9] =	ssyncset.done $0x0  }
0x145: {  	[sflag:s9] =	ssyncadd.s32 $0xFFFFC000  }
0x146: {  	_ =	swait.ge [sflag:s15], $0x4000  }
0x147: {  	[sflag:s15] =	ssyncset.done $0x0  }
0x148: {  	[sflag:s15] =	ssyncadd.s32 $0xFFFFC000  }
0x149: {  	[tilespmem:s12], [sflag:$0x1] =	stream.indirect.gather [hbm4b:s4+s11], $0x80, s29, s11, $0xb8;
	[tilespmem:$0x1D800] =	vst v63  }
0x14a: {  	_ = 	snop  }
0x14b: {  	[spmem:s2] =	stream.indirect.scatter.add.f32 [tilespmem:s14], [sflag:$0x3], $0x80, s30, s11, $0xb8;
	[tilespmem:$0x1D800] =	vst v63  }
0x14c: {  	_ =	swait.ge [sflag:s9], $0x4000  }
0x14d: {  	[sflag:s9] =	ssyncset.done $0x0  }
0x14e: {  	[sflag:s9] =	ssyncadd.s32 $0xFFFFC000  }
0x14f: {  	_ =	swait.ge [sflag:s13], $0x4000  }
0x150: {  	[sflag:s13] =	ssyncset.done $0x0  }
0x151: {  	[sflag:s13] =	ssyncadd.s32 $0xFFFFC000  }
0x152: {  	[tilespmem:s14], [sflag:$0x2] =	stream.indirect.gather [hbm4b:s4+s11], $0x80, s31, s11, $0xb8;
	[tilespmem:$0x1D800] =	vst v63  }
0x153: {  	_ = 	snop  }
0x154: {  	[spmem:s2] =	stream.indirect.scatter.add.f32 [tilespmem:s12], [sflag:$0x3], $0x80, s1, s11, $0xb8;
	[tilespmem:$0x1D800] =	vst v63  }
0x155: {  	_ =	swait.ge [sflag:s9], $0x4000  }
0x156: {  	[sflag:s9] =	ssyncset.done $0x0  }
0x157: {  	[sflag:s9] =	ssyncadd.s32 $0xFFFFC000  }
0x158: {  	p0 =	sne.s32 s6, $0x400;
	_ =	swait.ge [sflag:s15], $0x4000  }
.Ltmp2:
0x159: {  	[sflag:s15] =	ssyncset.done $0x0;
	(pc) =	sbr.rel @p0 .LBB2_6-.Ltmp2, $4  }
0x15a: {  	[sflag:s15] =	ssyncadd.s32 $0xFFFFC000  }
0x15b: {  	[spmem:s2] =	stream.indirect.scatter.add.f32 [tilespmem:s14], [sflag:$0x3], $0x80, s0, s11, $0xb8;
	[tilespmem:$0x1D800] =	vst v63  }
0x15c: {  	_ =	swait.ge [sflag:s9], $0x4000  }
0x15d: {  	s6 =	sadd.s32 $0x100, s6;
	s8 =	rddreg [dreg:$0x4];
	[sflag:s9] =	ssyncset.done $0x0  }
0x15e: {  	[sflag:s9] =	ssyncadd.s32 $0xFFFFC000;
	s6 =	sadd.s32 s7, s8  }
0x15f: {  	[tilespmem:s3], [sflag:$0x3] =	stream.linear.gather [hbm4b:s6+s3], $0x800, $0x38;
	[tilespmem:$0x1D800] =	vst v63  }
0x160: {  	_ =	swait.ge [sflag:s9], $0x800  }
0x161: {  	s8 =	rddreg [dreg:$0x3];
	[sflag:s9] =	ssyncset.done $0x0  }
0x162: {  	[sflag:s9] =	ssyncadd.s32 $0xFFFFF800;
	s6 =	sadd.s32 s7, s8  }
0x163: {  	[tilespmem:s10], [sflag:$0x3] =	stream.linear.gather [hbm4b:s6+s3], $0x800, $0x38;
	[tilespmem:$0x1D800] =	vst v63  }
0x164: {  	_ =	swait.ge [sflag:s9], $0x800  }
0x165: {  	[sflag:s9] =	ssyncset.done $0x0  }
0x166: {  	[sflag:s9] =	ssyncadd.s32 $0xFFFFF800  }
0x167: {  	[tilespmem:s12], [sflag:$0x1] =	stream.indirect.gather [hbm4b:s4+s11], $0x80, s3, s11, $0xb8;
	[tilespmem:$0x1D800] =	vst v63  }
0x168: {  	_ =	swait.ge [sflag:s13], $0x4000  }
0x169: {  	[sflag:s13] =	ssyncset.done $0x0  }
0x16a: {  	[sflag:s13] =	ssyncadd.s32 $0xFFFFC000  }
0x16b: {  	[tilespmem:s14], [sflag:$0x2] =	stream.indirect.gather [hbm4b:s4+s11], $0x80, s11, s11, $0xb8;
	[tilespmem:$0x1D800] =	vst v63  }
0x16c: {  	_ = 	snop  }
0x16d: {  	[spmem:s2] =	stream.indirect.scatter.add.f32 [tilespmem:s12], [sflag:$0x3], $0x80, s10, s11, $0xb8;
	[tilespmem:$0x1D800] =	vst v63  }
0x16e: {  	_ =	swait.ge [sflag:s9], $0x4000  }
0x16f: {  	[sflag:s9] =	ssyncset.done $0x0  }
0x170: {  	[sflag:s9] =	ssyncadd.s32 $0xFFFFC000  }
0x171: {  	_ =	swait.ge [sflag:s15], $0x4000  }
0x172: {  	[sflag:s15] =	ssyncset.done $0x0  }
0x173: {  	s7 =	rddreg [dreg:$0x5];
	[sflag:s15] =	ssyncadd.s32 $0xFFFFC000  }
0x174: {  	[tilespmem:s12], [sflag:$0x1] =	stream.indirect.gather [hbm4b:s4+s11], $0x80, s7, s11, $0xb8;
	[tilespmem:$0x1D800] =	vst v63  }
0x175: {  	s8 =	rddreg [dreg:$0x6]  }
0x176: {  	[spmem:s2] =	stream.indirect.scatter.add.f32 [tilespmem:s14], [sflag:$0x3], $0x80, s8, s11, $0xb8;
	[tilespmem:$0x1D800] =	vst v63  }
0x177: {  	_ =	swait.ge [sflag:s9], $0x4000  }
0x178: {  	[sflag:s9] =	ssyncset.done $0x0  }
0x179: {  	[sflag:s9] =	ssyncadd.s32 $0xFFFFC000  }
0x17a: {  	_ =	swait.ge [sflag:s13], $0x4000  }
0x17b: {  	[sflag:s13] =	ssyncset.done $0x0  }
0x17c: {  	s7 =	rddreg [dreg:$0x7];
	[sflag:s13] =	ssyncadd.s32 $0xFFFFC000  }
0x17d: {  	[tilespmem:s14], [sflag:$0x2] =	stream.indirect.gather [hbm4b:s4+s11], $0x80, s7, s11, $0xb8;
	[tilespmem:$0x1D800] =	vst v63  }
0x17e: {  	s8 =	rddreg [dreg:$0x8]  }
0x17f: {  	[spmem:s2] =	stream.indirect.scatter.add.f32 [tilespmem:s12], [sflag:$0x3], $0x80, s8, s11, $0xb8;
	[tilespmem:$0x1D800] =	vst v63  }
0x180: {  	_ =	swait.ge [sflag:s9], $0x4000  }
0x181: {  	[sflag:s9] =	ssyncset.done $0x0  }
0x182: {  	[sflag:s9] =	ssyncadd.s32 $0xFFFFC000  }
0x183: {  	_ =	swait.ge [sflag:s15], $0x4000  }
0x184: {  	[sflag:s15] =	ssyncset.done $0x0  }
0x185: {  	s7 =	rddreg [dreg:$0x9];
	[sflag:s15] =	ssyncadd.s32 $0xFFFFC000  }
0x186: {  	[tilespmem:s12], [sflag:$0x1] =	stream.indirect.gather [hbm4b:s4+s11], $0x80, s7, s11, $0xb8;
	[tilespmem:$0x1D800] =	vst v63  }
0x187: {  	s8 =	rddreg [dreg:$0xa]  }
0x188: {  	[spmem:s2] =	stream.indirect.scatter.add.f32 [tilespmem:s14], [sflag:$0x3], $0x80, s8, s11, $0xb8;
	[tilespmem:$0x1D800] =	vst v63  }
0x189: {  	_ =	swait.ge [sflag:s9], $0x4000  }
0x18a: {  	[sflag:s9] =	ssyncset.done $0x0  }
0x18b: {  	[sflag:s9] =	ssyncadd.s32 $0xFFFFC000  }
0x18c: {  	_ =	swait.ge [sflag:s13], $0x4000  }
0x18d: {  	[sflag:s13] =	ssyncset.done $0x0  }
0x18e: {  	s7 =	rddreg [dreg:$0xb];
	[sflag:s13] =	ssyncadd.s32 $0xFFFFC000  }
0x18f: {  	[tilespmem:s14], [sflag:$0x2] =	stream.indirect.gather [hbm4b:s4+s11], $0x80, s7, s11, $0xb8;
	[tilespmem:$0x1D800] =	vst v63  }
0x190: {  	s8 =	rddreg [dreg:$0xc]  }
0x191: {  	[spmem:s2] =	stream.indirect.scatter.add.f32 [tilespmem:s12], [sflag:$0x3], $0x80, s8, s11, $0xb8;
	[tilespmem:$0x1D800] =	vst v63  }
0x192: {  	_ =	swait.ge [sflag:s9], $0x4000  }
0x193: {  	[sflag:s9] =	ssyncset.done $0x0  }
0x194: {  	[sflag:s9] =	ssyncadd.s32 $0xFFFFC000  }
0x195: {  	_ =	swait.ge [sflag:s15], $0x4000  }
0x196: {  	[sflag:s15] =	ssyncset.done $0x0  }
0x197: {  	s7 =	rddreg [dreg:$0xd];
	[sflag:s15] =	ssyncadd.s32 $0xFFFFC000  }
0x198: {  	[tilespmem:s12], [sflag:$0x1] =	stream.indirect.gather [hbm4b:s4+s11], $0x80, s7, s11, $0xb8;
	[tilespmem:$0x1D800] =	vst v63  }
0x199: {  	s8 =	rddreg [dreg:$0xe]  }
0x19a: {  	[spmem:s2] =	stream.indirect.scatter.add.f32 [tilespmem:s14], [sflag:$0x3], $0x80, s8, s11, $0xb8;
	[tilespmem:$0x1D800] =	vst v63  }
0x19b: {  	_ =	swait.ge [sflag:s9], $0x4000  }
0x19c: {  	[sflag:s9] =	ssyncset.done $0x0  }
0x19d: {  	[sflag:s9] =	ssyncadd.s32 $0xFFFFC000  }
0x19e: {  	_ =	swait.ge [sflag:s13], $0x4000  }
0x19f: {  	[sflag:s13] =	ssyncset.done $0x0  }
0x1a0: {  	s7 =	rddreg [dreg:$0xf];
	[sflag:s13] =	ssyncadd.s32 $0xFFFFC000  }
0x1a1: {  	[tilespmem:s14], [sflag:$0x2] =	stream.indirect.gather [hbm4b:s4+s11], $0x80, s7, s11, $0xb8;
	[tilespmem:$0x1D800] =	vst v63  }
0x1a2: {  	s8 =	rddreg [dreg:$0x10]  }
0x1a3: {  	[spmem:s2] =	stream.indirect.scatter.add.f32 [tilespmem:s12], [sflag:$0x3], $0x80, s8, s11, $0xb8;
	[tilespmem:$0x1D800] =	vst v63  }
0x1a4: {  	_ =	swait.ge [sflag:s9], $0x4000  }
0x1a5: {  	[sflag:s9] =	ssyncset.done $0x0  }
0x1a6: {  	[sflag:s9] =	ssyncadd.s32 $0xFFFFC000  }
0x1a7: {  	_ =	swait.ge [sflag:s15], $0x4000  }
0x1a8: {  	[sflag:s15] =	ssyncset.done $0x0  }
0x1a9: {  	[sflag:s15] =	ssyncadd.s32 $0xFFFFC000  }
0x1aa: {  	[tilespmem:s12], [sflag:$0x1] =	stream.indirect.gather [hbm4b:s4+s11], $0x80, s16, s11, $0xb8;
	[tilespmem:$0x1D800] =	vst v63  }
0x1ab: {  	_ = 	snop  }
0x1ac: {  	[spmem:s2] =	stream.indirect.scatter.add.f32 [tilespmem:s14], [sflag:$0x3], $0x80, s17, s11, $0xb8;
	[tilespmem:$0x1D800] =	vst v63  }
0x1ad: {  	_ =	swait.ge [sflag:s9], $0x4000  }
0x1ae: {  	[sflag:s9] =	ssyncset.done $0x0  }
0x1af: {  	[sflag:s9] =	ssyncadd.s32 $0xFFFFC000  }
0x1b0: {  	_ =	swait.ge [sflag:s13], $0x4000  }
0x1b1: {  	[sflag:s13] =	ssyncset.done $0x0  }
0x1b2: {  	[sflag:s13] =	ssyncadd.s32 $0xFFFFC000  }
0x1b3: {  	[tilespmem:s14], [sflag:$0x2] =	stream.indirect.gather [hbm4b:s4+s11], $0x80, s18, s11, $0xb8;
	[tilespmem:$0x1D800] =	vst v63  }
0x1b4: {  	_ = 	snop  }
0x1b5: {  	[spmem:s2] =	stream.indirect.scatter.add.f32 [tilespmem:s12], [sflag:$0x3], $0x80, s19, s11, $0xb8;
	[tilespmem:$0x1D800] =	vst v63  }
0x1b6: {  	_ =	swait.ge [sflag:s9], $0x4000  }
0x1b7: {  	[sflag:s9] =	ssyncset.done $0x0  }
0x1b8: {  	[sflag:s9] =	ssyncadd.s32 $0xFFFFC000  }
0x1b9: {  	_ =	swait.ge [sflag:s15], $0x4000  }
0x1ba: {  	[sflag:s15] =	ssyncset.done $0x0  }
0x1bb: {  	[sflag:s15] =	ssyncadd.s32 $0xFFFFC000  }
0x1bc: {  	[tilespmem:s12], [sflag:$0x1] =	stream.indirect.gather [hbm4b:s4+s11], $0x80, s20, s11, $0xb8;
	[tilespmem:$0x1D800] =	vst v63  }
0x1bd: {  	_ = 	snop  }
0x1be: {  	[spmem:s2] =	stream.indirect.scatter.add.f32 [tilespmem:s14], [sflag:$0x3], $0x80, s21, s11, $0xb8;
	[tilespmem:$0x1D800] =	vst v63  }
0x1bf: {  	_ =	swait.ge [sflag:s9], $0x4000  }
0x1c0: {  	[sflag:s9] =	ssyncset.done $0x0  }
0x1c1: {  	[sflag:s9] =	ssyncadd.s32 $0xFFFFC000  }
0x1c2: {  	_ =	swait.ge [sflag:s13], $0x4000  }
0x1c3: {  	[sflag:s13] =	ssyncset.done $0x0  }
0x1c4: {  	[sflag:s13] =	ssyncadd.s32 $0xFFFFC000  }
0x1c5: {  	[tilespmem:s14], [sflag:$0x2] =	stream.indirect.gather [hbm4b:s4+s11], $0x80, s22, s11, $0xb8;
	[tilespmem:$0x1D800] =	vst v63  }
0x1c6: {  	_ = 	snop  }
0x1c7: {  	[spmem:s2] =	stream.indirect.scatter.add.f32 [tilespmem:s12], [sflag:$0x3], $0x80, s23, s11, $0xb8;
	[tilespmem:$0x1D800] =	vst v63  }
0x1c8: {  	_ =	swait.ge [sflag:s9], $0x4000  }
0x1c9: {  	[sflag:s9] =	ssyncset.done $0x0  }
0x1ca: {  	[sflag:s9] =	ssyncadd.s32 $0xFFFFC000  }
0x1cb: {  	_ =	swait.ge [sflag:s15], $0x4000  }
0x1cc: {  	[sflag:s15] =	ssyncset.done $0x0  }
0x1cd: {  	[sflag:s15] =	ssyncadd.s32 $0xFFFFC000  }
0x1ce: {  	[tilespmem:s12], [sflag:$0x1] =	stream.indirect.gather [hbm4b:s4+s11], $0x80, s24, s11, $0xb8;
	[tilespmem:$0x1D800] =	vst v63  }
0x1cf: {  	_ = 	snop  }
0x1d0: {  	[spmem:s2] =	stream.indirect.scatter.add.f32 [tilespmem:s14], [sflag:$0x3], $0x80, s25, s11, $0xb8;
	[tilespmem:$0x1D800] =	vst v63  }
0x1d1: {  	_ =	swait.ge [sflag:s9], $0x4000  }
0x1d2: {  	[sflag:s9] =	ssyncset.done $0x0  }
0x1d3: {  	[sflag:s9] =	ssyncadd.s32 $0xFFFFC000  }
0x1d4: {  	_ =	swait.ge [sflag:s13], $0x4000  }
0x1d5: {  	[sflag:s13] =	ssyncset.done $0x0  }
0x1d6: {  	[sflag:s13] =	ssyncadd.s32 $0xFFFFC000  }
0x1d7: {  	[tilespmem:s14], [sflag:$0x2] =	stream.indirect.gather [hbm4b:s4+s11], $0x80, s26, s11, $0xb8;
	[tilespmem:$0x1D800] =	vst v63  }
0x1d8: {  	_ = 	snop  }
0x1d9: {  	[spmem:s2] =	stream.indirect.scatter.add.f32 [tilespmem:s12], [sflag:$0x3], $0x80, s28, s11, $0xb8;
	[tilespmem:$0x1D800] =	vst v63  }
0x1da: {  	_ =	swait.ge [sflag:s9], $0x4000  }
0x1db: {  	[sflag:s9] =	ssyncset.done $0x0  }
0x1dc: {  	[sflag:s9] =	ssyncadd.s32 $0xFFFFC000  }
0x1dd: {  	_ =	swait.ge [sflag:s15], $0x4000  }
0x1de: {  	[sflag:s15] =	ssyncset.done $0x0  }
0x1df: {  	[sflag:s15] =	ssyncadd.s32 $0xFFFFC000  }
0x1e0: {  	[tilespmem:s12], [sflag:$0x1] =	stream.indirect.gather [hbm4b:s4+s11], $0x80, s29, s11, $0xb8;
	[tilespmem:$0x1D800] =	vst v63  }
0x1e1: {  	_ = 	snop  }
0x1e2: {  	[spmem:s2] =	stream.indirect.scatter.add.f32 [tilespmem:s14], [sflag:$0x3], $0x80, s30, s11, $0xb8;
	[tilespmem:$0x1D800] =	vst v63  }
0x1e3: {  	_ =	swait.ge [sflag:s9], $0x4000  }
0x1e4: {  	[sflag:s9] =	ssyncset.done $0x0  }
0x1e5: {  	[sflag:s9] =	ssyncadd.s32 $0xFFFFC000  }
0x1e6: {  	_ =	swait.ge [sflag:s13], $0x4000  }
0x1e7: {  	[sflag:s13] =	ssyncset.done $0x0  }
0x1e8: {  	[sflag:s13] =	ssyncadd.s32 $0xFFFFC000  }
0x1e9: {  	[tilespmem:s14], [sflag:$0x2] =	stream.indirect.gather [hbm4b:s4+s11], $0x80, s31, s11, $0xb8;
	[tilespmem:$0x1D800] =	vst v63  }
0x1ea: {  	_ = 	snop  }
0x1eb: {  	[spmem:s2] =	stream.indirect.scatter.add.f32 [tilespmem:s12], [sflag:$0x3], $0x80, s1, s11, $0xb8;
	[tilespmem:$0x1D800] =	vst v63  }
0x1ec: {  	_ =	swait.ge [sflag:s9], $0x4000  }
0x1ed: {  	[sflag:s9] =	ssyncset.done $0x0  }
0x1ee: {  	[sflag:s9] =	ssyncadd.s32 $0xFFFFC000  }
0x1ef: {  	_ =	swait.ge [sflag:s15], $0x4000  }
0x1f0: {  	[sflag:s15] =	ssyncset.done $0x0  }
0x1f1: {  	[sflag:s15] =	ssyncadd.s32 $0xFFFFC000  }
0x1f2: {  	[spmem:s2] =	stream.indirect.scatter.add.f32 [tilespmem:s14], [sflag:$0x3], $0x80, s0, s11, $0xb8;
	[tilespmem:$0x1D800] =	vst v63  }
0x1f3: {  	_ =	swait.ge [sflag:s9], $0x4000  }
0x1f4: {  	[sflag:s9] =	ssyncset.done $0x0  }
0x1f5: {  	s7 =	stileid.u32;
	[sflag:s9] =	ssyncadd.s32 $0xFFFFC000  }
0x1f6: {  	s6 =	sshll.u32 s7, $0x6;
	[bflag:$0x0] =	sbarrier.arrive $0xFFFF  }
0x1f7: {  	s6 =	sor.u32 $0x1C03, s6;
	s8 =	sshrl.u32 s5, $0x3;
	s16 =	rddreg [dreg:$0x11]  }
0x1f8: {  	[hbm:s16], [sflag:s6] =	dma.local [spmem:s8], $0x2800  }
0x1f9: {  	_ =	swait.ge [sflag:s9], $0x2800  }
0x1fa: {  	s8 =	rddreg [dreg:$0x13]  }
0x1fb: {  	s16 =	rddreg [dreg:$0x12];
	s7 =	sadd.s32 $0x1, s8  }
0x1fc: {  	p0 =	sne.s32 s7, s16  }
.Ltmp3:
0x1fd: {  	_ = 	snop;
	(pc) =	sbr.rel @p0 .LBB2_1-.Ltmp3, $3  }
0x1fe: {  	_ =	sdelay $0x1  }
0x1ff: {  	[sflag:s9] =	ssyncset.done $0x0  }
0x200: {  	[sflag:s9] =	ssyncadd.s32 $0xFFFFD800  }
0x201: {  	_ =	sfence.sel $0x180000  }
0x202: {  	[bflag:$0x0] =	sbarrier.arrive $0xFFFF  }
0x203: {  	_ =	strace $0x90000047  }
0x204: {  	s0 =	stileid.u32;
	[bflag:$0x2] =	sbarrier.arrive $0xFFFF  }
0x205: {  	p0 =	sne.s32 s0, $0x0;
	s0 =	rddreg [dreg:$0x2]  }
0x206: {  	s0 =	sadd.s32 @!p0 $0x100000, s0  }
0x207: {  	[sflag:s0] =	ssyncadd.tile.s32 @!p0 $0x1;
	_ =	shalt  }
.Lfunc_end2:
_tile_overlayer_lowered:
.L_overlay_start_2:
0x208: {  	(tag) =	ssettag $0x2  }
0x209: {  	s0 =	rddreg [dreg:$0x0];
	s2 =	stileid.u32  }
0x20a: {  	s1 =	rddreg [dreg:$0x1];
	p0 =	sne.s32 s2, $0x0  }
0x20b: {  	s3 =	rddreg [dreg:$0x2];
	[bflag:$0x3] =	sbarrier.arrive $0xFFFF;
	s2 =	simm.s32 @!p0 $0x1C03  }
0x20c: {  	[timem:s3], [sflag:s2] =	dma.local @!p0 [hbm:s0], s1  }
0x20d: {  	s0 =	simm.s32 @!p0 $0x3  }
0x20e: {  	_ =	swait.ge @!p0 [sflag:s0], s1  }
0x20f: {  	s1 =	ssub.s32 @!p0 $0x0, s1;
	[sflag:s0] =	ssyncset.done @!p0 $0x0  }
0x210: {  	[sflag:s0] =	ssyncadd.s32 @!p0 s1  }
0x211: {  	[bflag:$0x3] =	sbarrier.arrive $0xFFFF  }
0x212: {  	_ =	shalt  }

// kernel: kernel.16.cloned.1.call-start
scs
__scs_entry_jumppad:
0x0: {  	(pc) =	sbr.rel $0x88, $3  }
0x1: {  	(tag) =	ssettag $0x0;
	lr =	simm.s32 $0x1  }
0x2: {  	[smem:$0x3F93] =	sst lr;
	_ =	strace $0xD0000000  }
0x3: {  	_ = 	snop  }
0x4: {  	_ = 	snop  }
0x5: {  	_ = 	snop  }
0x6: {  	_ = 	snop  }
0x7: {  	_ = 	snop  }
__scs_overlays_trampoline_lowered:
0x8: {  	[smem:$0x3FA2] =	sst s0  }
0x9: {  	[smem:$0x3FA3] =	sst s1  }
0xa: {  	[smem:$0x3FA4] =	sst s2  }
0xb: {  	[smem:$0x3FA5] =	sst s3  }
0xc: {  	[smem:$0x3FA6] =	sst s4  }
0xd: {  	[smem:$0x3FA7] =	sst s5  }
0xe: {  	[smem:$0x3FA8] =	sst s6  }
0xf: {  	[smem:$0x3FA9] =	sst s7  }
0x10: {  	[smem:$0x3FAA] =	sst s8  }
0x11: {  	[smem:$0x3FAB] =	sst s9;
	s0 =	simm.s32 @!p0 $0x0  }
0x12: {  	s1 =	sld [smem:$0x3F91];
	s0 =	simm.s32 @p0 $0x1  }
0x13: {  	[smem:$0x3FAC] =	sst s0;
	s0 =	simm.s32 @!p1 $0x0  }
0x14: {  	s2 =	sld [smem:$0x3F90];
	s0 =	simm.s32 @p1 $0x1  }
0x15: {  	[smem:$0x3FAD] =	sst s0;
	s0 =	simm.s32 @!p2 $0x0  }
0x16: {  	s3 =	sld [smem:$0x3FDB];
	s0 =	simm.s32 @p2 $0x1  }
0x17: {  	s4 =	simm.s32 $0x1BF5;
	[smem:$0x3FAF] =	sst s0  }
0x18: {  	s0 =	sld [smem:$0x3F92];
	_ =	swait.ge [sflag:s4], $0x0  }
0x19: {  	s7 =	sld [smem:$0x3F93]  }
0x1a: {  	s8 =	sadd.s32 $0xFFFFE003, lr  }
0x1b: {  	s9 =	sadd.s32 $0xFFFFFEF7, lr;
	s5 =	simm.s32 $0xFFFFFFFF;
	p2 =	slt.u32 s8, $0xFFFFF086  }
0x1c: {  	p1 =	slt.u32 s9, $0xF7A;
	s5 =	simm.s32 @!p2 $0x0  }
0x1d: {  	s5 =	simm.s32 @p1 $0x1;
	p0 =	seq.s32 s7, s2  }
0x1e: {  	s7 =	smul.u32 @!p0 $0xF7A, s2;
	p2 =	seq.s32 @!p0 s5, $0x0  }
0x1f: {  	s9 =	smul.u32 $0xF7A, s1;
	s8 =	simm.s32 @!p0 $0x1BF5;
	p2 =	por !p2, p0  }
0x20: {  	[sflag:s8] =	ssyncset.s32 @!p0 $0xFFFFF086;
	s6 =	sadd.s32 @!p0 s3, s7;
	s7 =	simm.s32 @!p0 $0x108  }
0x21: {  	s3 =	sadd.s32 s3, s9;
	s6 =	sadd.s32 @!p0 $0x88, s6;
	s7 =	simm.s32 @p2 $0x1082  }
0x22: {  	[simem:s7], [sflag:s8] =	dma.local @!p0 [hbm:s6], $0xF7A  }
0x23: {  	s9 =	sor.u32 $0xD0000000, s2;
	s6 =	simm.s32 $0x108;
	_ =	swait.ge @!p0 [sflag:s8], $0x0  }
0x24: {  	s3 =	sadd.s32 $0x88, s3;
	s6 =	simm.s32 @!p1 $0x1082;
	[sflag:s4] =	ssyncset.s32 $0xFFFFF086  }
0x25: {  	[simem:s6], [sflag:s4] =	dma.local [hbm:s3], $0xF7A  }
0x26: {  	[smem:$0x3F93] =	sst s1;
	(tag) =	ssettag s2;
	_ =	strace s9  }
0x27: {  	s1 =	sld [smem:$0x3FA3]  }
0x28: {  	s2 =	sld [smem:$0x3FA4]  }
0x29: {  	s4 =	sld [smem:$0x3FA6]  }
0x2a: {  	p0 =	seq.s32 s5, $0x0;
	s5 =	sld [smem:$0x3FA7]  }
0x2b: {  	s6 =	sld [smem:$0x3FA8]  }
0x2c: {  	s7 =	sld [smem:$0x3FA9]  }
0x2d: {  	s3 =	simm.s32 $0x108;
	s8 =	sld [smem:$0x3FAA]  }
0x2e: {  	s3 =	simm.s32 @!p0 $0x1082;
	s9 =	sld [smem:$0x3FAB]  }
0x2f: {  	lr =	sadd.s32 s0, s3;
	s0 =	sld [smem:$0x3FA2]  }
0x30: {  	s3 =	sld [smem:$0x3FA5]  }
0x31: {  	[smem:$0x3FAE] =	sst s10  }
0x32: {  	s10 =	sld [smem:$0x3FAC];
	_ =	sdelay $0x3  }
0x33: {  	p0 =	seq.s32 s10, $0x1;
	s10 =	sld [smem:$0x3FAE];
	_ =	sdelay $0x3  }
0x34: {  	[smem:$0x3FAE] =	sst s10  }
0x35: {  	s10 =	sld [smem:$0x3FAD];
	_ =	sdelay $0x3  }
0x36: {  	p1 =	seq.s32 s10, $0x1;
	s10 =	sld [smem:$0x3FAE];
	_ =	sdelay $0x3  }
0x37: {  	[smem:$0x3FAE] =	sst s10  }
0x38: {  	s10 =	sld [smem:$0x3FAF]  }
0x39: {  	_ = 	snop;
	(pc) =	sbr.ind lr, $3  }
0x3a: {  	_ = 	snop  }
0x3b: {  	_ = 	snop  }
0x3c: {  	p2 =	seq.s32 s10, $0x1;
	s10 =	sld [smem:$0x3FAE]  }
0x3d: {  	_ =	shalt  }
0x3e: {  	_ =	shalt  }
0x3f: {  	_ =	shalt  }
0x40: {  	_ =	shalt  }
0x41: {  	_ =	shalt  }
0x42: {  	_ =	shalt  }
0x43: {  	_ =	shalt  }
0x44: {  	_ =	shalt  }
0x45: {  	_ =	shalt  }
0x46: {  	_ =	shalt  }
0x47: {  	_ =	shalt  }
0x48: {  	_ =	shalt  }
0x49: {  	_ =	shalt  }
0x4a: {  	_ =	shalt  }
0x4b: {  	_ =	shalt  }
0x4c: {  	_ =	shalt  }
0x4d: {  	_ =	shalt  }
0x4e: {  	_ =	shalt  }
0x4f: {  	_ =	shalt  }
0x50: {  	_ =	shalt  }
0x51: {  	_ =	shalt  }
0x52: {  	_ =	shalt  }
0x53: {  	_ =	shalt  }
0x54: {  	_ =	shalt  }
0x55: {  	_ =	shalt  }
0x56: {  	_ =	shalt  }
0x57: {  	_ =	shalt  }
0x58: {  	_ =	shalt  }
0x59: {  	_ =	shalt  }
0x5a: {  	_ =	shalt  }
0x5b: {  	_ =	shalt  }
0x5c: {  	_ =	shalt  }
0x5d: {  	_ =	shalt  }
0x5e: {  	_ =	shalt  }
0x5f: {  	_ =	shalt  }
0x60: {  	_ =	shalt  }
0x61: {  	_ =	shalt  }
0x62: {  	_ =	shalt  }
0x63: {  	_ =	shalt  }
0x64: {  	_ =	shalt  }
0x65: {  	_ =	shalt  }
0x66: {  	_ =	shalt  }
0x67: {  	_ =	shalt  }
0x68: {  	_ =	shalt  }
0x69: {  	_ =	shalt  }
0x6a: {  	_ =	shalt  }
0x6b: {  	_ =	shalt  }
0x6c: {  	_ =	shalt  }
0x6d: {  	_ =	shalt  }
0x6e: {  	_ =	shalt  }
0x6f: {  	_ =	shalt  }
0x70: {  	_ =	shalt  }
0x71: {  	_ =	shalt  }
0x72: {  	_ =	shalt  }
0x73: {  	_ =	shalt  }
0x74: {  	_ =	shalt  }
0x75: {  	_ =	shalt  }
0x76: {  	_ =	shalt  }
0x77: {  	_ =	shalt  }
0x78: {  	_ =	shalt  }
0x79: {  	_ =	shalt  }
0x7a: {  	_ =	shalt  }
0x7b: {  	_ =	shalt  }
0x7c: {  	_ =	shalt  }
0x7d: {  	_ =	shalt  }
0x7e: {  	_ =	shalt  }
0x7f: {  	_ =	shalt  }
0x80: {  	_ =	shalt  }
0x81: {  	_ =	shalt  }
0x82: {  	_ =	shalt  }
0x83: {  	_ =	shalt  }
0x84: {  	_ =	shalt  }
0x85: {  	_ =	shalt  }
0x86: {  	_ =	shalt  }
0x87: {  	_ =	shalt  }
.Lfunc_end0:
.L_simem_size_0:
called_computation.2_lowered:
.L_overlay_start_0:
0x88: {  	s2 =	sld [smem:$0x3FD9]  }
0x89: {  	s3 =	sld [smem:$0x3FFE];
	_ =	sdelay $0x1  }
0x8a: {  	s1 =	srdreg.scid  }
0x8b: {  	s0 =	sand.u32 $0x1, s1  }
0x8c: {  	s16 =	sshll.u32 s0, $0xA;
	s2 =	sadd.s32 s3, s2  }
0x8d: {  	s2 =	sadd.s32 s2, s16  }
0x8e: {  	[smem:$0x3FBA] =	sst s2  }
0x8f: {  	_ = 	snop  }
0x90: {  	(tm) =	ssettm $0x1  }
0x91: {  	s17 =	sld [smem:$0x3FFB];
	_ =	sdelay $0x3  }
0x92: {  	_ =	strace s17  }
0x93: {  	s2 =	sld [smem:$0x3FFC];
	_ =	sdelay $0x3  }
0x94: {  	_ =	strace s2  }
0x95: {  	s2 =	sld [smem:$0x3FFD];
	_ =	sdelay $0x3  }
0x96: {  	_ =	strace s2  }
0x97: {  	_ =	strace $0x8FFFFFFF  }
0x98: {  	s18 =	sld [smem:$0x3FDB];
	_ =	sdelay $0x1  }
0x99: {  	s19 =	simm.s32 $_scs_section_size  }
0x9a: {  	s4 =	simm.s32 $_size__tile_overlayer_lowered;
	s5 =	simm.s32 $_tile_overlayer_lowered  }
0x9b: {  	s22 =	simm.s32 $0x1BFF;
	s21 =	sshll.u32 s5, $0x1;
	s2 =	sadd.s32 s19, s18  }
0x9c: {  	s6 =	simm.s32 $0x0;
	s20 =	sshll.u32 s4, $0x1;
	s4 =	sadd.s32 s21, s2  }
0x9d: {  	[timem:s6], [sflag:s22] =	dma.local [hbm:s4], s20  }
0x9e: {  	_ =	swait.ge [sflag:s22], s20  }
0x9f: {  	s3 =	ssub.s32 $0x0, s20;
	[sflag:s22] =	ssyncset.done $0x0  }
0xa0: {  	[sflag:s22] =	ssyncadd.s32 s3;
	_ =	sdelay $0x1  }
0xa1: {  	s23 =	simm.s32 $0x1B8B  }
0xa2: {  	_ =	swait.ge [sflag:s23], $0x1  }
0xa3: {  	[sflag:s23] =	ssyncset.done $0x0  }
0xa4: {  	s25 =	simm.s32 $0x1B8E;
	s24 =	sld [smem:$0x3FFE];
	[sflag:s23] =	ssyncadd.s32 $0xFFFFFFFF  }
0xa5: {  	s26 =	simm.s32 $execute0_lowered;
	[smem:$0x3FD2] =	sst s25  }
0xa6: {  	s4 =	sshll.u32 s26, $0x1;
	_ =	strace $0x8000004C;
	[dreg:$0x1] =	wrdreg $0xFFFFFFFF  }
0xa7: {  	s28 =	simm.s32 $_size_execute0_lowered;
	s2 =	sadd.s32 s2, s4;
	[dreg:$0x0] =	wrdreg $0x0  }
0xa8: {  	s4 =	sshll.u32 s28, $0x1;
	[dreg:$0x2] =	wrdreg s2  }
0xa9: {  	[dreg:$0x3] =	wrdreg s4  }
0xaa: {  	[dreg:$0x4] =	wrdreg $0xC0  }
0xab: {  	_ =	task [dreg:s6], $0x5FFFF  }
0xac: {  	[dreg:$0x1] =	wrdreg $0xFFFFFFFF  }
0xad: {  	[dreg:$0x0] =	wrdreg $0x60  }
0xae: {  	[dreg:$0x2] =	wrdreg s24  }
0xaf: {  	[dreg:$0x3] =	wrdreg $0x98000  }
0xb0: {  	[dreg:$0x4] =	wrdreg $0x9  }
0xb1: {  	_ =	task.clear_ibuf [dreg:s6], $0x5FFFF;
	_ =	strace $0x9000004C  }
0xb2: {  	s29 =	simm.s32 $0x9;
	_ =	strace $0x8000004E  }
0xb3: {  	_ =	swait.ge [sflag:s29], $0x1  }
0xb4: {  	[sflag:s29] =	ssyncadd.s32 $0xFFFFFFFF  }
0xb5: {  	_ =	strace $0x9000004E  }
0xb6: {  	_ =	sfence  }
0xb7: {  	s30 =	sld [smem:$0x0];
	_ =	sdelay $0x2  }
0xb8: {  	s31 =	sshll.u32 s1, $0xD;
	s1 =	sshrl.u32 s1, $0x2  }
0xb9: {  	s3 =	sand.u32 $0x4000, s31;
	s1 =	sadd.s32 s1, s30  }
0xba: {  	s0 =	sor.u32 s3, s0;
	s1 =	sshll.u32 s1, $0x11  }
0xbb: {  	s0 =	sor.u32 s1, s0  }
0xbc: {  	s0 =	sadd.s32 $0x8F2B, s0  }
0xbd: {  	[sflag:s0] =	ssyncadd.remote.s32 $0x1  }
0xbe: {  	_ =	sfence.sel $0xFFFF  }
0xbf: {  	[dreg:$0x0] =	wrdreg $0xFFFFFFFF;
	(pc) =	sbr.abs _section_cstart, $3  }
0xc0: {  	[dreg:$0x1] =	wrdreg $0xFFFFFFFF  }
0xc1: {  	_ =	task.clear_ibuf [dreg:s6], $0x2FFFF;
	_ =	strace $0x9FFFFFFF  }
0xc2: {  	(tm) =	ssettm $0x7FFFFFFF  }
0xc3: {  	_ =	shalt  }
tec
execute0_lowered:
.L_overlay_start_1:
0x0: {  	(tag) =	ssettag $0x1  }
0x1: {  	s0 =	srdreg.scid  }
0x2: {  	s8 =	stileid.u32;
	s5 =	rddreg [dreg:$0x0]  }
0x3: {  	s2 =	rddreg [dreg:$0x1];
	s3 =	simm.s32 $0x0;
	s15 =	simm.s32 $0x100  }
0x4: {  	s16 =	simm.s32 $0x880;
	s17 =	simm.s32 $0x180;
	s18 =	simm.s32 $0x900  }
0x5: {  	s19 =	simm.s32 $0x200;
	s20 =	simm.s32 $0x980;
	[smem:$0x7FF] =	sst s3  }
0x6: {  	s21 =	simm.s32 $0x280;
	_ =	strace $0x8000004D;
	[dreg:$0x5] =	wrdreg s15  }
0x7: {  	s9 =	simm.s32 $0x3;
	s22 =	simm.s32 $0xA00;
	[dreg:$0x6] =	wrdreg s16  }
0x8: {  	s10 =	simm.s32 $0x800;
	s23 =	simm.s32 $0x300;
	[dreg:$0x7] =	wrdreg s17  }
0x9: {  	s11 =	simm.s32 $0x80;
	s24 =	simm.s32 $0xA80;
	[dreg:$0x8] =	wrdreg s18  }
0xa: {  	s25 =	simm.s32 $0x380;
	s26 =	simm.s32 $0xB00;
	[dreg:$0x9] =	wrdreg s19  }
0xb: {  	s28 =	simm.s32 $0xE00;
	s1 =	smul.u32 $0x5000, s8;
	[dreg:$0xa] =	wrdreg s20  }
0xc: {  	s29 =	simm.s32 $0x700;
	s7 =	smul.u32 $0x14000, s8;
	[dreg:$0xb] =	wrdreg s21  }
0xd: {  	s0 =	sand.u32 $0x1, s0;
	s14 =	smul.u32 $0x50000, s8;
	[dreg:$0xc] =	wrdreg s22  }
0xe: {  	s30 =	simm.s32 $0xE80;
	s4 =	smul.u32 $0x2800, s0;
	[dreg:$0xd] =	wrdreg s23  }
0xf: {  	s31 =	simm.s32 $0x780;
	s6 =	smul.u32 $0x140000, s0;
	[dreg:$0xe] =	wrdreg s24  }
0x10: {  	s0 =	ssub.s32 $0x2, s0;
	[dreg:$0xf] =	wrdreg s25;
	s15 =	simm.s32 $0x2  }
0x11: {  	[dreg:$0x10] =	wrdreg s26;
	s17 =	simm.s32 $0xB80;
	s18 =	simm.s32 $0x480  }
0x12: {  	s19 =	simm.s32 $0xC00;
	s20 =	simm.s32 $0x500;
	s21 =	simm.s32 $0xC80  }
0x13: {  	s22 =	simm.s32 $0x580;
	s23 =	simm.s32 $0xD00;
	s24 =	simm.s32 $0x600  }
0x14: {  	s25 =	simm.s32 $0xD80;
	s26 =	simm.s32 $0x680;
	s13 =	sshrl.u32 s0, $0x1  }
0x15: {  	s1 =	sadd.s32 s4, s1;
	s6 =	sadd.s32 s7, s6;
	s4 =	sadd.s32 $0x3E400, s5  }
0x16: {  	s0 =	ssub.s32 s0, s13;
	s13 =	simm.s32 $0x1;
	s7 =	simm.s32 $0x0  }
0x17: {  	s1 =	sshrl.u32 s1, $0x3;
	s6 =	sshrl.u32 s6, $0x3;
	s0 =	smax.u32 s0, $0x1  }
0x18: {  	s1 =	sadd.s32 s1, s5;
	s6 =	sadd.s32 s6, s5;
	s5 =	sshrl.u32 s14, $0x2  }
0x19: {  	[dreg:$0x12] =	wrdreg s0;
	s14 =	simm.s32 $0x5000;
	s12 =	sadd.s32 $0xD200, s1  }
0x1a: {  	s0 =	simm.s32 $0xF80;
	s1 =	sadd.s32 $0x3200, s1;
	[dreg:$0x3] =	wrdreg s12  }
0x1b: {  	s5 =	sadd.s32 s5, s2;
	s6 =	sadd.s32 $0x5E7400, s6;
	[dreg:$0x4] =	wrdreg s1  }
0x1c: {  	v0 =	vimm.f32 $0.0e+00;
	[dreg:$0x11] =	wrdreg s6;
	s12 =	simm.s32 $0x1000;
	s1 =	simm.s32 $0xF00  }
.LBB2_1:
0x1d: {  	[dreg:$0x13] =	wrdreg s7;
	s6 =	simm.s32 $0x0;
	s7 =	simm.s32 $0x0  }
.LBB2_2:
0x1e: {  	p0 =	sne.s32 s7, $0x1FC0  }
.Ltmp0:
0x1f: {  	_ = 	snop;
	(pc) =	sbr.rel @p0 .LBB2_2-.Ltmp0, $4  }
0x20: {  	s8 =	sand.u32 $0x1E00, s7  }
0x21: {  	s16 =	sand.u32 $0x70, s6;
	s8 =	sshrl.u32 s8, $0x2  }
0x22: {  	s8 =	sor.u32 s16, s8  }
0x23: {  	s6 =	sadd.s32 $0x10, s6;
	s7 =	sadd.s32 $0x40, s7;
	[tilespmem:s8+$0x9000] =	vst v0  }
0x24: {  	s6 =	sadd.s32 $0x0, s5;
	s8 =	simm.s32 $0x9000  }
0x25: {  	[spmem:s6] =	stream.linear.scatter [tilespmem:s8], [sflag:$0x3], $0x800, $0x38;
	[tilespmem:$0x1D800] =	vst v63  }
0x26: {  	s6 =	simm.s32 $0x2000;
	_ =	swait.ge [sflag:s9], $0x800  }
.LBB2_4:
0x27: {  	s7 =	sshra.s32 s6, $0x2;
	[sflag:s9] =	ssyncset.done $0x0;
	p0 =	sne.s32 s6, $0x4E000  }
.Ltmp1:
0x28: {  	s7 =	sadd.s32 s7, s5;
	[sflag:s9] =	ssyncadd.s32 $0xFFFFF800;
	(pc) =	sbr.rel @p0 .LBB2_4-.Ltmp1, $3  }
0x29: {  	[spmem:s7] =	stream.linear.scatter [tilespmem:s8], [sflag:$0x3], $0x800, $0x38;
	[tilespmem:$0x1D800] =	vst v63  }
0x2a: {  	s6 =	sadd.s32 $0x2000, s6;
	_ =	sdelay $0x1  }
0x2b: {  	_ =	swait.ge [sflag:s9], $0x800  }
0x2c: {  	[sflag:s9] =	ssyncset.done $0x0  }
0x2d: {  	[sflag:s9] =	ssyncadd.s32 $0xFFFFF800  }
0x2e: {  	[bflag:$0x0] =	sbarrier.arrive $0xFFFF  }
0x2f: {  	s6 =	rddreg [dreg:$0x4]  }
0x30: {  	s6 =	sadd.s32 $0x0, s6  }
0x31: {  	[tilespmem:s3], [sflag:$0x3] =	stream.linear.gather [hbm4b:s6+s3], $0x800, $0x38;
	[tilespmem:$0x1D800] =	vst v63  }
0x32: {  	_ =	swait.ge [sflag:s9], $0x800  }
0x33: {  	s8 =	rddreg [dreg:$0x3];
	[sflag:s9] =	ssyncset.done $0x0  }
0x34: {  	[sflag:s9] =	ssyncadd.s32 $0xFFFFF800;
	s6 =	sadd.s32 $0x0, s8  }
0x35: {  	[tilespmem:s10], [sflag:$0x3] =	stream.linear.gather [hbm4b:s6+s3], $0x800, $0x38;
	[tilespmem:$0x1D800] =	vst v63  }
0x36: {  	_ =	swait.ge [sflag:s9], $0x800  }
0x37: {  	[sflag:s9] =	ssyncset.done $0x0  }
0x38: {  	[sflag:s9] =	ssyncadd.s32 $0xFFFFF800  }
0x39: {  	[tilespmem:s12], [sflag:$0x1] =	stream.indirect.gather [hbm4b:s4+s11], $0x80, s3, s11, $0xb8;
	[tilespmem:$0x1D800] =	vst v63  }
0x3a: {  	_ =	swait.ge [sflag:s13], $0x4000  }
0x3b: {  	[sflag:s13] =	ssyncset.done $0x0  }
0x3c: {  	[sflag:s13] =	ssyncadd.s32 $0xFFFFC000  }
0x3d: {  	[tilespmem:s14], [sflag:$0x2] =	stream.indirect.gather [hbm4b:s4+s11], $0x80, s11, s11, $0xb8;
	[tilespmem:$0x1D800] =	vst v63  }
0x3e: {  	_ = 	snop  }
0x3f: {  	[spmem:s2] =	stream.indirect.scatter.add.f32 [tilespmem:s12], [sflag:$0x3], $0x80, s10, s11, $0xb8;
	[tilespmem:$0x1D800] =	vst v63  }
0x40: {  	_ =	swait.ge [sflag:s9], $0x4000  }
0x41: {  	[sflag:s9] =	ssyncset.done $0x0  }
0x42: {  	[sflag:s9] =	ssyncadd.s32 $0xFFFFC000  }
0x43: {  	_ =	swait.ge [sflag:s15], $0x4000  }
0x44: {  	[sflag:s15] =	ssyncset.done $0x0  }
0x45: {  	s16 =	rddreg [dreg:$0x5];
	[sflag:s15] =	ssyncadd.s32 $0xFFFFC000  }
0x46: {  	[tilespmem:s12], [sflag:$0x1] =	stream.indirect.gather [hbm4b:s4+s11], $0x80, s16, s11, $0xb8;
	[tilespmem:$0x1D800] =	vst v63  }
0x47: {  	s7 =	rddreg [dreg:$0x6]  }
0x48: {  	[spmem:s2] =	stream.indirect.scatter.add.f32 [tilespmem:s14], [sflag:$0x3], $0x80, s7, s11, $0xb8;
	[tilespmem:$0x1D800] =	vst v63  }
0x49: {  	_ =	swait.ge [sflag:s9], $0x4000  }
0x4a: {  	[sflag:s9] =	ssyncset.done $0x0  }
0x4b: {  	[sflag:s9] =	ssyncadd.s32 $0xFFFFC000  }
0x4c: {  	_ =	swait.ge [sflag:s13], $0x4000  }
0x4d: {  	[sflag:s13] =	ssyncset.done $0x0  }
0x4e: {  	s8 =	rddreg [dreg:$0x7];
	[sflag:s13] =	ssyncadd.s32 $0xFFFFC000  }
0x4f: {  	[tilespmem:s14], [sflag:$0x2] =	stream.indirect.gather [hbm4b:s4+s11], $0x80, s8, s11, $0xb8;
	[tilespmem:$0x1D800] =	vst v63  }
0x50: {  	s16 =	rddreg [dreg:$0x8]  }
0x51: {  	[spmem:s2] =	stream.indirect.scatter.add.f32 [tilespmem:s12], [sflag:$0x3], $0x80, s16, s11, $0xb8;
	[tilespmem:$0x1D800] =	vst v63  }
0x52: {  	_ =	swait.ge [sflag:s9], $0x4000  }
0x53: {  	[sflag:s9] =	ssyncset.done $0x0  }
0x54: {  	[sflag:s9] =	ssyncadd.s32 $0xFFFFC000  }
0x55: {  	_ =	swait.ge [sflag:s15], $0x4000  }
0x56: {  	[sflag:s15] =	ssyncset.done $0x0  }
0x57: {  	s8 =	rddreg [dreg:$0x9];
	[sflag:s15] =	ssyncadd.s32 $0xFFFFC000  }
0x58: {  	[tilespmem:s12], [sflag:$0x1] =	stream.indirect.gather [hbm4b:s4+s11], $0x80, s8, s11, $0xb8;
	[tilespmem:$0x1D800] =	vst v63  }
0x59: {  	s16 =	rddreg [dreg:$0xa]  }
0x5a: {  	[spmem:s2] =	stream.indirect.scatter.add.f32 [tilespmem:s14], [sflag:$0x3], $0x80, s16, s11, $0xb8;
	[tilespmem:$0x1D800] =	vst v63  }
0x5b: {  	_ =	swait.ge [sflag:s9], $0x4000  }
0x5c: {  	[sflag:s9] =	ssyncset.done $0x0  }
0x5d: {  	[sflag:s9] =	ssyncadd.s32 $0xFFFFC000  }
0x5e: {  	_ =	swait.ge [sflag:s13], $0x4000  }
0x5f: {  	[sflag:s13] =	ssyncset.done $0x0  }
0x60: {  	s8 =	rddreg [dreg:$0xb];
	[sflag:s13] =	ssyncadd.s32 $0xFFFFC000  }
0x61: {  	[tilespmem:s14], [sflag:$0x2] =	stream.indirect.gather [hbm4b:s4+s11], $0x80, s8, s11, $0xb8;
	[tilespmem:$0x1D800] =	vst v63  }
0x62: {  	s16 =	rddreg [dreg:$0xc]  }
0x63: {  	[spmem:s2] =	stream.indirect.scatter.add.f32 [tilespmem:s12], [sflag:$0x3], $0x80, s16, s11, $0xb8;
	[tilespmem:$0x1D800] =	vst v63  }
0x64: {  	_ =	swait.ge [sflag:s9], $0x4000  }
0x65: {  	[sflag:s9] =	ssyncset.done $0x0  }
0x66: {  	[sflag:s9] =	ssyncadd.s32 $0xFFFFC000  }
0x67: {  	_ =	swait.ge [sflag:s15], $0x4000  }
0x68: {  	[sflag:s15] =	ssyncset.done $0x0  }
0x69: {  	s8 =	rddreg [dreg:$0xd];
	[sflag:s15] =	ssyncadd.s32 $0xFFFFC000  }
0x6a: {  	[tilespmem:s12], [sflag:$0x1] =	stream.indirect.gather [hbm4b:s4+s11], $0x80, s8, s11, $0xb8;
	[tilespmem:$0x1D800] =	vst v63  }
0x6b: {  	s16 =	rddreg [dreg:$0xe]  }
0x6c: {  	[spmem:s2] =	stream.indirect.scatter.add.f32 [tilespmem:s14], [sflag:$0x3], $0x80, s16, s11, $0xb8;
	[tilespmem:$0x1D800] =	vst v63  }
0x6d: {  	_ =	swait.ge [sflag:s9], $0x4000  }
0x6e: {  	[sflag:s9] =	ssyncset.done $0x0  }
0x6f: {  	[sflag:s9] =	ssyncadd.s32 $0xFFFFC000  }
0x70: {  	_ =	swait.ge [sflag:s13], $0x4000  }
0x71: {  	[sflag:s13] =	ssyncset.done $0x0  }
0x72: {  	s7 =	rddreg [dreg:$0xf];
	[sflag:s13] =	ssyncadd.s32 $0xFFFFC000  }
0x73: {  	[tilespmem:s14], [sflag:$0x2] =	stream.indirect.gather [hbm4b:s4+s11], $0x80, s7, s11, $0xb8;
	[tilespmem:$0x1D800] =	vst v63  }
0x74: {  	s8 =	rddreg [dreg:$0x10]  }
0x75: {  	[spmem:s2] =	stream.indirect.scatter.add.f32 [tilespmem:s12], [sflag:$0x3], $0x80, s8, s11, $0xb8;
	[tilespmem:$0x1D800] =	vst v63  }
0x76: {  	_ =	swait.ge [sflag:s9], $0x4000  }
0x77: {  	[sflag:s9] =	ssyncset.done $0x0  }
0x78: {  	[sflag:s9] =	ssyncadd.s32 $0xFFFFC000  }
0x79: {  	_ =	swait.ge [sflag:s15], $0x4000  }
0x7a: {  	[sflag:s15] =	ssyncset.done $0x0  }
0x7b: {  	s16 =	simm.s32 $0x400;
	[sflag:s15] =	ssyncadd.s32 $0xFFFFC000  }
0x7c: {  	[tilespmem:s12], [sflag:$0x1] =	stream.indirect.gather [hbm4b:s4+s11], $0x80, s16, s11, $0xb8;
	[tilespmem:$0x1D800] =	vst v63  }
0x7d: {  	_ = 	snop  }
0x7e: {  	[spmem:s2] =	stream.indirect.scatter.add.f32 [tilespmem:s14], [sflag:$0x3], $0x80, s17, s11, $0xb8;
	[tilespmem:$0x1D800] =	vst v63  }
0x7f: {  	_ =	swait.ge [sflag:s9], $0x4000  }
0x80: {  	[sflag:s9] =	ssyncset.done $0x0  }
0x81: {  	[sflag:s9] =	ssyncadd.s32 $0xFFFFC000  }
0x82: {  	_ =	swait.ge [sflag:s13], $0x4000  }
0x83: {  	[sflag:s13] =	ssyncset.done $0x0  }
0x84: {  	[sflag:s13] =	ssyncadd.s32 $0xFFFFC000  }
0x85: {  	[tilespmem:s14], [sflag:$0x2] =	stream.indirect.gather [hbm4b:s4+s11], $0x80, s18, s11, $0xb8;
	[tilespmem:$0x1D800] =	vst v63  }
0x86: {  	_ = 	snop  }
0x87: {  	[spmem:s2] =	stream.indirect.scatter.add.f32 [tilespmem:s12], [sflag:$0x3], $0x80, s19, s11, $0xb8;
	[tilespmem:$0x1D800] =	vst v63  }
0x88: {  	_ =	swait.ge [sflag:s9], $0x4000  }
0x89: {  	[sflag:s9] =	ssyncset.done $0x0  }
0x8a: {  	[sflag:s9] =	ssyncadd.s32 $0xFFFFC000  }
0x8b: {  	_ =	swait.ge [sflag:s15], $0x4000  }
0x8c: {  	[sflag:s15] =	ssyncset.done $0x0  }
0x8d: {  	[sflag:s15] =	ssyncadd.s32 $0xFFFFC000  }
0x8e: {  	[tilespmem:s12], [sflag:$0x1] =	stream.indirect.gather [hbm4b:s4+s11], $0x80, s20, s11, $0xb8;
	[tilespmem:$0x1D800] =	vst v63  }
0x8f: {  	_ = 	snop  }
0x90: {  	[spmem:s2] =	stream.indirect.scatter.add.f32 [tilespmem:s14], [sflag:$0x3], $0x80, s21, s11, $0xb8;
	[tilespmem:$0x1D800] =	vst v63  }
0x91: {  	_ =	swait.ge [sflag:s9], $0x4000  }
0x92: {  	[sflag:s9] =	ssyncset.done $0x0  }
0x93: {  	[sflag:s9] =	ssyncadd.s32 $0xFFFFC000  }
0x94: {  	_ =	swait.ge [sflag:s13], $0x4000  }
0x95: {  	[sflag:s13] =	ssyncset.done $0x0  }
0x96: {  	[sflag:s13] =	ssyncadd.s32 $0xFFFFC000  }
0x97: {  	[tilespmem:s14], [sflag:$0x2] =	stream.indirect.gather [hbm4b:s4+s11], $0x80, s22, s11, $0xb8;
	[tilespmem:$0x1D800] =	vst v63  }
0x98: {  	_ = 	snop  }
0x99: {  	[spmem:s2] =	stream.indirect.scatter.add.f32 [tilespmem:s12], [sflag:$0x3], $0x80, s23, s11, $0xb8;
	[tilespmem:$0x1D800] =	vst v63  }
0x9a: {  	_ =	swait.ge [sflag:s9], $0x4000  }
0x9b: {  	[sflag:s9] =	ssyncset.done $0x0  }
0x9c: {  	[sflag:s9] =	ssyncadd.s32 $0xFFFFC000  }
0x9d: {  	_ =	swait.ge [sflag:s15], $0x4000  }
0x9e: {  	[sflag:s15] =	ssyncset.done $0x0  }
0x9f: {  	[sflag:s15] =	ssyncadd.s32 $0xFFFFC000  }
0xa0: {  	[tilespmem:s12], [sflag:$0x1] =	stream.indirect.gather [hbm4b:s4+s11], $0x80, s24, s11, $0xb8;
	[tilespmem:$0x1D800] =	vst v63  }
0xa1: {  	_ = 	snop  }
0xa2: {  	[spmem:s2] =	stream.indirect.scatter.add.f32 [tilespmem:s14], [sflag:$0x3], $0x80, s25, s11, $0xb8;
	[tilespmem:$0x1D800] =	vst v63  }
0xa3: {  	_ =	swait.ge [sflag:s9], $0x4000  }
0xa4: {  	[sflag:s9] =	ssyncset.done $0x0  }
0xa5: {  	[sflag:s9] =	ssyncadd.s32 $0xFFFFC000  }
0xa6: {  	_ =	swait.ge [sflag:s13], $0x4000  }
0xa7: {  	[sflag:s13] =	ssyncset.done $0x0  }
0xa8: {  	[sflag:s13] =	ssyncadd.s32 $0xFFFFC000  }
0xa9: {  	[tilespmem:s14], [sflag:$0x2] =	stream.indirect.gather [hbm4b:s4+s11], $0x80, s26, s11, $0xb8;
	[tilespmem:$0x1D800] =	vst v63  }
0xaa: {  	_ = 	snop  }
0xab: {  	[spmem:s2] =	stream.indirect.scatter.add.f32 [tilespmem:s12], [sflag:$0x3], $0x80, s28, s11, $0xb8;
	[tilespmem:$0x1D800] =	vst v63  }
0xac: {  	_ =	swait.ge [sflag:s9], $0x4000  }
0xad: {  	[sflag:s9] =	ssyncset.done $0x0  }
0xae: {  	[sflag:s9] =	ssyncadd.s32 $0xFFFFC000  }
0xaf: {  	_ =	swait.ge [sflag:s15], $0x4000  }
0xb0: {  	[sflag:s15] =	ssyncset.done $0x0  }
0xb1: {  	[sflag:s15] =	ssyncadd.s32 $0xFFFFC000  }
0xb2: {  	[tilespmem:s12], [sflag:$0x1] =	stream.indirect.gather [hbm4b:s4+s11], $0x80, s29, s11, $0xb8;
	[tilespmem:$0x1D800] =	vst v63  }
0xb3: {  	_ = 	snop  }
0xb4: {  	[spmem:s2] =	stream.indirect.scatter.add.f32 [tilespmem:s14], [sflag:$0x3], $0x80, s30, s11, $0xb8;
	[tilespmem:$0x1D800] =	vst v63  }
0xb5: {  	_ =	swait.ge [sflag:s9], $0x4000  }
0xb6: {  	[sflag:s9] =	ssyncset.done $0x0  }
0xb7: {  	[sflag:s9] =	ssyncadd.s32 $0xFFFFC000  }
0xb8: {  	_ =	swait.ge [sflag:s13], $0x4000  }
0xb9: {  	[sflag:s13] =	ssyncset.done $0x0  }
0xba: {  	[sflag:s13] =	ssyncadd.s32 $0xFFFFC000  }
0xbb: {  	[tilespmem:s14], [sflag:$0x2] =	stream.indirect.gather [hbm4b:s4+s11], $0x80, s31, s11, $0xb8;
	[tilespmem:$0x1D800] =	vst v63  }
0xbc: {  	_ = 	snop  }
0xbd: {  	[spmem:s2] =	stream.indirect.scatter.add.f32 [tilespmem:s12], [sflag:$0x3], $0x80, s1, s11, $0xb8;
	[tilespmem:$0x1D800] =	vst v63  }
0xbe: {  	_ =	swait.ge [sflag:s9], $0x4000  }
0xbf: {  	[sflag:s9] =	ssyncset.done $0x0  }
0xc0: {  	[sflag:s9] =	ssyncadd.s32 $0xFFFFC000  }
0xc1: {  	_ =	swait.ge [sflag:s15], $0x4000  }
0xc2: {  	[sflag:s15] =	ssyncset.done $0x0  }
0xc3: {  	[sflag:s15] =	ssyncadd.s32 $0xFFFFC000  }
0xc4: {  	[spmem:s2] =	stream.indirect.scatter.add.f32 [tilespmem:s14], [sflag:$0x3], $0x80, s0, s11, $0xb8;
	[tilespmem:$0x1D800] =	vst v63  }
0xc5: {  	s6 =	simm.s32 $0x200;
	_ =	swait.ge [sflag:s9], $0x4000  }
0xc6: {  	s7 =	simm.s32 $0x100;
	s8 =	rddreg [dreg:$0x4];
	[sflag:s9] =	ssyncset.done $0x0  }
.LBB2_6:
0xc7: {  	[sflag:s9] =	ssyncadd.s32 $0xFFFFC000;
	s8 =	sadd.s32 s7, s8  }
0xc8: {  	[tilespmem:s3], [sflag:$0x3] =	stream.linear.gather [hbm4b:s8+s3], $0x800, $0x38;
	[tilespmem:$0x1D800] =	vst v63  }
0xc9: {  	_ =	swait.ge [sflag:s9], $0x800  }
0xca: {  	s8 =	rddreg [dreg:$0x3];
	[sflag:s9] =	ssyncset.done $0x0  }
0xcb: {  	[sflag:s9] =	ssyncadd.s32 $0xFFFFF800;
	s8 =	sadd.s32 s7, s8  }
0xcc: {  	[tilespmem:s10], [sflag:$0x3] =	stream.linear.gather [hbm4b:s8+s3], $0x800, $0x38;
	[tilespmem:$0x1D800] =	vst v63  }
0xcd: {  	_ =	swait.ge [sflag:s9], $0x800  }
0xce: {  	[sflag:s9] =	ssyncset.done $0x0  }
0xcf: {  	[sflag:s9] =	ssyncadd.s32 $0xFFFFF800  }
0xd0: {  	[tilespmem:s12], [sflag:$0x1] =	stream.indirect.gather [hbm4b:s4+s11], $0x80, s3, s11, $0xb8;
	[tilespmem:$0x1D800] =	vst v63  }
0xd1: {  	_ =	swait.ge [sflag:s13], $0x4000  }
0xd2: {  	[sflag:s13] =	ssyncset.done $0x0  }
0xd3: {  	[sflag:s13] =	ssyncadd.s32 $0xFFFFC000  }
0xd4: {  	[tilespmem:s14], [sflag:$0x2] =	stream.indirect.gather [hbm4b:s4+s11], $0x80, s11, s11, $0xb8;
	[tilespmem:$0x1D800] =	vst v63  }
0xd5: {  	_ = 	snop  }
0xd6: {  	[spmem:s2] =	stream.indirect.scatter.add.f32 [tilespmem:s12], [sflag:$0x3], $0x80, s10, s11, $0xb8;
	[tilespmem:$0x1D800] =	vst v63  }
0xd7: {  	_ =	swait.ge [sflag:s9], $0x4000  }
0xd8: {  	[sflag:s9] =	ssyncset.done $0x0  }
0xd9: {  	[sflag:s9] =	ssyncadd.s32 $0xFFFFC000  }
0xda: {  	_ =	swait.ge [sflag:s15], $0x4000  }
0xdb: {  	[sflag:s15] =	ssyncset.done $0x0  }
0xdc: {  	s16 =	smov.u32 s6;
	s8 =	rddreg [dreg:$0x5];
	[sflag:s15] =	ssyncadd.s32 $0xFFFFC000  }
0xdd: {  	[tilespmem:s12], [sflag:$0x1] =	stream.indirect.gather [hbm4b:s4+s11], $0x80, s8, s11, $0xb8;
	[tilespmem:$0x1D800] =	vst v63  }
0xde: {  	s7 =	smov.u32 s16;
	s16 =	rddreg [dreg:$0x6]  }
0xdf: {  	[spmem:s2] =	stream.indirect.scatter.add.f32 [tilespmem:s14], [sflag:$0x3], $0x80, s16, s11, $0xb8;
	[tilespmem:$0x1D800] =	vst v63  }
0xe0: {  	_ =	swait.ge [sflag:s9], $0x4000  }
0xe1: {  	[sflag:s9] =	ssyncset.done $0x0  }
0xe2: {  	[sflag:s9] =	ssyncadd.s32 $0xFFFFC000  }
0xe3: {  	_ =	swait.ge [sflag:s13], $0x4000  }
0xe4: {  	[sflag:s13] =	ssyncset.done $0x0  }
0xe5: {  	s8 =	rddreg [dreg:$0x7];
	[sflag:s13] =	ssyncadd.s32 $0xFFFFC000  }
0xe6: {  	[tilespmem:s14], [sflag:$0x2] =	stream.indirect.gather [hbm4b:s4+s11], $0x80, s8, s11, $0xb8;
	[tilespmem:$0x1D800] =	vst v63  }
0xe7: {  	s16 =	rddreg [dreg:$0x8]  }
0xe8: {  	[spmem:s2] =	stream.indirect.scatter.add.f32 [tilespmem:s12], [sflag:$0x3], $0x80, s16, s11, $0xb8;
	[tilespmem:$0x1D800] =	vst v63  }
0xe9: {  	_ =	swait.ge [sflag:s9], $0x4000  }
0xea: {  	[sflag:s9] =	ssyncset.done $0x0  }
0xeb: {  	[sflag:s9] =	ssyncadd.s32 $0xFFFFC000  }
0xec: {  	_ =	swait.ge [sflag:s15], $0x4000  }
0xed: {  	[sflag:s15] =	ssyncset.done $0x0  }
0xee: {  	s8 =	rddreg [dreg:$0x9];
	[sflag:s15] =	ssyncadd.s32 $0xFFFFC000  }
0xef: {  	[tilespmem:s12], [sflag:$0x1] =	stream.indirect.gather [hbm4b:s4+s11], $0x80, s8, s11, $0xb8;
	[tilespmem:$0x1D800] =	vst v63  }
0xf0: {  	s16 =	rddreg [dreg:$0xa]  }
0xf1: {  	[spmem:s2] =	stream.indirect.scatter.add.f32 [tilespmem:s14], [sflag:$0x3], $0x80, s16, s11, $0xb8;
	[tilespmem:$0x1D800] =	vst v63  }
0xf2: {  	_ =	swait.ge [sflag:s9], $0x4000  }
0xf3: {  	[sflag:s9] =	ssyncset.done $0x0  }
0xf4: {  	[sflag:s9] =	ssyncadd.s32 $0xFFFFC000  }
0xf5: {  	_ =	swait.ge [sflag:s13], $0x4000  }
0xf6: {  	[sflag:s13] =	ssyncset.done $0x0  }
0xf7: {  	s8 =	rddreg [dreg:$0xb];
	[sflag:s13] =	ssyncadd.s32 $0xFFFFC000  }
0xf8: {  	[tilespmem:s14], [sflag:$0x2] =	stream.indirect.gather [hbm4b:s4+s11], $0x80, s8, s11, $0xb8;
	[tilespmem:$0x1D800] =	vst v63  }
0xf9: {  	s16 =	rddreg [dreg:$0xc]  }
0xfa: {  	[spmem:s2] =	stream.indirect.scatter.add.f32 [tilespmem:s12], [sflag:$0x3], $0x80, s16, s11, $0xb8;
	[tilespmem:$0x1D800] =	vst v63  }
0xfb: {  	_ =	swait.ge [sflag:s9], $0x4000  }
0xfc: {  	[sflag:s9] =	ssyncset.done $0x0  }
0xfd: {  	[sflag:s9] =	ssyncadd.s32 $0xFFFFC000  }
0xfe: {  	_ =	swait.ge [sflag:s15], $0x4000  }
0xff: {  	[sflag:s15] =	ssyncset.done $0x0  }
0x100: {  	s8 =	rddreg [dreg:$0xd];
	[sflag:s15] =	ssyncadd.s32 $0xFFFFC000  }
0x101: {  	[tilespmem:s12], [sflag:$0x1] =	stream.indirect.gather [hbm4b:s4+s11], $0x80, s8, s11, $0xb8;
	[tilespmem:$0x1D800] =	vst v63  }
0x102: {  	s16 =	rddreg [dreg:$0xe]  }
0x103: {  	[spmem:s2] =	stream.indirect.scatter.add.f32 [tilespmem:s14], [sflag:$0x3], $0x80, s16, s11, $0xb8;
	[tilespmem:$0x1D800] =	vst v63  }
0x104: {  	_ =	swait.ge [sflag:s9], $0x4000  }
0x105: {  	[sflag:s9] =	ssyncset.done $0x0  }
0x106: {  	[sflag:s9] =	ssyncadd.s32 $0xFFFFC000  }
0x107: {  	_ =	swait.ge [sflag:s13], $0x4000  }
0x108: {  	[sflag:s13] =	ssyncset.done $0x0  }
0x109: {  	s8 =	rddreg [dreg:$0xf];
	[sflag:s13] =	ssyncadd.s32 $0xFFFFC000  }
0x10a: {  	[tilespmem:s14], [sflag:$0x2] =	stream.indirect.gather [hbm4b:s4+s11], $0x80, s8, s11, $0xb8;
	[tilespmem:$0x1D800] =	vst v63  }
0x10b: {  	s16 =	rddreg [dreg:$0x10]  }
0x10c: {  	[spmem:s2] =	stream.indirect.scatter.add.f32 [tilespmem:s12], [sflag:$0x3], $0x80, s16, s11, $0xb8;
	[tilespmem:$0x1D800] =	vst v63  }
0x10d: {  	_ =	swait.ge [sflag:s9], $0x4000  }
0x10e: {  	[sflag:s9] =	ssyncset.done $0x0  }
0x10f: {  	[sflag:s9] =	ssyncadd.s32 $0xFFFFC000  }
0x110: {  	_ =	swait.ge [sflag:s15], $0x4000  }
0x111: {  	[sflag:s15] =	ssyncset.done $0x0  }
0x112: {  	s16 =	simm.s32 $0x400;
	[sflag:s15] =	ssyncadd.s32 $0xFFFFC000  }
0x113: {  	[tilespmem:s12], [sflag:$0x1] =	stream.indirect.gather [hbm4b:s4+s11], $0x80, s16, s11, $0xb8;
	[tilespmem:$0x1D800] =	vst v63  }
0x114: {  	_ = 	snop  }
0x115: {  	[spmem:s2] =	stream.indirect.scatter.add.f32 [tilespmem:s14], [sflag:$0x3], $0x80, s17, s11, $0xb8;
	[tilespmem:$0x1D800] =	vst v63  }
0x116: {  	_ =	swait.ge [sflag:s9], $0x4000  }
0x117: {  	[sflag:s9] =	ssyncset.done $0x0  }
0x118: {  	[sflag:s9] =	ssyncadd.s32 $0xFFFFC000  }
0x119: {  	_ =	swait.ge [sflag:s13], $0x4000  }
0x11a: {  	[sflag:s13] =	ssyncset.done $0x0  }
0x11b: {  	[sflag:s13] =	ssyncadd.s32 $0xFFFFC000  }
0x11c: {  	[tilespmem:s14], [sflag:$0x2] =	stream.indirect.gather [hbm4b:s4+s11], $0x80, s18, s11, $0xb8;
	[tilespmem:$0x1D800] =	vst v63  }
0x11d: {  	_ = 	snop  }
0x11e: {  	[spmem:s2] =	stream.indirect.scatter.add.f32 [tilespmem:s12], [sflag:$0x3], $0x80, s19, s11, $0xb8;
	[tilespmem:$0x1D800] =	vst v63  }
0x11f: {  	_ =	swait.ge [sflag:s9], $0x4000  }
0x120: {  	[sflag:s9] =	ssyncset.done $0x0  }
0x121: {  	[sflag:s9] =	ssyncadd.s32 $0xFFFFC000  }
0x122: {  	_ =	swait.ge [sflag:s15], $0x4000  }
0x123: {  	[sflag:s15] =	ssyncset.done $0x0  }
0x124: {  	[sflag:s15] =	ssyncadd.s32 $0xFFFFC000  }
0x125: {  	[tilespmem:s12], [sflag:$0x1] =	stream.indirect.gather [hbm4b:s4+s11], $0x80, s20, s11, $0xb8;
	[tilespmem:$0x1D800] =	vst v63  }
0x126: {  	_ = 	snop  }
0x127: {  	[spmem:s2] =	stream.indirect.scatter.add.f32 [tilespmem:s14], [sflag:$0x3], $0x80, s21, s11, $0xb8;
	[tilespmem:$0x1D800] =	vst v63  }
0x128: {  	_ =	swait.ge [sflag:s9], $0x4000  }
0x129: {  	[sflag:s9] =	ssyncset.done $0x0  }
0x12a: {  	[sflag:s9] =	ssyncadd.s32 $0xFFFFC000  }
0x12b: {  	_ =	swait.ge [sflag:s13], $0x4000  }
0x12c: {  	[sflag:s13] =	ssyncset.done $0x0  }
0x12d: {  	[sflag:s13] =	ssyncadd.s32 $0xFFFFC000  }
0x12e: {  	[tilespmem:s14], [sflag:$0x2] =	stream.indirect.gather [hbm4b:s4+s11], $0x80, s22, s11, $0xb8;
	[tilespmem:$0x1D800] =	vst v63  }
0x12f: {  	_ = 	snop  }
0x130: {  	[spmem:s2] =	stream.indirect.scatter.add.f32 [tilespmem:s12], [sflag:$0x3], $0x80, s23, s11, $0xb8;
	[tilespmem:$0x1D800] =	vst v63  }
0x131: {  	_ =	swait.ge [sflag:s9], $0x4000  }
0x132: {  	[sflag:s9] =	ssyncset.done $0x0  }
0x133: {  	[sflag:s9] =	ssyncadd.s32 $0xFFFFC000  }
0x134: {  	_ =	swait.ge [sflag:s15], $0x4000  }
0x135: {  	[sflag:s15] =	ssyncset.done $0x0  }
0x136: {  	[sflag:s15] =	ssyncadd.s32 $0xFFFFC000  }
0x137: {  	[tilespmem:s12], [sflag:$0x1] =	stream.indirect.gather [hbm4b:s4+s11], $0x80, s24, s11, $0xb8;
	[tilespmem:$0x1D800] =	vst v63  }
0x138: {  	_ = 	snop  }
0x139: {  	[spmem:s2] =	stream.indirect.scatter.add.f32 [tilespmem:s14], [sflag:$0x3], $0x80, s25, s11, $0xb8;
	[tilespmem:$0x1D800] =	vst v63  }
0x13a: {  	_ =	swait.ge [sflag:s9], $0x4000  }
0x13b: {  	[sflag:s9] =	ssyncset.done $0x0  }
0x13c: {  	[sflag:s9] =	ssyncadd.s32 $0xFFFFC000  }
0x13d: {  	_ =	swait.ge [sflag:s13], $0x4000  }
0x13e: {  	[sflag:s13] =	ssyncset.done $0x0  }
0x13f: {  	[sflag:s13] =	ssyncadd.s32 $0xFFFFC000  }
0x140: {  	[tilespmem:s14], [sflag:$0x2] =	stream.indirect.gather [hbm4b:s4+s11], $0x80, s26, s11, $0xb8;
	[tilespmem:$0x1D800] =	vst v63  }
0x141: {  	_ = 	snop  }
0x142: {  	[spmem:s2] =	stream.indirect.scatter.add.f32 [tilespmem:s12], [sflag:$0x3], $0x80, s28, s11, $0xb8;
	[tilespmem:$0x1D800] =	vst v63  }
0x143: {  	_ =	swait.ge [sflag:s9], $0x4000  }
0x144: {  	[sflag:s9] =	ssyncset.done $0x0  }
0x145: {  	[sflag:s9] =	ssyncadd.s32 $0xFFFFC000  }
0x146: {  	_ =	swait.ge [sflag:s15], $0x4000  }
0x147: {  	[sflag:s15] =	ssyncset.done $0x0  }
0x148: {  	[sflag:s15] =	ssyncadd.s32 $0xFFFFC000  }
0x149: {  	[tilespmem:s12], [sflag:$0x1] =	stream.indirect.gather [hbm4b:s4+s11], $0x80, s29, s11, $0xb8;
	[tilespmem:$0x1D800] =	vst v63  }
0x14a: {  	_ = 	snop  }
0x14b: {  	[spmem:s2] =	stream.indirect.scatter.add.f32 [tilespmem:s14], [sflag:$0x3], $0x80, s30, s11, $0xb8;
	[tilespmem:$0x1D800] =	vst v63  }
0x14c: {  	_ =	swait.ge [sflag:s9], $0x4000  }
0x14d: {  	[sflag:s9] =	ssyncset.done $0x0  }
0x14e: {  	[sflag:s9] =	ssyncadd.s32 $0xFFFFC000  }
0x14f: {  	_ =	swait.ge [sflag:s13], $0x4000  }
0x150: {  	[sflag:s13] =	ssyncset.done $0x0  }
0x151: {  	[sflag:s13] =	ssyncadd.s32 $0xFFFFC000  }
0x152: {  	[tilespmem:s14], [sflag:$0x2] =	stream.indirect.gather [hbm4b:s4+s11], $0x80, s31, s11, $0xb8;
	[tilespmem:$0x1D800] =	vst v63  }
0x153: {  	_ = 	snop  }
0x154: {  	[spmem:s2] =	stream.indirect.scatter.add.f32 [tilespmem:s12], [sflag:$0x3], $0x80, s1, s11, $0xb8;
	[tilespmem:$0x1D800] =	vst v63  }
0x155: {  	_ =	swait.ge [sflag:s9], $0x4000  }
0x156: {  	[sflag:s9] =	ssyncset.done $0x0  }
0x157: {  	[sflag:s9] =	ssyncadd.s32 $0xFFFFC000  }
0x158: {  	p0 =	sne.s32 s6, $0x400;
	_ =	swait.ge [sflag:s15], $0x4000  }
.Ltmp2:
0x159: {  	[sflag:s15] =	ssyncset.done $0x0;
	(pc) =	sbr.rel @p0 .LBB2_6-.Ltmp2, $4  }
0x15a: {  	[sflag:s15] =	ssyncadd.s32 $0xFFFFC000  }
0x15b: {  	[spmem:s2] =	stream.indirect.scatter.add.f32 [tilespmem:s14], [sflag:$0x3], $0x80, s0, s11, $0xb8;
	[tilespmem:$0x1D800] =	vst v63  }
0x15c: {  	_ =	swait.ge [sflag:s9], $0x4000  }
0x15d: {  	s6 =	sadd.s32 $0x100, s6;
	s8 =	rddreg [dreg:$0x4];
	[sflag:s9] =	ssyncset.done $0x0  }
0x15e: {  	[sflag:s9] =	ssyncadd.s32 $0xFFFFC000;
	s6 =	sadd.s32 s7, s8  }
0x15f: {  	[tilespmem:s3], [sflag:$0x3] =	stream.linear.gather [hbm4b:s6+s3], $0x800, $0x38;
	[tilespmem:$0x1D800] =	vst v63  }
0x160: {  	_ =	swait.ge [sflag:s9], $0x800  }
0x161: {  	s8 =	rddreg [dreg:$0x3];
	[sflag:s9] =	ssyncset.done $0x0  }
0x162: {  	[sflag:s9] =	ssyncadd.s32 $0xFFFFF800;
	s6 =	sadd.s32 s7, s8  }
0x163: {  	[tilespmem:s10], [sflag:$0x3] =	stream.linear.gather [hbm4b:s6+s3], $0x800, $0x38;
	[tilespmem:$0x1D800] =	vst v63  }
0x164: {  	_ =	swait.ge [sflag:s9], $0x800  }
0x165: {  	[sflag:s9] =	ssyncset.done $0x0  }
0x166: {  	[sflag:s9] =	ssyncadd.s32 $0xFFFFF800  }
0x167: {  	[tilespmem:s12], [sflag:$0x1] =	stream.indirect.gather [hbm4b:s4+s11], $0x80, s3, s11, $0xb8;
	[tilespmem:$0x1D800] =	vst v63  }
0x168: {  	_ =	swait.ge [sflag:s13], $0x4000  }
0x169: {  	[sflag:s13] =	ssyncset.done $0x0  }
0x16a: {  	[sflag:s13] =	ssyncadd.s32 $0xFFFFC000  }
0x16b: {  	[tilespmem:s14], [sflag:$0x2] =	stream.indirect.gather [hbm4b:s4+s11], $0x80, s11, s11, $0xb8;
	[tilespmem:$0x1D800] =	vst v63  }
0x16c: {  	_ = 	snop  }
0x16d: {  	[spmem:s2] =	stream.indirect.scatter.add.f32 [tilespmem:s12], [sflag:$0x3], $0x80, s10, s11, $0xb8;
	[tilespmem:$0x1D800] =	vst v63  }
0x16e: {  	_ =	swait.ge [sflag:s9], $0x4000  }
0x16f: {  	[sflag:s9] =	ssyncset.done $0x0  }
0x170: {  	[sflag:s9] =	ssyncadd.s32 $0xFFFFC000  }
0x171: {  	_ =	swait.ge [sflag:s15], $0x4000  }
0x172: {  	[sflag:s15] =	ssyncset.done $0x0  }
0x173: {  	s7 =	rddreg [dreg:$0x5];
	[sflag:s15] =	ssyncadd.s32 $0xFFFFC000  }
0x174: {  	[tilespmem:s12], [sflag:$0x1] =	stream.indirect.gather [hbm4b:s4+s11], $0x80, s7, s11, $0xb8;
	[tilespmem:$0x1D800] =	vst v63  }
0x175: {  	s8 =	rddreg [dreg:$0x6]  }
0x176: {  	[spmem:s2] =	stream.indirect.scatter.add.f32 [tilespmem:s14], [sflag:$0x3], $0x80, s8, s11, $0xb8;
	[tilespmem:$0x1D800] =	vst v63  }
0x177: {  	_ =	swait.ge [sflag:s9], $0x4000  }
0x178: {  	[sflag:s9] =	ssyncset.done $0x0  }
0x179: {  	[sflag:s9] =	ssyncadd.s32 $0xFFFFC000  }
0x17a: {  	_ =	swait.ge [sflag:s13], $0x4000  }
0x17b: {  	[sflag:s13] =	ssyncset.done $0x0  }
0x17c: {  	s7 =	rddreg [dreg:$0x7];
	[sflag:s13] =	ssyncadd.s32 $0xFFFFC000  }
0x17d: {  	[tilespmem:s14], [sflag:$0x2] =	stream.indirect.gather [hbm4b:s4+s11], $0x80, s7, s11, $0xb8;
	[tilespmem:$0x1D800] =	vst v63  }
0x17e: {  	s8 =	rddreg [dreg:$0x8]  }
0x17f: {  	[spmem:s2] =	stream.indirect.scatter.add.f32 [tilespmem:s12], [sflag:$0x3], $0x80, s8, s11, $0xb8;
	[tilespmem:$0x1D800] =	vst v63  }
0x180: {  	_ =	swait.ge [sflag:s9], $0x4000  }
0x181: {  	[sflag:s9] =	ssyncset.done $0x0  }
0x182: {  	[sflag:s9] =	ssyncadd.s32 $0xFFFFC000  }
0x183: {  	_ =	swait.ge [sflag:s15], $0x4000  }
0x184: {  	[sflag:s15] =	ssyncset.done $0x0  }
0x185: {  	s7 =	rddreg [dreg:$0x9];
	[sflag:s15] =	ssyncadd.s32 $0xFFFFC000  }
0x186: {  	[tilespmem:s12], [sflag:$0x1] =	stream.indirect.gather [hbm4b:s4+s11], $0x80, s7, s11, $0xb8;
	[tilespmem:$0x1D800] =	vst v63  }
0x187: {  	s8 =	rddreg [dreg:$0xa]  }
0x188: {  	[spmem:s2] =	stream.indirect.scatter.add.f32 [tilespmem:s14], [sflag:$0x3], $0x80, s8, s11, $0xb8;
	[tilespmem:$0x1D800] =	vst v63  }
0x189: {  	_ =	swait.ge [sflag:s9], $0x4000  }
0x18a: {  	[sflag:s9] =	ssyncset.done $0x0  }
0x18b: {  	[sflag:s9] =	ssyncadd.s32 $0xFFFFC000  }
0x18c: {  	_ =	swait.ge [sflag:s13], $0x4000  }
0x18d: {  	[sflag:s13] =	ssyncset.done $0x0  }
0x18e: {  	s7 =	rddreg [dreg:$0xb];
	[sflag:s13] =	ssyncadd.s32 $0xFFFFC000  }
0x18f: {  	[tilespmem:s14], [sflag:$0x2] =	stream.indirect.gather [hbm4b:s4+s11], $0x80, s7, s11, $0xb8;
	[tilespmem:$0x1D800] =	vst v63  }
0x190: {  	s8 =	rddreg [dreg:$0xc]  }
0x191: {  	[spmem:s2] =	stream.indirect.scatter.add.f32 [tilespmem:s12], [sflag:$0x3], $0x80, s8, s11, $0xb8;
	[tilespmem:$0x1D800] =	vst v63  }
0x192: {  	_ =	swait.ge [sflag:s9], $0x4000  }
0x193: {  	[sflag:s9] =	ssyncset.done $0x0  }
0x194: {  	[sflag:s9] =	ssyncadd.s32 $0xFFFFC000  }
0x195: {  	_ =	swait.ge [sflag:s15], $0x4000  }
0x196: {  	[sflag:s15] =	ssyncset.done $0x0  }
0x197: {  	s7 =	rddreg [dreg:$0xd];
	[sflag:s15] =	ssyncadd.s32 $0xFFFFC000  }
0x198: {  	[tilespmem:s12], [sflag:$0x1] =	stream.indirect.gather [hbm4b:s4+s11], $0x80, s7, s11, $0xb8;
	[tilespmem:$0x1D800] =	vst v63  }
0x199: {  	s8 =	rddreg [dreg:$0xe]  }
0x19a: {  	[spmem:s2] =	stream.indirect.scatter.add.f32 [tilespmem:s14], [sflag:$0x3], $0x80, s8, s11, $0xb8;
	[tilespmem:$0x1D800] =	vst v63  }
0x19b: {  	_ =	swait.ge [sflag:s9], $0x4000  }
0x19c: {  	[sflag:s9] =	ssyncset.done $0x0  }
0x19d: {  	[sflag:s9] =	ssyncadd.s32 $0xFFFFC000  }
0x19e: {  	_ =	swait.ge [sflag:s13], $0x4000  }
0x19f: {  	[sflag:s13] =	ssyncset.done $0x0  }
0x1a0: {  	s7 =	rddreg [dreg:$0xf];
	[sflag:s13] =	ssyncadd.s32 $0xFFFFC000  }
0x1a1: {  	[tilespmem:s14], [sflag:$0x2] =	stream.indirect.gather [hbm4b:s4+s11], $0x80, s7, s11, $0xb8;
	[tilespmem:$0x1D800] =	vst v63  }
0x1a2: {  	s8 =	rddreg [dreg:$0x10]  }
0x1a3: {  	[spmem:s2] =	stream.indirect.scatter.add.f32 [tilespmem:s12], [sflag:$0x3], $0x80, s8, s11, $0xb8;
	[tilespmem:$0x1D800] =	vst v63  }
0x1a4: {  	_ =	swait.ge [sflag:s9], $0x4000  }
0x1a5: {  	[sflag:s9] =	ssyncset.done $0x0  }
0x1a6: {  	[sflag:s9] =	ssyncadd.s32 $0xFFFFC000  }
0x1a7: {  	_ =	swait.ge [sflag:s15], $0x4000  }
0x1a8: {  	[sflag:s15] =	ssyncset.done $0x0  }
0x1a9: {  	[sflag:s15] =	ssyncadd.s32 $0xFFFFC000  }
0x1aa: {  	[tilespmem:s12], [sflag:$0x1] =	stream.indirect.gather [hbm4b:s4+s11], $0x80, s16, s11, $0xb8;
	[tilespmem:$0x1D800] =	vst v63  }
0x1ab: {  	_ = 	snop  }
0x1ac: {  	[spmem:s2] =	stream.indirect.scatter.add.f32 [tilespmem:s14], [sflag:$0x3], $0x80, s17, s11, $0xb8;
	[tilespmem:$0x1D800] =	vst v63  }
0x1ad: {  	_ =	swait.ge [sflag:s9], $0x4000  }
0x1ae: {  	[sflag:s9] =	ssyncset.done $0x0  }
0x1af: {  	[sflag:s9] =	ssyncadd.s32 $0xFFFFC000  }
0x1b0: {  	_ =	swait.ge [sflag:s13], $0x4000  }
0x1b1: {  	[sflag:s13] =	ssyncset.done $0x0  }
0x1b2: {  	[sflag:s13] =	ssyncadd.s32 $0xFFFFC000  }
0x1b3: {  	[tilespmem:s14], [sflag:$0x2] =	stream.indirect.gather [hbm4b:s4+s11], $0x80, s18, s11, $0xb8;
	[tilespmem:$0x1D800] =	vst v63  }
0x1b4: {  	_ = 	snop  }
0x1b5: {  	[spmem:s2] =	stream.indirect.scatter.add.f32 [tilespmem:s12], [sflag:$0x3], $0x80, s19, s11, $0xb8;
	[tilespmem:$0x1D800] =	vst v63  }
0x1b6: {  	_ =	swait.ge [sflag:s9], $0x4000  }
0x1b7: {  	[sflag:s9] =	ssyncset.done $0x0  }
0x1b8: {  	[sflag:s9] =	ssyncadd.s32 $0xFFFFC000  }
0x1b9: {  	_ =	swait.ge [sflag:s15], $0x4000  }
0x1ba: {  	[sflag:s15] =	ssyncset.done $0x0  }
0x1bb: {  	[sflag:s15] =	ssyncadd.s32 $0xFFFFC000  }
0x1bc: {  	[tilespmem:s12], [sflag:$0x1] =	stream.indirect.gather [hbm4b:s4+s11], $0x80, s20, s11, $0xb8;
	[tilespmem:$0x1D800] =	vst v63  }
0x1bd: {  	_ = 	snop  }
0x1be: {  	[spmem:s2] =	stream.indirect.scatter.add.f32 [tilespmem:s14], [sflag:$0x3], $0x80, s21, s11, $0xb8;
	[tilespmem:$0x1D800] =	vst v63  }
0x1bf: {  	_ =	swait.ge [sflag:s9], $0x4000  }
0x1c0: {  	[sflag:s9] =	ssyncset.done $0x0  }
0x1c1: {  	[sflag:s9] =	ssyncadd.s32 $0xFFFFC000  }
0x1c2: {  	_ =	swait.ge [sflag:s13], $0x4000  }
0x1c3: {  	[sflag:s13] =	ssyncset.done $0x0  }
0x1c4: {  	[sflag:s13] =	ssyncadd.s32 $0xFFFFC000  }
0x1c5: {  	[tilespmem:s14], [sflag:$0x2] =	stream.indirect.gather [hbm4b:s4+s11], $0x80, s22, s11, $0xb8;
	[tilespmem:$0x1D800] =	vst v63  }
0x1c6: {  	_ = 	snop  }
0x1c7: {  	[spmem:s2] =	stream.indirect.scatter.add.f32 [tilespmem:s12], [sflag:$0x3], $0x80, s23, s11, $0xb8;
	[tilespmem:$0x1D800] =	vst v63  }
0x1c8: {  	_ =	swait.ge [sflag:s9], $0x4000  }
0x1c9: {  	[sflag:s9] =	ssyncset.done $0x0  }
0x1ca: {  	[sflag:s9] =	ssyncadd.s32 $0xFFFFC000  }
0x1cb: {  	_ =	swait.ge [sflag:s15], $0x4000  }
0x1cc: {  	[sflag:s15] =	ssyncset.done $0x0  }
0x1cd: {  	[sflag:s15] =	ssyncadd.s32 $0xFFFFC000  }
0x1ce: {  	[tilespmem:s12], [sflag:$0x1] =	stream.indirect.gather [hbm4b:s4+s11], $0x80, s24, s11, $0xb8;
	[tilespmem:$0x1D800] =	vst v63  }
0x1cf: {  	_ = 	snop  }
0x1d0: {  	[spmem:s2] =	stream.indirect.scatter.add.f32 [tilespmem:s14], [sflag:$0x3], $0x80, s25, s11, $0xb8;
	[tilespmem:$0x1D800] =	vst v63  }
0x1d1: {  	_ =	swait.ge [sflag:s9], $0x4000  }
0x1d2: {  	[sflag:s9] =	ssyncset.done $0x0  }
0x1d3: {  	[sflag:s9] =	ssyncadd.s32 $0xFFFFC000  }
0x1d4: {  	_ =	swait.ge [sflag:s13], $0x4000  }
0x1d5: {  	[sflag:s13] =	ssyncset.done $0x0  }
0x1d6: {  	[sflag:s13] =	ssyncadd.s32 $0xFFFFC000  }
0x1d7: {  	[tilespmem:s14], [sflag:$0x2] =	stream.indirect.gather [hbm4b:s4+s11], $0x80, s26, s11, $0xb8;
	[tilespmem:$0x1D800] =	vst v63  }
0x1d8: {  	_ = 	snop  }
0x1d9: {  	[spmem:s2] =	stream.indirect.scatter.add.f32 [tilespmem:s12], [sflag:$0x3], $0x80, s28, s11, $0xb8;
	[tilespmem:$0x1D800] =	vst v63  }
0x1da: {  	_ =	swait.ge [sflag:s9], $0x4000  }
0x1db: {  	[sflag:s9] =	ssyncset.done $0x0  }
0x1dc: {  	[sflag:s9] =	ssyncadd.s32 $0xFFFFC000  }
0x1dd: {  	_ =	swait.ge [sflag:s15], $0x4000  }
0x1de: {  	[sflag:s15] =	ssyncset.done $0x0  }
0x1df: {  	[sflag:s15] =	ssyncadd.s32 $0xFFFFC000  }
0x1e0: {  	[tilespmem:s12], [sflag:$0x1] =	stream.indirect.gather [hbm4b:s4+s11], $0x80, s29, s11, $0xb8;
	[tilespmem:$0x1D800] =	vst v63  }
0x1e1: {  	_ = 	snop  }
0x1e2: {  	[spmem:s2] =	stream.indirect.scatter.add.f32 [tilespmem:s14], [sflag:$0x3], $0x80, s30, s11, $0xb8;
	[tilespmem:$0x1D800] =	vst v63  }
0x1e3: {  	_ =	swait.ge [sflag:s9], $0x4000  }
0x1e4: {  	[sflag:s9] =	ssyncset.done $0x0  }
0x1e5: {  	[sflag:s9] =	ssyncadd.s32 $0xFFFFC000  }
0x1e6: {  	_ =	swait.ge [sflag:s13], $0x4000  }
0x1e7: {  	[sflag:s13] =	ssyncset.done $0x0  }
0x1e8: {  	[sflag:s13] =	ssyncadd.s32 $0xFFFFC000  }
0x1e9: {  	[tilespmem:s14], [sflag:$0x2] =	stream.indirect.gather [hbm4b:s4+s11], $0x80, s31, s11, $0xb8;
	[tilespmem:$0x1D800] =	vst v63  }
0x1ea: {  	_ = 	snop  }
0x1eb: {  	[spmem:s2] =	stream.indirect.scatter.add.f32 [tilespmem:s12], [sflag:$0x3], $0x80, s1, s11, $0xb8;
	[tilespmem:$0x1D800] =	vst v63  }
0x1ec: {  	_ =	swait.ge [sflag:s9], $0x4000  }
0x1ed: {  	[sflag:s9] =	ssyncset.done $0x0  }
0x1ee: {  	[sflag:s9] =	ssyncadd.s32 $0xFFFFC000  }
0x1ef: {  	_ =	swait.ge [sflag:s15], $0x4000  }
0x1f0: {  	[sflag:s15] =	ssyncset.done $0x0  }
0x1f1: {  	[sflag:s15] =	ssyncadd.s32 $0xFFFFC000  }
0x1f2: {  	[spmem:s2] =	stream.indirect.scatter.add.f32 [tilespmem:s14], [sflag:$0x3], $0x80, s0, s11, $0xb8;
	[tilespmem:$0x1D800] =	vst v63  }
0x1f3: {  	_ =	swait.ge [sflag:s9], $0x4000  }
0x1f4: {  	[sflag:s9] =	ssyncset.done $0x0  }
0x1f5: {  	s7 =	stileid.u32;
	[sflag:s9] =	ssyncadd.s32 $0xFFFFC000  }
0x1f6: {  	s6 =	sshll.u32 s7, $0x6;
	[bflag:$0x0] =	sbarrier.arrive $0xFFFF  }
0x1f7: {  	s6 =	sor.u32 $0x1C03, s6;
	s8 =	sshrl.u32 s5, $0x3;
	s16 =	rddreg [dreg:$0x11]  }
0x1f8: {  	[hbm:s16], [sflag:s6] =	dma.local [spmem:s8], $0x2800  }
0x1f9: {  	_ =	swait.ge [sflag:s9], $0x2800  }
0x1fa: {  	s8 =	rddreg [dreg:$0x13]  }
0x1fb: {  	s16 =	rddreg [dreg:$0x12];
	s7 =	sadd.s32 $0x1, s8  }
0x1fc: {  	p0 =	sne.s32 s7, s16  }
.Ltmp3:
0x1fd: {  	_ = 	snop;
	(pc) =	sbr.rel @p0 .LBB2_1-.Ltmp3, $3  }
0x1fe: {  	_ =	sdelay $0x1  }
0x1ff: {  	[sflag:s9] =	ssyncset.done $0x0  }
0x200: {  	[sflag:s9] =	ssyncadd.s32 $0xFFFFD800  }
0x201: {  	_ =	sfence.sel $0x180000  }
0x202: {  	[bflag:$0x0] =	sbarrier.arrive $0xFFFF  }
0x203: {  	_ =	strace $0x9000004D  }
0x204: {  	s0 =	stileid.u32;
	[bflag:$0x2] =	sbarrier.arrive $0xFFFF  }
0x205: {  	p0 =	sne.s32 s0, $0x0;
	s0 =	rddreg [dreg:$0x2]  }
0x206: {  	s0 =	sadd.s32 @!p0 $0x100000, s0  }
0x207: {  	[sflag:s0] =	ssyncadd.tile.s32 @!p0 $0x1;
	_ =	shalt  }
.Lfunc_end2:
_tile_overlayer_lowered:
.L_overlay_start_2:
0x208: {  	(tag) =	ssettag $0x2  }
0x209: {  	s0 =	rddreg [dreg:$0x0];
	s2 =	stileid.u32  }
0x20a: {  	s1 =	rddreg [dreg:$0x1];
	p0 =	sne.s32 s2, $0x0  }
0x20b: {  	s3 =	rddreg [dreg:$0x2];
	[bflag:$0x3] =	sbarrier.arrive $0xFFFF;
	s2 =	simm.s32 @!p0 $0x1C03  }
0x20c: {  	[timem:s3], [sflag:s2] =	dma.local @!p0 [hbm:s0], s1  }
0x20d: {  	s0 =	simm.s32 @!p0 $0x3  }
0x20e: {  	_ =	swait.ge @!p0 [sflag:s0], s1  }
0x20f: {  	s1 =	ssub.s32 @!p0 $0x0, s1;
	[sflag:s0] =	ssyncset.done @!p0 $0x0  }
0x210: {  	[sflag:s0] =	ssyncadd.s32 @!p0 s1  }
0x211: {  	[bflag:$0x3] =	sbarrier.arrive $0xFFFF  }
0x212: {  	_ =	shalt  }

</sc_bundles>
